<compile_context>
chip_gen: v7x
topology: tpu7x:2x2x1
jax: 0.10.2.dev20260603
libtpu: 0.0.44.dev20260713+nightly
codegen_flags: <defaults>
</compile_context>

<pallas_src>
import functools
import math

import jax
import jax.numpy as jnp
from jax import lax
from jax.experimental import pallas as pl
from jax.experimental.pallas import tpu as pltpu
from jax.experimental.pallas import tpu_sc as plsc

N = 10000
D = 256
DT = 100
DE = 16
B = 4096
NN = 16
NE = 160000
H = 2
QD = D + DT
KD = D + DT + DE
DH = QD // H

BLK = 256


def _make_sc_gather(nb):
  info = plsc.get_sparse_core_info()
  nc, ns = info.num_cores, info.num_subcores
  nw = nc * ns
  ngh_per_w = (nb * NN) // nw
  ngh_chunk = 128
  n_chunks = ngh_per_w // ngh_chunk
  src_per_w = nb // nw
  ef_per_w = (nb * NN) // nw

  mesh = plsc.VectorSubcoreMesh(core_axis_name="c", subcore_axis_name="s")

  @functools.partial(
      pl.kernel,
      mesh=mesh,
      compiler_params=pltpu.CompilerParams(use_tc_tiling_on_sc=False),
      out_type=[
          jax.ShapeDtypeStruct((nb * NN, D), jnp.float32),
          jax.ShapeDtypeStruct((nb, D), jnp.float32),
          jax.ShapeDtypeStruct((nb * NN, DE), jnp.float32),
      ],
      scratch_types=[
          pltpu.VMEM((ngh_chunk,), jnp.int32),
          pltpu.VMEM((ngh_chunk, D), jnp.float32),
          pltpu.VMEM((src_per_w,), jnp.int32),
          pltpu.VMEM((ef_per_w,), jnp.int32),
          pltpu.VMEM((ef_per_w, DE), jnp.float32),
          pltpu.SemaphoreType.DMA,
      ],
  )
  def sc_gather(mem_hbm, nbr_hbm, sidx_hbm, eidx_hbm, ef_hbm,
                ngh_out, src_out, ef_out,
                idx_v, rows_v, sidx_v, eidx_v, efrows_v, sem):
    wid = lax.axis_index("s") * nc + lax.axis_index("c")

    ebase = wid * ef_per_w
    pltpu.sync_copy(eidx_hbm.at[pl.ds(ebase, ef_per_w)], eidx_v)
    pltpu.async_copy(ef_hbm.at[eidx_v], efrows_v, sem).wait()
    pltpu.sync_copy(efrows_v, ef_out.at[pl.ds(ebase, ef_per_w)])

    sbase = wid * src_per_w
    pltpu.sync_copy(sidx_hbm.at[pl.ds(sbase, src_per_w)], sidx_v)
    pltpu.async_copy(mem_hbm.at[sidx_v], rows_v.at[pl.ds(0, src_per_w)],
                     sem).wait()
    pltpu.sync_copy(rows_v.at[pl.ds(0, src_per_w)],
                    src_out.at[pl.ds(sbase, src_per_w)])

    for j in range(n_chunks):
      base = wid * ngh_per_w + j * ngh_chunk
      pltpu.sync_copy(nbr_hbm.at[pl.ds(base, ngh_chunk)], idx_v)
      pltpu.async_copy(mem_hbm.at[idx_v], rows_v, sem).wait()
      pltpu.sync_copy(rows_v, ngh_out.at[pl.ds(base, ngh_chunk)])

  return sc_gather


DTP = 128


def _tc_body(src_ref, ngh_ref, ef_ref, nbr_ref, dt_ref,
             bm0_ref, bm1_ref, bt0_ref, bt1_ref, be0_ref, be1_ref,
             cm0_ref, cm1_ref, ct0_ref, ct1_ref, ce0_ref, ce1_ref,
             vm0_ref, vm1_ref, vt0_ref, vt1_ref, ve0_ref, ve1_ref,
             fc1a_ref, fc1b_ref, fc1bias_ref, fc2_ref, fc2bias_ref,
             twt_ref, tbt_ref, segt_t_ref, segt_ref, sege_ref, sege_t_ref,
             tile_e_ref, red_e_ref, segm_ref, segm_t_ref, out_ref):
  f32 = jnp.float32
  src = src_ref[...]

  def mm(a, b):
    return jax.lax.dot(a, b, preferred_element_type=f32)

  ngh2 = ngh_ref[...]
  ef2 = ef_ref[...]
  dt2 = dt_ref[...]
  m2 = nbr_ref[...] == 0
  segt_t = segt_t_ref[...]
  segt = segt_ref[...]
  sege = sege_ref[...]
  sege_t = sege_t_ref[...]
  tile_e = tile_e_ref[...]
  red_e = red_e_ref[...]
  segm = segm_ref[...]
  segm_t = segm_t_ref[...]

  def chunk_sum(x, width):
    parts = [x[:, n * width:(n + 1) * width] for n in range(NN)]
    while len(parts) > 1:
      parts = [parts[i] + parts[i + 1] for i in range(0, len(parts), 2)]
    return parts[0]

  dt_rep = jax.lax.dot(dt2, segt_t, preferred_element_type=f32,
                       precision=jax.lax.Precision.HIGHEST)
  et2 = jnp.cos(dt_rep * twt_ref[...] + tbt_ref[...])

  um0 = mm(src, bm0_ref[...]) + cm0_ref[...]
  um1 = mm(src, bm1_ref[...]) + cm1_ref[...]
  ut0 = mm(src, bt0_ref[...]) + ct0_ref[...]
  ut1 = mm(src, bt1_ref[...]) + ct1_ref[...]
  ue0 = mm(src, be0_ref[...]) + ce0_ref[...]
  ue1 = mm(src, be1_ref[...]) + ce1_ref[...]

  neg = jnp.float32(-1e10)
  zpad = jnp.zeros((BLK, DTP - DT), f32)

  def attn_weights(um, ut, ue):
    um_rep = jnp.concatenate([um] * NN, axis=1)
    sm = mm(ngh2 * um_rep, segm)
    utp = jnp.concatenate([ut, zpad], axis=1)
    ut_rep = jnp.concatenate([utp] * NN, axis=1)
    st = mm(et2 * ut_rep, segt)
    ue_rep = mm(ue, tile_e)
    se = mm(ef2 * ue_rep, sege)
    s = jnp.where(m2, neg, sm + st + se)
    mx = jnp.max(s, axis=1, keepdims=True)
    e = jnp.exp(s - mx)
    return e * (1.0 / jnp.sum(e, axis=1, keepdims=True))

  w0 = attn_weights(um0, ut0, ue0)
  w1 = attn_weights(um1, ut1, ue1)

  def accumulate(w):
    wm_rep = mm(w, segm_t)
    accm = chunk_sum(ngh2 * wm_rep, D)
    wt_rep = mm(w, segt_t)
    acct = chunk_sum(et2 * wt_rep, DTP)[:, :DT]
    we_rep = mm(w, sege_t)
    acce = mm(ef2 * we_rep, red_e)
    return accm, acct, acce

  accm0, acct0, acce0 = accumulate(w0)
  accm1, acct1, acce1 = accumulate(w1)

  attn_out = (mm(accm0, vm0_ref[...]) + mm(accm1, vm1_ref[...]) +
              mm(acct0, vt0_ref[...]) + mm(acct1, vt1_ref[...]) +
              mm(acce0, ve0_ref[...]) + mm(acce1, ve1_ref[...]))

  all_masked = (jnp.sum(m2.astype(f32), axis=1, keepdims=True)
                == jnp.float32(NN))
  attn_out = jnp.where(all_masked, 0.0, attn_out)

  h1 = mm(attn_out, fc1a_ref[...]) + mm(src, fc1b_ref[...]) + fc1bias_ref[...]
  h1 = jnp.maximum(h1, 0.0)
  out_ref[...] = mm(h1, fc2_ref[...]) + fc2bias_ref[...]


def _tc_call(src_g, ngh_fl, ef2, nbr2, dt2, weights):
  f32 = jnp.float32
  nb = src_g.shape[0]
  grid = (nb // BLK,)
  bconst2 = lambda r, c: pl.BlockSpec((r, c), lambda i: (0, 0))

  in_specs = [
      pl.BlockSpec((BLK, D), lambda i: (i, 0)),
      pl.BlockSpec((BLK, NN * D), lambda i: (i, 0)),
      pl.BlockSpec((BLK, NN * DE), lambda i: (i, 0)),
      pl.BlockSpec((BLK, NN), lambda i: (i, 0)),
      pl.BlockSpec((BLK, NN), lambda i: (i, 0)),
      bconst2(D, D), bconst2(D, D),
      bconst2(D, DT), bconst2(D, DT),
      bconst2(D, DE), bconst2(D, DE),
      bconst2(1, D), bconst2(1, D),
      bconst2(1, DT), bconst2(1, DT),
      bconst2(1, DE), bconst2(1, DE),
      bconst2(D, QD), bconst2(D, QD),
      bconst2(DT, QD), bconst2(DT, QD),
      bconst2(DE, QD), bconst2(DE, QD),
      bconst2(QD, D), bconst2(D, D), bconst2(1, D),
      bconst2(D, D), bconst2(1, D),
      bconst2(1, NN * DTP), bconst2(1, NN * DTP),
      bconst2(NN, NN * DTP),
      bconst2(NN * DTP, NN),
      bconst2(NN * DE, NN),
      bconst2(NN, NN * DE),
      bconst2(DE, NN * DE),
      bconst2(NN * DE, DE),
      bconst2(NN * D, NN),
      bconst2(NN, NN * D),
  ]
  return pl.pallas_call(
      _tc_body,
      grid=grid,
      in_specs=in_specs,
      out_specs=pl.BlockSpec((BLK, D), lambda i: (i, 0)),
      out_shape=jax.ShapeDtypeStruct((nb, D), f32),
  )(src_g, ngh_fl, ef2, nbr2, dt2, *weights)


def kernel(memory, source_nodes, neighbors, edge_idxs, edge_deltas,
           edge_features, time_w, time_b, Wq, Wk, Wv, Wo,
           fc1_w, fc1_b, fc2_w, fc2_b):
  f32 = jnp.float32

  nbr_flat = neighbors.reshape(-1).astype(jnp.int32)
  eidx_flat = edge_idxs.reshape(-1).astype(jnp.int32)
  sidx = source_nodes.astype(jnp.int32)
  hb_ = B // 2
  hf = hb_ * NN
  sc = _make_sc_gather(hb_)
  ngh_a, src_a, ef_a = sc(memory, nbr_flat[:hf], sidx[:hb_],
                          eidx_flat[:hf], edge_features)
  ngh_b, src_b, ef_b = sc(memory, nbr_flat[hf:], sidx[hb_:],
                          eidx_flat[hf:], edge_features)

  scale = 1.0 / math.sqrt(DH)
  st = jnp.cos(time_b)
  qc = st @ Wq[D:, :]
  ws = []
  for h in range(H):
    hb = slice(h * DH, (h + 1) * DH)
    bfull = (Wq[:D, hb] @ Wk[:, hb].T) * scale
    cu = ((qc[hb] @ Wk[:, hb].T) * scale)[None, :]
    vw = Wv[:, hb] @ Wo[hb, :]
    ws.append((bfull, cu, vw))
  (b0, c0, v0), (b1, c1, v1) = ws
  weights = [
      b0[:, :D], b1[:, :D], b0[:, D:D + DT], b1[:, D:D + DT],
      b0[:, D + DT:], b1[:, D + DT:],
      c0[:, :D], c1[:, :D], c0[:, D:D + DT], c1[:, D:D + DT],
      c0[:, D + DT:], c1[:, D + DT:],
      v0[:D], v1[:D], v0[D:D + DT], v1[D:D + DT], v0[D + DT:], v1[D + DT:],
      fc1_w[:QD], fc1_w[QD:], fc1_b[None, :],
      fc2_w, fc2_b[None, :],
  ]

  lane = jnp.arange(NN * DTP)
  nidx = jnp.arange(NN)
  twp = jnp.concatenate([time_w, jnp.zeros((DTP - DT,), f32)])
  tbp = jnp.concatenate([time_b, jnp.zeros((DTP - DT,), f32)])
  twt = jnp.tile(twp, NN)[None, :]
  tbt = jnp.tile(tbp, NN)[None, :]
  segt = (lane[:, None] // DTP == nidx[None, :]).astype(f32)
  segt_t = segt.T
  lane_e = jnp.arange(NN * DE)
  sege = (lane_e[:, None] // DE == nidx[None, :]).astype(f32)
  sege_t = sege.T
  eye_e = jnp.eye(DE, dtype=f32)
  tile_e = jnp.tile(eye_e, (1, NN))
  red_e = jnp.tile(eye_e, (NN, 1))
  lane_m = jnp.arange(NN * D)
  segm = (lane_m[:, None] // D == nidx[None, :]).astype(f32)
  segm_t = segm.T
  weights += [twt, tbt, segt_t, segt, sege, sege_t, tile_e, red_e,
              segm, segm_t]
  weights = [w.astype(f32) for w in weights]

  nbr2 = neighbors.astype(jnp.int32)
  dt2 = edge_deltas.astype(f32)
  out_a = _tc_call(src_a, ngh_a.reshape(hb_, NN * D),
                   ef_a.reshape(hb_, NN * DE), nbr2[:hb_], dt2[:hb_], weights)
  out_b = _tc_call(src_b, ngh_b.reshape(hb_, NN * D),
                   ef_b.reshape(hb_, NN * DE), nbr2[hb_:], dt2[hb_:], weights)
  return jnp.concatenate([out_a, out_b], axis=0)

# --- scband reference (transcript-rebuilt; emitter-appended) ---
"""Pipeline reference for scband-graph-embedding-3934190043746 (READ-ONLY COPY).

The authoritative reference and input builder live on the scoring server;
editing this copy changes nothing except your own understanding.
"""

import jax, jax.numpy as jnp
import numpy as np

N = 10000      # num nodes in memory
D = 256        # embedding_dimension == n_node_features
DT = 100       # n_time_features
DE = 16        # n_edge_features
B = 4096       # batch of source nodes
NN = 16        # n_neighbors sampled per source
NE = 160000    # total temporal edges
H = 2          # n_heads
QD = D + DT    # query dim (source emb || time emb)
KD = D + DT + DE  # key dim (neighbor emb || edge time emb || edge feat)
DH = QD // H


def time_encode(t, w, b):
    # TGN harmonic time encoder: cos(t * w + b), t broadcast to [..., DT]
    return jnp.cos(t[..., None] * w + b)


def setup_inputs(seed: int = 0) -> dict:
    key = jax.random.key(seed)
    ks = jax.random.split(key, 16)
    s = 0.05
    inp = {}
    inp["memory"] = jax.random.normal(ks[0], (N, D), dtype=jnp.float32)
    inp["source_nodes"] = jax.random.randint(ks[1], (B,), 0, N)
    inp["neighbors"] = jax.random.randint(ks[2], (B, NN), 0, N)
    inp["edge_idxs"] = jax.random.randint(ks[3], (B, NN), 0, NE)
    inp["edge_deltas"] = jax.random.uniform(ks[4], (B, NN), dtype=jnp.float32) * 100.0
    # learned parameters
    inp["edge_features"] = jax.random.normal(ks[5], (NE, DE), dtype=jnp.float32) * 0.1
    inp["time_w"] = jax.random.normal(ks[6], (DT,), dtype=jnp.float32)
    inp["time_b"] = jax.random.normal(ks[7], (DT,), dtype=jnp.float32)
    inp["Wq"] = jax.random.normal(ks[8], (QD, QD), dtype=jnp.float32) * s
    inp["Wk"] = jax.random.normal(ks[9], (KD, QD), dtype=jnp.float32) * s
    inp["Wv"] = jax.random.normal(ks[10], (KD, QD), dtype=jnp.float32) * s
    inp["Wo"] = jax.random.normal(ks[11], (QD, QD), dtype=jnp.float32) * s
    inp["fc1_w"] = jax.random.normal(ks[12], (QD + D, D), dtype=jnp.float32) * s
    inp["fc1_b"] = jnp.zeros((D,), dtype=jnp.float32)
    inp["fc2_w"] = jax.random.normal(ks[13], (D, D), dtype=jnp.float32) * s
    inp["fc2_b"] = jnp.zeros((D,), dtype=jnp.float32)
    return inp


def reference(memory, source_nodes, neighbors, edge_idxs, edge_deltas,
              edge_features, time_w, time_b, Wq, Wk, Wv, Wo,
              fc1_w, fc1_b, fc2_w, fc2_b):
    # --- compute_embedding (n_layers=1), aggregate = temporal attention ---
    # gathers (SparseCore-friendly)
    src = jnp.take(memory, source_nodes, axis=0)            # [B, D]
    ngh = jnp.take(memory, neighbors.reshape(-1), axis=0)   # [B*NN, D]
    ngh = ngh.reshape(B, NN, D)
    efeat = jnp.take(edge_features, edge_idxs.reshape(-1), axis=0).reshape(B, NN, DE)
    # time encodings
    src_time = time_encode(jnp.zeros((B,), dtype=jnp.float32), time_w, time_b)  # [B, DT]
    edge_time = time_encode(edge_deltas, time_w, time_b)                        # [B, NN, DT]
    # build query/key
    q_in = jnp.concatenate([src, src_time], axis=-1)             # [B, QD]
    k_in = jnp.concatenate([ngh, edge_time, efeat], axis=-1)     # [B, NN, KD]
    q = (q_in @ Wq).reshape(B, H, DH)
    k = (k_in @ Wk).reshape(B, NN, H, DH)
    v = (k_in @ Wv).reshape(B, NN, H, DH)
    scores = jnp.einsum('bhd,bnhd->bhn', q, k) / jnp.sqrt(jnp.float32(DH))
    mask = (neighbors == 0)                                      # [B, NN] padding mask
    scores = jnp.where(mask[:, None, :], -1e10, scores)
    attn = jax.nn.softmax(scores, axis=-1)
    out = jnp.einsum('bhn,bnhd->bhd', attn, v).reshape(B, QD)
    out = out @ Wo
    all_masked = jnp.all(mask, axis=-1)                          # TGN zeroes fully-masked rows
    out = jnp.where(all_masked[:, None], 0.0, out)
    # merger MLP: fc2(relu(fc1([attn_out || source_features])))
    h = jnp.concatenate([out, src], axis=-1)                     # [B, QD + D]
    h = jax.nn.relu(h @ fc1_w + fc1_b)
    return h @ fc2_w + fc2_b                                     # [B, D]

if __name__ == "__main__":
    import jax
    _d = setup_inputs()
    print(jax.jit(kernel)(*tuple(_d.values())))

</pallas_src>

<mosaic_0001>
#map = affine_map<(d0, d1) -> (0, 0)>
#map1 = affine_map<(d0, d1) -> (0)>
module attributes {stable_mosaic.version = 14 : i64} {
  func.func @sc_gather(%arg0: i32, %arg1: i32, %arg2: memref<10000x256xf32, #tpu.memory_space<hbm>>, %arg3: memref<32768xi32, #tpu.memory_space<hbm>>, %arg4: memref<2048xi32, #tpu.memory_space<hbm>>, %arg5: memref<32768xi32, #tpu.memory_space<hbm>>, %arg6: memref<160000x16xf32, #tpu.memory_space<hbm>>, %arg7: memref<32768x256xf32, #tpu.memory_space<hbm>>, %arg8: memref<2048x256xf32, #tpu.memory_space<hbm>>, %arg9: memref<32768x16xf32, #tpu.memory_space<hbm>>, %arg10: memref<128xi32, #tpu.memory_space<vmem>>, %arg11: memref<128x256xf32, #tpu.memory_space<vmem>>, %arg12: memref<64xi32, #tpu.memory_space<vmem>>, %arg13: memref<1024xi32, #tpu.memory_space<vmem>>, %arg14: memref<1024x16xf32, #tpu.memory_space<vmem>>, %arg15: memref<!tpu.dma_semaphore, #tpu.memory_space<semaphore_mem>>) attributes {dimension_semantics = [#tpu.dimension_semantics<core_parallel>, #tpu.dimension_semantics<subcore_parallel>], iteration_bounds = array<i64: 2, 16>, scalar_prefetch = 0 : i64, scratch_operands = 6 : i64, tpu.core_type = #tpu.core_type<sc_vector_subcore>, window_params = [{transform_indices = #map}, {transform_indices = #map1}, {transform_indices = #map1}, {transform_indices = #map1}, {transform_indices = #map}, {transform_indices = #map}, {transform_indices = #map}, {transform_indices = #map}]} {
    %mul3A = arith.constant 2 : i32
    %mul3A_0 = arith.muli %arg1, %mul3A : i32
    %add3A = arith.addi %mul3A_0, %arg0 : i32
    %mul3A_1 = arith.constant 1024 : i32
    %mul3A_2 = arith.muli %add3A, %mul3A_1 : i32
    "tpu.region"() ({
      %run_scoped3A = tpu.sem_alloc : memref<!tpu.dma_semaphore, #tpu.memory_space<semaphore_mem>>
      %dma_start3A_101 = tpu.memref_slice %arg5[%mul3A_2] : memref<32768xi32, #tpu.memory_space<hbm>> -> memref<1024xi32, #tpu.memory_space<hbm>>
      %dma_start3A_102 = tpu.memref_slice %arg5[%mul3A_2] : memref<32768xi32, #tpu.memory_space<hbm>> -> memref<1024xi32, #tpu.memory_space<hbm>>
      tpu.enqueue_dma source(%dma_start3A_102 : memref<1024xi32, #tpu.memory_space<hbm>>) target(%arg13 : memref<1024xi32, #tpu.memory_space<vmem>>) target_semaphore(%run_scoped3A : memref<!tpu.dma_semaphore, #tpu.memory_space<semaphore_mem>>)
      %dma_wait3A_103 = tpu.memref_slice %arg5[%mul3A_2] : memref<32768xi32, #tpu.memory_space<hbm>> -> memref<1024xi32, #tpu.memory_space<hbm>>
      %dma_wait3A_104 = tpu.memref_slice %arg5[%mul3A_2] : memref<32768xi32, #tpu.memory_space<hbm>> -> memref<1024xi32, #tpu.memory_space<hbm>>
      tpu.wait_dma2 semaphore(%run_scoped3A : memref<!tpu.dma_semaphore, #tpu.memory_space<semaphore_mem>>) src(%dma_wait3A_104 : memref<1024xi32, #tpu.memory_space<hbm>>) dst(%arg13 : memref<1024xi32, #tpu.memory_space<vmem>>)
      tpu.yield
    }) : () -> ()
    %dma_start3A = arith.constant 0 : i32
    %dma_start3A_3 = arith.constant 0 : i32
    %dma_start3A_4 = tpu.memref_slice %arg6[%dma_start3A, %dma_start3A_3] : memref<160000x16xf32, #tpu.memory_space<hbm>> -> memref<160000x16xf32, #tpu.memory_space<hbm>>
    tpu.enqueue_indirect_dma source(%dma_start3A_4 : memref<160000x16xf32, #tpu.memory_space<hbm>>) target(%arg14 : memref<1024x16xf32, #tpu.memory_space<vmem>>) offsets(%arg13 : memref<1024xi32, #tpu.memory_space<vmem>>) semaphore(%arg15 : memref<!tpu.dma_semaphore, #tpu.memory_space<semaphore_mem>>)
    %dma_wait3A = arith.constant 0 : i32
    %dma_wait3A_5 = arith.constant 0 : i32
    %dma_wait3A_6 = tpu.memref_slice %arg6[%dma_wait3A, %dma_wait3A_5] : memref<160000x16xf32, #tpu.memory_space<hbm>> -> memref<160000x16xf32, #tpu.memory_space<hbm>>
    tpu.wait_indirect_dma semaphore(%arg15 : memref<!tpu.dma_semaphore, #tpu.memory_space<semaphore_mem>>) src(%dma_wait3A_6 : memref<160000x16xf32, #tpu.memory_space<hbm>>) dst(%arg14 : memref<1024x16xf32, #tpu.memory_space<vmem>>)
    "tpu.region"() ({
      %run_scoped3A = tpu.sem_alloc : memref<!tpu.dma_semaphore, #tpu.memory_space<semaphore_mem>>
      %dma_start3A_101 = arith.constant 0 : i32
      %dma_start3A_102 = tpu.memref_slice %arg9[%mul3A_2, %dma_start3A_101] : memref<32768x16xf32, #tpu.memory_space<hbm>> -> memref<1024x16xf32, #tpu.memory_space<hbm>>
      %dma_start3A_103 = arith.constant 0 : i32
      %dma_start3A_104 = tpu.memref_slice %arg9[%mul3A_2, %dma_start3A_103] : memref<32768x16xf32, #tpu.memory_space<hbm>> -> memref<1024x16xf32, #tpu.memory_space<hbm>>
      tpu.enqueue_dma source(%arg14 : memref<1024x16xf32, #tpu.memory_space<vmem>>) target(%dma_start3A_104 : memref<1024x16xf32, #tpu.memory_space<hbm>>) target_semaphore(%run_scoped3A : memref<!tpu.dma_semaphore, #tpu.memory_space<semaphore_mem>>)
      %dma_wait3A_105 = arith.constant 0 : i32
      %dma_wait3A_106 = tpu.memref_slice %arg9[%mul3A_2, %dma_wait3A_105] : memref<32768x16xf32, #tpu.memory_space<hbm>> -> memref<1024x16xf32, #tpu.memory_space<hbm>>
      %dma_wait3A_107 = arith.constant 0 : i32
      %dma_wait3A_108 = tpu.memref_slice %arg9[%mul3A_2, %dma_wait3A_107] : memref<32768x16xf32, #tpu.memory_space<hbm>> -> memref<1024x16xf32, #tpu.memory_space<hbm>>
      tpu.wait_dma2 semaphore(%run_scoped3A : memref<!tpu.dma_semaphore, #tpu.memory_space<semaphore_mem>>) src(%arg14 : memref<1024x16xf32, #tpu.memory_space<vmem>>) dst(%dma_wait3A_108 : memref<1024x16xf32, #tpu.memory_space<hbm>>)
      tpu.yield
    }) : () -> ()
    %mul3A_7 = arith.constant 64 : i32
    %mul3A_8 = arith.muli %add3A, %mul3A_7 : i32
    "tpu.region"() ({
      %run_scoped3A = tpu.sem_alloc : memref<!tpu.dma_semaphore, #tpu.memory_space<semaphore_mem>>
      %dma_start3A_101 = tpu.memref_slice %arg4[%mul3A_8] : memref<2048xi32, #tpu.memory_space<hbm>> -> memref<64xi32, #tpu.memory_space<hbm>>
      %dma_start3A_102 = tpu.memref_slice %arg4[%mul3A_8] : memref<2048xi32, #tpu.memory_space<hbm>> -> memref<64xi32, #tpu.memory_space<hbm>>
      tpu.enqueue_dma source(%dma_start3A_102 : memref<64xi32, #tpu.memory_space<hbm>>) target(%arg12 : memref<64xi32, #tpu.memory_space<vmem>>) target_semaphore(%run_scoped3A : memref<!tpu.dma_semaphore, #tpu.memory_space<semaphore_mem>>)
      %dma_wait3A_103 = tpu.memref_slice %arg4[%mul3A_8] : memref<2048xi32, #tpu.memory_space<hbm>> -> memref<64xi32, #tpu.memory_space<hbm>>
      %dma_wait3A_104 = tpu.memref_slice %arg4[%mul3A_8] : memref<2048xi32, #tpu.memory_space<hbm>> -> memref<64xi32, #tpu.memory_space<hbm>>
      tpu.wait_dma2 semaphore(%run_scoped3A : memref<!tpu.dma_semaphore, #tpu.memory_space<semaphore_mem>>) src(%dma_wait3A_104 : memref<64xi32, #tpu.memory_space<hbm>>) dst(%arg12 : memref<64xi32, #tpu.memory_space<vmem>>)
      tpu.yield
    }) : () -> ()
    %dma_start3A_9 = arith.constant 0 : i32
    %dma_start3A_10 = arith.constant 0 : i32
    %dma_start3A_11 = tpu.memref_slice %arg11[%dma_start3A_9, %dma_start3A_10] : memref<128x256xf32, #tpu.memory_space<vmem>> -> memref<64x256xf32, #tpu.memory_space<vmem>>
    %dma_start3A_12 = arith.constant 0 : i32
    %dma_start3A_13 = arith.constant 0 : i32
    %dma_start3A_14 = tpu.memref_slice %arg2[%dma_start3A_12, %dma_start3A_13] : memref<10000x256xf32, #tpu.memory_space<hbm>> -> memref<10000x256xf32, #tpu.memory_space<hbm>>
    tpu.enqueue_indirect_dma source(%dma_start3A_14 : memref<10000x256xf32, #tpu.memory_space<hbm>>) target(%dma_start3A_11 : memref<64x256xf32, #tpu.memory_space<vmem>>) offsets(%arg12 : memref<64xi32, #tpu.memory_space<vmem>>) semaphore(%arg15 : memref<!tpu.dma_semaphore, #tpu.memory_space<semaphore_mem>>)
    %dma_wait3A_15 = arith.constant 0 : i32
    %dma_wait3A_16 = arith.constant 0 : i32
    %dma_wait3A_17 = tpu.memref_slice %arg11[%dma_wait3A_15, %dma_wait3A_16] : memref<128x256xf32, #tpu.memory_space<vmem>> -> memref<64x256xf32, #tpu.memory_space<vmem>>
    %dma_wait3A_18 = arith.constant 0 : i32
    %dma_wait3A_19 = arith.constant 0 : i32
    %dma_wait3A_20 = tpu.memref_slice %arg2[%dma_wait3A_18, %dma_wait3A_19] : memref<10000x256xf32, #tpu.memory_space<hbm>> -> memref<10000x256xf32, #tpu.memory_space<hbm>>
    tpu.wait_indirect_dma semaphore(%arg15 : memref<!tpu.dma_semaphore, #tpu.memory_space<semaphore_mem>>) src(%dma_wait3A_20 : memref<10000x256xf32, #tpu.memory_space<hbm>>) dst(%dma_wait3A_17 : memref<64x256xf32, #tpu.memory_space<vmem>>)
    "tpu.region"() ({
      %run_scoped3A = tpu.sem_alloc : memref<!tpu.dma_semaphore, #tpu.memory_space<semaphore_mem>>
      %dma_start3A_101 = arith.constant 0 : i32
      %dma_start3A_102 = arith.constant 0 : i32
      %dma_start3A_103 = tpu.memref_slice %arg11[%dma_start3A_101, %dma_start3A_102] : memref<128x256xf32, #tpu.memory_space<vmem>> -> memref<64x256xf32, #tpu.memory_space<vmem>>
      %dma_start3A_104 = arith.constant 0 : i32
      %dma_start3A_105 = tpu.memref_slice %arg8[%mul3A_8, %dma_start3A_104] : memref<2048x256xf32, #tpu.memory_space<hbm>> -> memref<64x256xf32, #tpu.memory_space<hbm>>
      %dma_start3A_106 = arith.constant 0 : i32
      %dma_start3A_107 = tpu.memref_slice %arg8[%mul3A_8, %dma_start3A_106] : memref<2048x256xf32, #tpu.memory_space<hbm>> -> memref<64x256xf32, #tpu.memory_space<hbm>>
      %dma_start3A_108 = arith.constant 0 : i32
      %dma_start3A_109 = arith.constant 0 : i32
      %dma_start3A_110 = tpu.memref_slice %arg11[%dma_start3A_108, %dma_start3A_109] : memref<128x256xf32, #tpu.memory_space<vmem>> -> memref<64x256xf32, #tpu.memory_space<vmem>>
      tpu.enqueue_dma source(%dma_start3A_110 : memref<64x256xf32, #tpu.memory_space<vmem>>) target(%dma_start3A_107 : memref<64x256xf32, #tpu.memory_space<hbm>>) target_semaphore(%run_scoped3A : memref<!tpu.dma_semaphore, #tpu.memory_space<semaphore_mem>>)
      %dma_wait3A_111 = arith.constant 0 : i32
      %dma_wait3A_112 = arith.constant 0 : i32
      %dma_wait3A_113 = tpu.memref_slice %arg11[%dma_wait3A_111, %dma_wait3A_112] : memref<128x256xf32, #tpu.memory_space<vmem>> -> memref<64x256xf32, #tpu.memory_space<vmem>>
      %dma_wait3A_114 = arith.constant 0 : i32
      %dma_wait3A_115 = tpu.memref_slice %arg8[%mul3A_8, %dma_wait3A_114] : memref<2048x256xf32, #tpu.memory_space<hbm>> -> memref<64x256xf32, #tpu.memory_space<hbm>>
      %dma_wait3A_116 = arith.constant 0 : i32
      %dma_wait3A_117 = tpu.memref_slice %arg8[%mul3A_8, %dma_wait3A_116] : memref<2048x256xf32, #tpu.memory_space<hbm>> -> memref<64x256xf32, #tpu.memory_space<hbm>>
      %dma_wait3A_118 = arith.constant 0 : i32
      %dma_wait3A_119 = arith.constant 0 : i32
      %dma_wait3A_120 = tpu.memref_slice %arg11[%dma_wait3A_118, %dma_wait3A_119] : memref<128x256xf32, #tpu.memory_space<vmem>> -> memref<64x256xf32, #tpu.memory_space<vmem>>
      tpu.wait_dma2 semaphore(%run_scoped3A : memref<!tpu.dma_semaphore, #tpu.memory_space<semaphore_mem>>) src(%dma_wait3A_120 : memref<64x256xf32, #tpu.memory_space<vmem>>) dst(%dma_wait3A_117 : memref<64x256xf32, #tpu.memory_space<hbm>>)
      tpu.yield
    }) : () -> ()
    %mul3A_21 = arith.constant 1024 : i32
    %mul3A_22 = arith.muli %add3A, %mul3A_21 : i32
    %add3A_23 = arith.constant 0 : i32
    %add3A_24 = arith.addi %mul3A_22, %add3A_23 : i32
    "tpu.region"() ({
      %run_scoped3A = tpu.sem_alloc : memref<!tpu.dma_semaphore, #tpu.memory_space<semaphore_mem>>
      %dma_start3A_101 = tpu.memref_slice %arg3[%add3A_24] : memref<32768xi32, #tpu.memory_space<hbm>> -> memref<128xi32, #tpu.memory_space<hbm>>
      %dma_start3A_102 = tpu.memref_slice %arg3[%add3A_24] : memref<32768xi32, #tpu.memory_space<hbm>> -> memref<128xi32, #tpu.memory_space<hbm>>
      tpu.enqueue_dma source(%dma_start3A_102 : memref<128xi32, #tpu.memory_space<hbm>>) target(%arg10 : memref<128xi32, #tpu.memory_space<vmem>>) target_semaphore(%run_scoped3A : memref<!tpu.dma_semaphore, #tpu.memory_space<semaphore_mem>>)
      %dma_wait3A_103 = tpu.memref_slice %arg3[%add3A_24] : memref<32768xi32, #tpu.memory_space<hbm>> -> memref<128xi32, #tpu.memory_space<hbm>>
      %dma_wait3A_104 = tpu.memref_slice %arg3[%add3A_24] : memref<32768xi32, #tpu.memory_space<hbm>> -> memref<128xi32, #tpu.memory_space<hbm>>
      tpu.wait_dma2 semaphore(%run_scoped3A : memref<!tpu.dma_semaphore, #tpu.memory_space<semaphore_mem>>) src(%dma_wait3A_104 : memref<128xi32, #tpu.memory_space<hbm>>) dst(%arg10 : memref<128xi32, #tpu.memory_space<vmem>>)
      tpu.yield
    }) : () -> ()
    %dma_start3A_25 = arith.constant 0 : i32
    %dma_start3A_26 = arith.constant 0 : i32
    %dma_start3A_27 = tpu.memref_slice %arg2[%dma_start3A_25, %dma_start3A_26] : memref<10000x256xf32, #tpu.memory_space<hbm>> -> memref<10000x256xf32, #tpu.memory_space<hbm>>
    tpu.enqueue_indirect_dma source(%dma_start3A_27 : memref<10000x256xf32, #tpu.memory_space<hbm>>) target(%arg11 : memref<128x256xf32, #tpu.memory_space<vmem>>) offsets(%arg10 : memref<128xi32, #tpu.memory_space<vmem>>) semaphore(%arg15 : memref<!tpu.dma_semaphore, #tpu.memory_space<semaphore_mem>>)
    %dma_wait3A_28 = arith.constant 0 : i32
    %dma_wait3A_29 = arith.constant 0 : i32
    %dma_wait3A_30 = tpu.memref_slice %arg2[%dma_wait3A_28, %dma_wait3A_29] : memref<10000x256xf32, #tpu.memory_space<hbm>> -> memref<10000x256xf32, #tpu.memory_space<hbm>>
    tpu.wait_indirect_dma semaphore(%arg15 : memref<!tpu.dma_semaphore, #tpu.memory_space<semaphore_mem>>) src(%dma_wait3A_30 : memref<10000x256xf32, #tpu.memory_space<hbm>>) dst(%arg11 : memref<128x256xf32, #tpu.memory_space<vmem>>)
    "tpu.region"() ({
      %run_scoped3A = tpu.sem_alloc : memref<!tpu.dma_semaphore, #tpu.memory_space<semaphore_mem>>
      %dma_start3A_101 = arith.constant 0 : i32
      %dma_start3A_102 = tpu.memref_slice %arg7[%add3A_24, %dma_start3A_101] : memref<32768x256xf32, #tpu.memory_space<hbm>> -> memref<128x256xf32, #tpu.memory_space<hbm>>
      %dma_start3A_103 = arith.constant 0 : i32
      %dma_start3A_104 = tpu.memref_slice %arg7[%add3A_24, %dma_start3A_103] : memref<32768x256xf32, #tpu.memory_space<hbm>> -> memref<128x256xf32, #tpu.memory_space<hbm>>
      tpu.enqueue_dma source(%arg11 : memref<128x256xf32, #tpu.memory_space<vmem>>) target(%dma_start3A_104 : memref<128x256xf32, #tpu.memory_space<hbm>>) target_semaphore(%run_scoped3A : memref<!tpu.dma_semaphore, #tpu.memory_space<semaphore_mem>>)
      %dma_wait3A_105 = arith.constant 0 : i32
      %dma_wait3A_106 = tpu.memref_slice %arg7[%add3A_24, %dma_wait3A_105] : memref<32768x256xf32, #tpu.memory_space<hbm>> -> memref<128x256xf32, #tpu.memory_space<hbm>>
      %dma_wait3A_107 = arith.constant 0 : i32
      %dma_wait3A_108 = tpu.memref_slice %arg7[%add3A_24, %dma_wait3A_107] : memref<32768x256xf32, #tpu.memory_space<hbm>> -> memref<128x256xf32, #tpu.memory_space<hbm>>
      tpu.wait_dma2 semaphore(%run_scoped3A : memref<!tpu.dma_semaphore, #tpu.memory_space<semaphore_mem>>) src(%arg11 : memref<128x256xf32, #tpu.memory_space<vmem>>) dst(%dma_wait3A_108 : memref<128x256xf32, #tpu.memory_space<hbm>>)
      tpu.yield
    }) : () -> ()
    %mul3A_31 = arith.constant 1024 : i32
    %mul3A_32 = arith.muli %add3A, %mul3A_31 : i32
    %add3A_33 = arith.constant 128 : i32
    %add3A_34 = arith.addi %mul3A_32, %add3A_33 : i32
    "tpu.region"() ({
      %run_scoped3A = tpu.sem_alloc : memref<!tpu.dma_semaphore, #tpu.memory_space<semaphore_mem>>
      %dma_start3A_101 = tpu.memref_slice %arg3[%add3A_34] : memref<32768xi32, #tpu.memory_space<hbm>> -> memref<128xi32, #tpu.memory_space<hbm>>
      %dma_start3A_102 = tpu.memref_slice %arg3[%add3A_34] : memref<32768xi32, #tpu.memory_space<hbm>> -> memref<128xi32, #tpu.memory_space<hbm>>
      tpu.enqueue_dma source(%dma_start3A_102 : memref<128xi32, #tpu.memory_space<hbm>>) target(%arg10 : memref<128xi32, #tpu.memory_space<vmem>>) target_semaphore(%run_scoped3A : memref<!tpu.dma_semaphore, #tpu.memory_space<semaphore_mem>>)
      %dma_wait3A_103 = tpu.memref_slice %arg3[%add3A_34] : memref<32768xi32, #tpu.memory_space<hbm>> -> memref<128xi32, #tpu.memory_space<hbm>>
      %dma_wait3A_104 = tpu.memref_slice %arg3[%add3A_34] : memref<32768xi32, #tpu.memory_space<hbm>> -> memref<128xi32, #tpu.memory_space<hbm>>
      tpu.wait_dma2 semaphore(%run_scoped3A : memref<!tpu.dma_semaphore, #tpu.memory_space<semaphore_mem>>) src(%dma_wait3A_104 : memref<128xi32, #tpu.memory_space<hbm>>) dst(%arg10 : memref<128xi32, #tpu.memory_space<vmem>>)
      tpu.yield
    }) : () -> ()
    %dma_start3A_35 = arith.constant 0 : i32
    %dma_start3A_36 = arith.constant 0 : i32
    %dma_start3A_37 = tpu.memref_slice %arg2[%dma_start3A_35, %dma_start3A_36] : memref<10000x256xf32, #tpu.memory_space<hbm>> -> memref<10000x256xf32, #tpu.memory_space<hbm>>
    tpu.enqueue_indirect_dma source(%dma_start3A_37 : memref<10000x256xf32, #tpu.memory_space<hbm>>) target(%arg11 : memref<128x256xf32, #tpu.memory_space<vmem>>) offsets(%arg10 : memref<128xi32, #tpu.memory_space<vmem>>) semaphore(%arg15 : memref<!tpu.dma_semaphore, #tpu.memory_space<semaphore_mem>>)
    %dma_wait3A_38 = arith.constant 0 : i32
    %dma_wait3A_39 = arith.constant 0 : i32
    %dma_wait3A_40 = tpu.memref_slice %arg2[%dma_wait3A_38, %dma_wait3A_39] : memref<10000x256xf32, #tpu.memory_space<hbm>> -> memref<10000x256xf32, #tpu.memory_space<hbm>>
    tpu.wait_indirect_dma semaphore(%arg15 : memref<!tpu.dma_semaphore, #tpu.memory_space<semaphore_mem>>) src(%dma_wait3A_40 : memref<10000x256xf32, #tpu.memory_space<hbm>>) dst(%arg11 : memref<128x256xf32, #tpu.memory_space<vmem>>)
    "tpu.region"() ({
      %run_scoped3A = tpu.sem_alloc : memref<!tpu.dma_semaphore, #tpu.memory_space<semaphore_mem>>
      %dma_start3A_101 = arith.constant 0 : i32
      %dma_start3A_102 = tpu.memref_slice %arg7[%add3A_34, %dma_start3A_101] : memref<32768x256xf32, #tpu.memory_space<hbm>> -> memref<128x256xf32, #tpu.memory_space<hbm>>
      %dma_start3A_103 = arith.constant 0 : i32
      %dma_start3A_104 = tpu.memref_slice %arg7[%add3A_34, %dma_start3A_103] : memref<32768x256xf32, #tpu.memory_space<hbm>> -> memref<128x256xf32, #tpu.memory_space<hbm>>
      tpu.enqueue_dma source(%arg11 : memref<128x256xf32, #tpu.memory_space<vmem>>) target(%dma_start3A_104 : memref<128x256xf32, #tpu.memory_space<hbm>>) target_semaphore(%run_scoped3A : memref<!tpu.dma_semaphore, #tpu.memory_space<semaphore_mem>>)
      %dma_wait3A_105 = arith.constant 0 : i32
      %dma_wait3A_106 = tpu.memref_slice %arg7[%add3A_34, %dma_wait3A_105] : memref<32768x256xf32, #tpu.memory_space<hbm>> -> memref<128x256xf32, #tpu.memory_space<hbm>>
      %dma_wait3A_107 = arith.constant 0 : i32
      %dma_wait3A_108 = tpu.memref_slice %arg7[%add3A_34, %dma_wait3A_107] : memref<32768x256xf32, #tpu.memory_space<hbm>> -> memref<128x256xf32, #tpu.memory_space<hbm>>
      tpu.wait_dma2 semaphore(%run_scoped3A : memref<!tpu.dma_semaphore, #tpu.memory_space<semaphore_mem>>) src(%arg11 : memref<128x256xf32, #tpu.memory_space<vmem>>) dst(%dma_wait3A_108 : memref<128x256xf32, #tpu.memory_space<hbm>>)
      tpu.yield
    }) : () -> ()
    %mul3A_41 = arith.constant 1024 : i32
    %mul3A_42 = arith.muli %add3A, %mul3A_41 : i32
    %add3A_43 = arith.constant 256 : i32
    %add3A_44 = arith.addi %mul3A_42, %add3A_43 : i32
    "tpu.region"() ({
      %run_scoped3A = tpu.sem_alloc : memref<!tpu.dma_semaphore, #tpu.memory_space<semaphore_mem>>
      %dma_start3A_101 = tpu.memref_slice %arg3[%add3A_44] : memref<32768xi32, #tpu.memory_space<hbm>> -> memref<128xi32, #tpu.memory_space<hbm>>
      %dma_start3A_102 = tpu.memref_slice %arg3[%add3A_44] : memref<32768xi32, #tpu.memory_space<hbm>> -> memref<128xi32, #tpu.memory_space<hbm>>
      tpu.enqueue_dma source(%dma_start3A_102 : memref<128xi32, #tpu.memory_space<hbm>>) target(%arg10 : memref<128xi32, #tpu.memory_space<vmem>>) target_semaphore(%run_scoped3A : memref<!tpu.dma_semaphore, #tpu.memory_space<semaphore_mem>>)
      %dma_wait3A_103 = tpu.memref_slice %arg3[%add3A_44] : memref<32768xi32, #tpu.memory_space<hbm>> -> memref<128xi32, #tpu.memory_space<hbm>>
      %dma_wait3A_104 = tpu.memref_slice %arg3[%add3A_44] : memref<32768xi32, #tpu.memory_space<hbm>> -> memref<128xi32, #tpu.memory_space<hbm>>
      tpu.wait_dma2 semaphore(%run_scoped3A : memref<!tpu.dma_semaphore, #tpu.memory_space<semaphore_mem>>) src(%dma_wait3A_104 : memref<128xi32, #tpu.memory_space<hbm>>) dst(%arg10 : memref<128xi32, #tpu.memory_space<vmem>>)
      tpu.yield
    }) : () -> ()
    %dma_start3A_45 = arith.constant 0 : i32
    %dma_start3A_46 = arith.constant 0 : i32
    %dma_start3A_47 = tpu.memref_slice %arg2[%dma_start3A_45, %dma_start3A_46] : memref<10000x256xf32, #tpu.memory_space<hbm>> -> memref<10000x256xf32, #tpu.memory_space<hbm>>
    tpu.enqueue_indirect_dma source(%dma_start3A_47 : memref<10000x256xf32, #tpu.memory_space<hbm>>) target(%arg11 : memref<128x256xf32, #tpu.memory_space<vmem>>) offsets(%arg10 : memref<128xi32, #tpu.memory_space<vmem>>) semaphore(%arg15 : memref<!tpu.dma_semaphore, #tpu.memory_space<semaphore_mem>>)
    %dma_wait3A_48 = arith.constant 0 : i32
    %dma_wait3A_49 = arith.constant 0 : i32
    %dma_wait3A_50 = tpu.memref_slice %arg2[%dma_wait3A_48, %dma_wait3A_49] : memref<10000x256xf32, #tpu.memory_space<hbm>> -> memref<10000x256xf32, #tpu.memory_space<hbm>>
    tpu.wait_indirect_dma semaphore(%arg15 : memref<!tpu.dma_semaphore, #tpu.memory_space<semaphore_mem>>) src(%dma_wait3A_50 : memref<10000x256xf32, #tpu.memory_space<hbm>>) dst(%arg11 : memref<128x256xf32, #tpu.memory_space<vmem>>)
    "tpu.region"() ({
      %run_scoped3A = tpu.sem_alloc : memref<!tpu.dma_semaphore, #tpu.memory_space<semaphore_mem>>
      %dma_start3A_101 = arith.constant 0 : i32
      %dma_start3A_102 = tpu.memref_slice %arg7[%add3A_44, %dma_start3A_101] : memref<32768x256xf32, #tpu.memory_space<hbm>> -> memref<128x256xf32, #tpu.memory_space<hbm>>
      %dma_start3A_103 = arith.constant 0 : i32
      %dma_start3A_104 = tpu.memref_slice %arg7[%add3A_44, %dma_start3A_103] : memref<32768x256xf32, #tpu.memory_space<hbm>> -> memref<128x256xf32, #tpu.memory_space<hbm>>
      tpu.enqueue_dma source(%arg11 : memref<128x256xf32, #tpu.memory_space<vmem>>) target(%dma_start3A_104 : memref<128x256xf32, #tpu.memory_space<hbm>>) target_semaphore(%run_scoped3A : memref<!tpu.dma_semaphore, #tpu.memory_space<semaphore_mem>>)
      %dma_wait3A_105 = arith.constant 0 : i32
      %dma_wait3A_106 = tpu.memref_slice %arg7[%add3A_44, %dma_wait3A_105] : memref<32768x256xf32, #tpu.memory_space<hbm>> -> memref<128x256xf32, #tpu.memory_space<hbm>>
      %dma_wait3A_107 = arith.constant 0 : i32
      %dma_wait3A_108 = tpu.memref_slice %arg7[%add3A_44, %dma_wait3A_107] : memref<32768x256xf32, #tpu.memory_space<hbm>> -> memref<128x256xf32, #tpu.memory_space<hbm>>
      tpu.wait_dma2 semaphore(%run_scoped3A : memref<!tpu.dma_semaphore, #tpu.memory_space<semaphore_mem>>) src(%arg11 : memref<128x256xf32, #tpu.memory_space<vmem>>) dst(%dma_wait3A_108 : memref<128x256xf32, #tpu.memory_space<hbm>>)
      tpu.yield
    }) : () -> ()
    %mul3A_51 = arith.constant 1024 : i32
    %mul3A_52 = arith.muli %add3A, %mul3A_51 : i32
    %add3A_53 = arith.constant 384 : i32
    %add3A_54 = arith.addi %mul3A_52, %add3A_53 : i32
    "tpu.region"() ({
      %run_scoped3A = tpu.sem_alloc : memref<!tpu.dma_semaphore, #tpu.memory_space<semaphore_mem>>
      %dma_start3A_101 = tpu.memref_slice %arg3[%add3A_54] : memref<32768xi32, #tpu.memory_space<hbm>> -> memref<128xi32, #tpu.memory_space<hbm>>
      %dma_start3A_102 = tpu.memref_slice %arg3[%add3A_54] : memref<32768xi32, #tpu.memory_space<hbm>> -> memref<128xi32, #tpu.memory_space<hbm>>
      tpu.enqueue_dma source(%dma_start3A_102 : memref<128xi32, #tpu.memory_space<hbm>>) target(%arg10 : memref<128xi32, #tpu.memory_space<vmem>>) target_semaphore(%run_scoped3A : memref<!tpu.dma_semaphore, #tpu.memory_space<semaphore_mem>>)
      %dma_wait3A_103 = tpu.memref_slice %arg3[%add3A_54] : memref<32768xi32, #tpu.memory_space<hbm>> -> memref<128xi32, #tpu.memory_space<hbm>>
      %dma_wait3A_104 = tpu.memref_slice %arg3[%add3A_54] : memref<32768xi32, #tpu.memory_space<hbm>> -> memref<128xi32, #tpu.memory_space<hbm>>
      tpu.wait_dma2 semaphore(%run_scoped3A : memref<!tpu.dma_semaphore, #tpu.memory_space<semaphore_mem>>) src(%dma_wait3A_104 : memref<128xi32, #tpu.memory_space<hbm>>) dst(%arg10 : memref<128xi32, #tpu.memory_space<vmem>>)
      tpu.yield
    }) : () -> ()
    %dma_start3A_55 = arith.constant 0 : i32
    %dma_start3A_56 = arith.constant 0 : i32
    %dma_start3A_57 = tpu.memref_slice %arg2[%dma_start3A_55, %dma_start3A_56] : memref<10000x256xf32, #tpu.memory_space<hbm>> -> memref<10000x256xf32, #tpu.memory_space<hbm>>
    tpu.enqueue_indirect_dma source(%dma_start3A_57 : memref<10000x256xf32, #tpu.memory_space<hbm>>) target(%arg11 : memref<128x256xf32, #tpu.memory_space<vmem>>) offsets(%arg10 : memref<128xi32, #tpu.memory_space<vmem>>) semaphore(%arg15 : memref<!tpu.dma_semaphore, #tpu.memory_space<semaphore_mem>>)
    %dma_wait3A_58 = arith.constant 0 : i32
    %dma_wait3A_59 = arith.constant 0 : i32
    %dma_wait3A_60 = tpu.memref_slice %arg2[%dma_wait3A_58, %dma_wait3A_59] : memref<10000x256xf32, #tpu.memory_space<hbm>> -> memref<10000x256xf32, #tpu.memory_space<hbm>>
    tpu.wait_indirect_dma semaphore(%arg15 : memref<!tpu.dma_semaphore, #tpu.memory_space<semaphore_mem>>) src(%dma_wait3A_60 : memref<10000x256xf32, #tpu.memory_space<hbm>>) dst(%arg11 : memref<128x256xf32, #tpu.memory_space<vmem>>)
    "tpu.region"() ({
      %run_scoped3A = tpu.sem_alloc : memref<!tpu.dma_semaphore, #tpu.memory_space<semaphore_mem>>
      %dma_start3A_101 = arith.constant 0 : i32
      %dma_start3A_102 = tpu.memref_slice %arg7[%add3A_54, %dma_start3A_101] : memref<32768x256xf32, #tpu.memory_space<hbm>> -> memref<128x256xf32, #tpu.memory_space<hbm>>
      %dma_start3A_103 = arith.constant 0 : i32
      %dma_start3A_104 = tpu.memref_slice %arg7[%add3A_54, %dma_start3A_103] : memref<32768x256xf32, #tpu.memory_space<hbm>> -> memref<128x256xf32, #tpu.memory_space<hbm>>
      tpu.enqueue_dma source(%arg11 : memref<128x256xf32, #tpu.memory_space<vmem>>) target(%dma_start3A_104 : memref<128x256xf32, #tpu.memory_space<hbm>>) target_semaphore(%run_scoped3A : memref<!tpu.dma_semaphore, #tpu.memory_space<semaphore_mem>>)
      %dma_wait3A_105 = arith.constant 0 : i32
      %dma_wait3A_106 = tpu.memref_slice %arg7[%add3A_54, %dma_wait3A_105] : memref<32768x256xf32, #tpu.memory_space<hbm>> -> memref<128x256xf32, #tpu.memory_space<hbm>>
      %dma_wait3A_107 = arith.constant 0 : i32
      %dma_wait3A_108 = tpu.memref_slice %arg7[%add3A_54, %dma_wait3A_107] : memref<32768x256xf32, #tpu.memory_space<hbm>> -> memref<128x256xf32, #tpu.memory_space<hbm>>
      tpu.wait_dma2 semaphore(%run_scoped3A : memref<!tpu.dma_semaphore, #tpu.memory_space<semaphore_mem>>) src(%arg11 : memref<128x256xf32, #tpu.memory_space<vmem>>) dst(%dma_wait3A_108 : memref<128x256xf32, #tpu.memory_space<hbm>>)
      tpu.yield
    }) : () -> ()
    %mul3A_61 = arith.constant 1024 : i32
    %mul3A_62 = arith.muli %add3A, %mul3A_61 : i32
    %add3A_63 = arith.constant 512 : i32
    %add3A_64 = arith.addi %mul3A_62, %add3A_63 : i32
    "tpu.region"() ({
      %run_scoped3A = tpu.sem_alloc : memref<!tpu.dma_semaphore, #tpu.memory_space<semaphore_mem>>
      %dma_start3A_101 = tpu.memref_slice %arg3[%add3A_64] : memref<32768xi32, #tpu.memory_space<hbm>> -> memref<128xi32, #tpu.memory_space<hbm>>
      %dma_start3A_102 = tpu.memref_slice %arg3[%add3A_64] : memref<32768xi32, #tpu.memory_space<hbm>> -> memref<128xi32, #tpu.memory_space<hbm>>
      tpu.enqueue_dma source(%dma_start3A_102 : memref<128xi32, #tpu.memory_space<hbm>>) target(%arg10 : memref<128xi32, #tpu.memory_space<vmem>>) target_semaphore(%run_scoped3A : memref<!tpu.dma_semaphore, #tpu.memory_space<semaphore_mem>>)
      %dma_wait3A_103 = tpu.memref_slice %arg3[%add3A_64] : memref<32768xi32, #tpu.memory_space<hbm>> -> memref<128xi32, #tpu.memory_space<hbm>>
      %dma_wait3A_104 = tpu.memref_slice %arg3[%add3A_64] : memref<32768xi32, #tpu.memory_space<hbm>> -> memref<128xi32, #tpu.memory_space<hbm>>
      tpu.wait_dma2 semaphore(%run_scoped3A : memref<!tpu.dma_semaphore, #tpu.memory_space<semaphore_mem>>) src(%dma_wait3A_104 : memref<128xi32, #tpu.memory_space<hbm>>) dst(%arg10 : memref<128xi32, #tpu.memory_space<vmem>>)
      tpu.yield
    }) : () -> ()
    %dma_start3A_65 = arith.constant 0 : i32
    %dma_start3A_66 = arith.constant 0 : i32
    %dma_start3A_67 = tpu.memref_slice %arg2[%dma_start3A_65, %dma_start3A_66] : memref<10000x256xf32, #tpu.memory_space<hbm>> -> memref<10000x256xf32, #tpu.memory_space<hbm>>
    tpu.enqueue_indirect_dma source(%dma_start3A_67 : memref<10000x256xf32, #tpu.memory_space<hbm>>) target(%arg11 : memref<128x256xf32, #tpu.memory_space<vmem>>) offsets(%arg10 : memref<128xi32, #tpu.memory_space<vmem>>) semaphore(%arg15 : memref<!tpu.dma_semaphore, #tpu.memory_space<semaphore_mem>>)
    %dma_wait3A_68 = arith.constant 0 : i32
    %dma_wait3A_69 = arith.constant 0 : i32
    %dma_wait3A_70 = tpu.memref_slice %arg2[%dma_wait3A_68, %dma_wait3A_69] : memref<10000x256xf32, #tpu.memory_space<hbm>> -> memref<10000x256xf32, #tpu.memory_space<hbm>>
    tpu.wait_indirect_dma semaphore(%arg15 : memref<!tpu.dma_semaphore, #tpu.memory_space<semaphore_mem>>) src(%dma_wait3A_70 : memref<10000x256xf32, #tpu.memory_space<hbm>>) dst(%arg11 : memref<128x256xf32, #tpu.memory_space<vmem>>)
    "tpu.region"() ({
      %run_scoped3A = tpu.sem_alloc : memref<!tpu.dma_semaphore, #tpu.memory_space<semaphore_mem>>
      %dma_start3A_101 = arith.constant 0 : i32
      %dma_start3A_102 = tpu.memref_slice %arg7[%add3A_64, %dma_start3A_101] : memref<32768x256xf32, #tpu.memory_space<hbm>> -> memref<128x256xf32, #tpu.memory_space<hbm>>
      %dma_start3A_103 = arith.constant 0 : i32
      %dma_start3A_104 = tpu.memref_slice %arg7[%add3A_64, %dma_start3A_103] : memref<32768x256xf32, #tpu.memory_space<hbm>> -> memref<128x256xf32, #tpu.memory_space<hbm>>
      tpu.enqueue_dma source(%arg11 : memref<128x256xf32, #tpu.memory_space<vmem>>) target(%dma_start3A_104 : memref<128x256xf32, #tpu.memory_space<hbm>>) target_semaphore(%run_scoped3A : memref<!tpu.dma_semaphore, #tpu.memory_space<semaphore_mem>>)
      %dma_wait3A_105 = arith.constant 0 : i32
      %dma_wait3A_106 = tpu.memref_slice %arg7[%add3A_64, %dma_wait3A_105] : memref<32768x256xf32, #tpu.memory_space<hbm>> -> memref<128x256xf32, #tpu.memory_space<hbm>>
      %dma_wait3A_107 = arith.constant 0 : i32
      %dma_wait3A_108 = tpu.memref_slice %arg7[%add3A_64, %dma_wait3A_107] : memref<32768x256xf32, #tpu.memory_space<hbm>> -> memref<128x256xf32, #tpu.memory_space<hbm>>
      tpu.wait_dma2 semaphore(%run_scoped3A : memref<!tpu.dma_semaphore, #tpu.memory_space<semaphore_mem>>) src(%arg11 : memref<128x256xf32, #tpu.memory_space<vmem>>) dst(%dma_wait3A_108 : memref<128x256xf32, #tpu.memory_space<hbm>>)
      tpu.yield
    }) : () -> ()
    %mul3A_71 = arith.constant 1024 : i32
    %mul3A_72 = arith.muli %add3A, %mul3A_71 : i32
    %add3A_73 = arith.constant 640 : i32
    %add3A_74 = arith.addi %mul3A_72, %add3A_73 : i32
    "tpu.region"() ({
      %run_scoped3A = tpu.sem_alloc : memref<!tpu.dma_semaphore, #tpu.memory_space<semaphore_mem>>
      %dma_start3A_101 = tpu.memref_slice %arg3[%add3A_74] : memref<32768xi32, #tpu.memory_space<hbm>> -> memref<128xi32, #tpu.memory_space<hbm>>
      %dma_start3A_102 = tpu.memref_slice %arg3[%add3A_74] : memref<32768xi32, #tpu.memory_space<hbm>> -> memref<128xi32, #tpu.memory_space<hbm>>
      tpu.enqueue_dma source(%dma_start3A_102 : memref<128xi32, #tpu.memory_space<hbm>>) target(%arg10 : memref<128xi32, #tpu.memory_space<vmem>>) target_semaphore(%run_scoped3A : memref<!tpu.dma_semaphore, #tpu.memory_space<semaphore_mem>>)
      %dma_wait3A_103 = tpu.memref_slice %arg3[%add3A_74] : memref<32768xi32, #tpu.memory_space<hbm>> -> memref<128xi32, #tpu.memory_space<hbm>>
      %dma_wait3A_104 = tpu.memref_slice %arg3[%add3A_74] : memref<32768xi32, #tpu.memory_space<hbm>> -> memref<128xi32, #tpu.memory_space<hbm>>
      tpu.wait_dma2 semaphore(%run_scoped3A : memref<!tpu.dma_semaphore, #tpu.memory_space<semaphore_mem>>) src(%dma_wait3A_104 : memref<128xi32, #tpu.memory_space<hbm>>) dst(%arg10 : memref<128xi32, #tpu.memory_space<vmem>>)
      tpu.yield
    }) : () -> ()
    %dma_start3A_75 = arith.constant 0 : i32
    %dma_start3A_76 = arith.constant 0 : i32
    %dma_start3A_77 = tpu.memref_slice %arg2[%dma_start3A_75, %dma_start3A_76] : memref<10000x256xf32, #tpu.memory_space<hbm>> -> memref<10000x256xf32, #tpu.memory_space<hbm>>
    tpu.enqueue_indirect_dma source(%dma_start3A_77 : memref<10000x256xf32, #tpu.memory_space<hbm>>) target(%arg11 : memref<128x256xf32, #tpu.memory_space<vmem>>) offsets(%arg10 : memref<128xi32, #tpu.memory_space<vmem>>) semaphore(%arg15 : memref<!tpu.dma_semaphore, #tpu.memory_space<semaphore_mem>>)
    %dma_wait3A_78 = arith.constant 0 : i32
    %dma_wait3A_79 = arith.constant 0 : i32
    %dma_wait3A_80 = tpu.memref_slice %arg2[%dma_wait3A_78, %dma_wait3A_79] : memref<10000x256xf32, #tpu.memory_space<hbm>> -> memref<10000x256xf32, #tpu.memory_space<hbm>>
    tpu.wait_indirect_dma semaphore(%arg15 : memref<!tpu.dma_semaphore, #tpu.memory_space<semaphore_mem>>) src(%dma_wait3A_80 : memref<10000x256xf32, #tpu.memory_space<hbm>>) dst(%arg11 : memref<128x256xf32, #tpu.memory_space<vmem>>)
    "tpu.region"() ({
      %run_scoped3A = tpu.sem_alloc : memref<!tpu.dma_semaphore, #tpu.memory_space<semaphore_mem>>
      %dma_start3A_101 = arith.constant 0 : i32
      %dma_start3A_102 = tpu.memref_slice %arg7[%add3A_74, %dma_start3A_101] : memref<32768x256xf32, #tpu.memory_space<hbm>> -> memref<128x256xf32, #tpu.memory_space<hbm>>
      %dma_start3A_103 = arith.constant 0 : i32
      %dma_start3A_104 = tpu.memref_slice %arg7[%add3A_74, %dma_start3A_103] : memref<32768x256xf32, #tpu.memory_space<hbm>> -> memref<128x256xf32, #tpu.memory_space<hbm>>
      tpu.enqueue_dma source(%arg11 : memref<128x256xf32, #tpu.memory_space<vmem>>) target(%dma_start3A_104 : memref<128x256xf32, #tpu.memory_space<hbm>>) target_semaphore(%run_scoped3A : memref<!tpu.dma_semaphore, #tpu.memory_space<semaphore_mem>>)
      %dma_wait3A_105 = arith.constant 0 : i32
      %dma_wait3A_106 = tpu.memref_slice %arg7[%add3A_74, %dma_wait3A_105] : memref<32768x256xf32, #tpu.memory_space<hbm>> -> memref<128x256xf32, #tpu.memory_space<hbm>>
      %dma_wait3A_107 = arith.constant 0 : i32
      %dma_wait3A_108 = tpu.memref_slice %arg7[%add3A_74, %dma_wait3A_107] : memref<32768x256xf32, #tpu.memory_space<hbm>> -> memref<128x256xf32, #tpu.memory_space<hbm>>
      tpu.wait_dma2 semaphore(%run_scoped3A : memref<!tpu.dma_semaphore, #tpu.memory_space<semaphore_mem>>) src(%arg11 : memref<128x256xf32, #tpu.memory_space<vmem>>) dst(%dma_wait3A_108 : memref<128x256xf32, #tpu.memory_space<hbm>>)
      tpu.yield
    }) : () -> ()
    %mul3A_81 = arith.constant 1024 : i32
    %mul3A_82 = arith.muli %add3A, %mul3A_81 : i32
    %add3A_83 = arith.constant 768 : i32
    %add3A_84 = arith.addi %mul3A_82, %add3A_83 : i32
    "tpu.region"() ({
      %run_scoped3A = tpu.sem_alloc : memref<!tpu.dma_semaphore, #tpu.memory_space<semaphore_mem>>
      %dma_start3A_101 = tpu.memref_slice %arg3[%add3A_84] : memref<32768xi32, #tpu.memory_space<hbm>> -> memref<128xi32, #tpu.memory_space<hbm>>
      %dma_start3A_102 = tpu.memref_slice %arg3[%add3A_84] : memref<32768xi32, #tpu.memory_space<hbm>> -> memref<128xi32, #tpu.memory_space<hbm>>
      tpu.enqueue_dma source(%dma_start3A_102 : memref<128xi32, #tpu.memory_space<hbm>>) target(%arg10 : memref<128xi32, #tpu.memory_space<vmem>>) target_semaphore(%run_scoped3A : memref<!tpu.dma_semaphore, #tpu.memory_space<semaphore_mem>>)
      %dma_wait3A_103 = tpu.memref_slice %arg3[%add3A_84] : memref<32768xi32, #tpu.memory_space<hbm>> -> memref<128xi32, #tpu.memory_space<hbm>>
      %dma_wait3A_104 = tpu.memref_slice %arg3[%add3A_84] : memref<32768xi32, #tpu.memory_space<hbm>> -> memref<128xi32, #tpu.memory_space<hbm>>
      tpu.wait_dma2 semaphore(%run_scoped3A : memref<!tpu.dma_semaphore, #tpu.memory_space<semaphore_mem>>) src(%dma_wait3A_104 : memref<128xi32, #tpu.memory_space<hbm>>) dst(%arg10 : memref<128xi32, #tpu.memory_space<vmem>>)
      tpu.yield
    }) : () -> ()
    %dma_start3A_85 = arith.constant 0 : i32
    %dma_start3A_86 = arith.constant 0 : i32
    %dma_start3A_87 = tpu.memref_slice %arg2[%dma_start3A_85, %dma_start3A_86] : memref<10000x256xf32, #tpu.memory_space<hbm>> -> memref<10000x256xf32, #tpu.memory_space<hbm>>
    tpu.enqueue_indirect_dma source(%dma_start3A_87 : memref<10000x256xf32, #tpu.memory_space<hbm>>) target(%arg11 : memref<128x256xf32, #tpu.memory_space<vmem>>) offsets(%arg10 : memref<128xi32, #tpu.memory_space<vmem>>) semaphore(%arg15 : memref<!tpu.dma_semaphore, #tpu.memory_space<semaphore_mem>>)
    %dma_wait3A_88 = arith.constant 0 : i32
    %dma_wait3A_89 = arith.constant 0 : i32
    %dma_wait3A_90 = tpu.memref_slice %arg2[%dma_wait3A_88, %dma_wait3A_89] : memref<10000x256xf32, #tpu.memory_space<hbm>> -> memref<10000x256xf32, #tpu.memory_space<hbm>>
    tpu.wait_indirect_dma semaphore(%arg15 : memref<!tpu.dma_semaphore, #tpu.memory_space<semaphore_mem>>) src(%dma_wait3A_90 : memref<10000x256xf32, #tpu.memory_space<hbm>>) dst(%arg11 : memref<128x256xf32, #tpu.memory_space<vmem>>)
    "tpu.region"() ({
      %run_scoped3A = tpu.sem_alloc : memref<!tpu.dma_semaphore, #tpu.memory_space<semaphore_mem>>
      %dma_start3A_101 = arith.constant 0 : i32
      %dma_start3A_102 = tpu.memref_slice %arg7[%add3A_84, %dma_start3A_101] : memref<32768x256xf32, #tpu.memory_space<hbm>> -> memref<128x256xf32, #tpu.memory_space<hbm>>
      %dma_start3A_103 = arith.constant 0 : i32
      %dma_start3A_104 = tpu.memref_slice %arg7[%add3A_84, %dma_start3A_103] : memref<32768x256xf32, #tpu.memory_space<hbm>> -> memref<128x256xf32, #tpu.memory_space<hbm>>
      tpu.enqueue_dma source(%arg11 : memref<128x256xf32, #tpu.memory_space<vmem>>) target(%dma_start3A_104 : memref<128x256xf32, #tpu.memory_space<hbm>>) target_semaphore(%run_scoped3A : memref<!tpu.dma_semaphore, #tpu.memory_space<semaphore_mem>>)
      %dma_wait3A_105 = arith.constant 0 : i32
      %dma_wait3A_106 = tpu.memref_slice %arg7[%add3A_84, %dma_wait3A_105] : memref<32768x256xf32, #tpu.memory_space<hbm>> -> memref<128x256xf32, #tpu.memory_space<hbm>>
      %dma_wait3A_107 = arith.constant 0 : i32
      %dma_wait3A_108 = tpu.memref_slice %arg7[%add3A_84, %dma_wait3A_107] : memref<32768x256xf32, #tpu.memory_space<hbm>> -> memref<128x256xf32, #tpu.memory_space<hbm>>
      tpu.wait_dma2 semaphore(%run_scoped3A : memref<!tpu.dma_semaphore, #tpu.memory_space<semaphore_mem>>) src(%arg11 : memref<128x256xf32, #tpu.memory_space<vmem>>) dst(%dma_wait3A_108 : memref<128x256xf32, #tpu.memory_space<hbm>>)
      tpu.yield
    }) : () -> ()
    %mul3A_91 = arith.constant 1024 : i32
    %mul3A_92 = arith.muli %add3A, %mul3A_91 : i32
    %add3A_93 = arith.constant 896 : i32
    %add3A_94 = arith.addi %mul3A_92, %add3A_93 : i32
    "tpu.region"() ({
      %run_scoped3A = tpu.sem_alloc : memref<!tpu.dma_semaphore, #tpu.memory_space<semaphore_mem>>
      %dma_start3A_101 = tpu.memref_slice %arg3[%add3A_94] : memref<32768xi32, #tpu.memory_space<hbm>> -> memref<128xi32, #tpu.memory_space<hbm>>
      %dma_start3A_102 = tpu.memref_slice %arg3[%add3A_94] : memref<32768xi32, #tpu.memory_space<hbm>> -> memref<128xi32, #tpu.memory_space<hbm>>
      tpu.enqueue_dma source(%dma_start3A_102 : memref<128xi32, #tpu.memory_space<hbm>>) target(%arg10 : memref<128xi32, #tpu.memory_space<vmem>>) target_semaphore(%run_scoped3A : memref<!tpu.dma_semaphore, #tpu.memory_space<semaphore_mem>>)
      %dma_wait3A_103 = tpu.memref_slice %arg3[%add3A_94] : memref<32768xi32, #tpu.memory_space<hbm>> -> memref<128xi32, #tpu.memory_space<hbm>>
      %dma_wait3A_104 = tpu.memref_slice %arg3[%add3A_94] : memref<32768xi32, #tpu.memory_space<hbm>> -> memref<128xi32, #tpu.memory_space<hbm>>
      tpu.wait_dma2 semaphore(%run_scoped3A : memref<!tpu.dma_semaphore, #tpu.memory_space<semaphore_mem>>) src(%dma_wait3A_104 : memref<128xi32, #tpu.memory_space<hbm>>) dst(%arg10 : memref<128xi32, #tpu.memory_space<vmem>>)
      tpu.yield
    }) : () -> ()
    %dma_start3A_95 = arith.constant 0 : i32
    %dma_start3A_96 = arith.constant 0 : i32
    %dma_start3A_97 = tpu.memref_slice %arg2[%dma_start3A_95, %dma_start3A_96] : memref<10000x256xf32, #tpu.memory_space<hbm>> -> memref<10000x256xf32, #tpu.memory_space<hbm>>
    tpu.enqueue_indirect_dma source(%dma_start3A_97 : memref<10000x256xf32, #tpu.memory_space<hbm>>) target(%arg11 : memref<128x256xf32, #tpu.memory_space<vmem>>) offsets(%arg10 : memref<128xi32, #tpu.memory_space<vmem>>) semaphore(%arg15 : memref<!tpu.dma_semaphore, #tpu.memory_space<semaphore_mem>>)
    %dma_wait3A_98 = arith.constant 0 : i32
    %dma_wait3A_99 = arith.constant 0 : i32
    %dma_wait3A_100 = tpu.memref_slice %arg2[%dma_wait3A_98, %dma_wait3A_99] : memref<10000x256xf32, #tpu.memory_space<hbm>> -> memref<10000x256xf32, #tpu.memory_space<hbm>>
    tpu.wait_indirect_dma semaphore(%arg15 : memref<!tpu.dma_semaphore, #tpu.memory_space<semaphore_mem>>) src(%dma_wait3A_100 : memref<10000x256xf32, #tpu.memory_space<hbm>>) dst(%arg11 : memref<128x256xf32, #tpu.memory_space<vmem>>)
    "tpu.region"() ({
      %run_scoped3A = tpu.sem_alloc : memref<!tpu.dma_semaphore, #tpu.memory_space<semaphore_mem>>
      %dma_start3A_101 = arith.constant 0 : i32
      %dma_start3A_102 = tpu.memref_slice %arg7[%add3A_94, %dma_start3A_101] : memref<32768x256xf32, #tpu.memory_space<hbm>> -> memref<128x256xf32, #tpu.memory_space<hbm>>
      %dma_start3A_103 = arith.constant 0 : i32
      %dma_start3A_104 = tpu.memref_slice %arg7[%add3A_94, %dma_start3A_103] : memref<32768x256xf32, #tpu.memory_space<hbm>> -> memref<128x256xf32, #tpu.memory_space<hbm>>
      tpu.enqueue_dma source(%arg11 : memref<128x256xf32, #tpu.memory_space<vmem>>) target(%dma_start3A_104 : memref<128x256xf32, #tpu.memory_space<hbm>>) target_semaphore(%run_scoped3A : memref<!tpu.dma_semaphore, #tpu.memory_space<semaphore_mem>>)
      %dma_wait3A_105 = arith.constant 0 : i32
      %dma_wait3A_106 = tpu.memref_slice %arg7[%add3A_94, %dma_wait3A_105] : memref<32768x256xf32, #tpu.memory_space<hbm>> -> memref<128x256xf32, #tpu.memory_space<hbm>>
      %dma_wait3A_107 = arith.constant 0 : i32
      %dma_wait3A_108 = tpu.memref_slice %arg7[%add3A_94, %dma_wait3A_107] : memref<32768x256xf32, #tpu.memory_space<hbm>> -> memref<128x256xf32, #tpu.memory_space<hbm>>
      tpu.wait_dma2 semaphore(%run_scoped3A : memref<!tpu.dma_semaphore, #tpu.memory_space<semaphore_mem>>) src(%arg11 : memref<128x256xf32, #tpu.memory_space<vmem>>) dst(%dma_wait3A_108 : memref<128x256xf32, #tpu.memory_space<hbm>>)
      tpu.yield
    }) : () -> ()
    return
  }
}

#map = affine_map<(d0, d1) -> (0, 0)>
#map1 = affine_map<(d0, d1) -> (0)>
module attributes {stable_mosaic.version = 14 : i64} {
  func.func @sc_gather(%arg0: i32, %arg1: i32, %arg2: memref<10000x256xf32, #tpu.memory_space<hbm>>, %arg3: memref<32768xi32, #tpu.memory_space<hbm>>, %arg4: memref<2048xi32, #tpu.memory_space<hbm>>, %arg5: memref<32768xi32, #tpu.memory_space<hbm>>, %arg6: memref<160000x16xf32, #tpu.memory_space<hbm>>, %arg7: memref<32768x256xf32, #tpu.memory_space<hbm>>, %arg8: memref<2048x256xf32, #tpu.memory_space<hbm>>, %arg9: memref<32768x16xf32, #tpu.memory_space<hbm>>, %arg10: memref<128xi32, #tpu.memory_space<vmem>>, %arg11: memref<128x256xf32, #tpu.memory_space<vmem>>, %arg12: memref<64xi32, #tpu.memory_space<vmem>>, %arg13: memref<1024xi32, #tpu.memory_space<vmem>>, %arg14: memref<1024x16xf32, #tpu.memory_space<vmem>>, %arg15: memref<!tpu.dma_semaphore, #tpu.memory_space<semaphore_mem>>) attributes {dimension_semantics = [#tpu.dimension_semantics<core_parallel>, #tpu.dimension_semantics<subcore_parallel>], iteration_bounds = array<i64: 2, 16>, scalar_prefetch = 0 : i64, scratch_operands = 6 : i64, tpu.core_type = #tpu.core_type<sc_vector_subcore>, window_params = [{transform_indices = #map}, {transform_indices = #map1}, {transform_indices = #map1}, {transform_indices = #map1}, {transform_indices = #map}, {transform_indices = #map}, {transform_indices = #map}, {transform_indices = #map}]} {
    %mul3A = arith.constant 2 : i32
    %mul3A_0 = arith.muli %arg1, %mul3A : i32
    %add3A = arith.addi %mul3A_0, %arg0 : i32
    %mul3A_1 = arith.constant 1024 : i32
    %mul3A_2 = arith.muli %add3A, %mul3A_1 : i32
    "tpu.region"() ({
      %run_scoped3A = tpu.sem_alloc : memref<!tpu.dma_semaphore, #tpu.memory_space<semaphore_mem>>
      %dma_start3A_101 = tpu.memref_slice %arg5[%mul3A_2] : memref<32768xi32, #tpu.memory_space<hbm>> -> memref<1024xi32, #tpu.memory_space<hbm>>
      %dma_start3A_102 = tpu.memref_slice %arg5[%mul3A_2] : memref<32768xi32, #tpu.memory_space<hbm>> -> memref<1024xi32, #tpu.memory_space<hbm>>
      tpu.enqueue_dma source(%dma_start3A_102 : memref<1024xi32, #tpu.memory_space<hbm>>) target(%arg13 : memref<1024xi32, #tpu.memory_space<vmem>>) target_semaphore(%run_scoped3A : memref<!tpu.dma_semaphore, #tpu.memory_space<semaphore_mem>>)
      %dma_wait3A_103 = tpu.memref_slice %arg5[%mul3A_2] : memref<32768xi32, #tpu.memory_space<hbm>> -> memref<1024xi32, #tpu.memory_space<hbm>>
      %dma_wait3A_104 = tpu.memref_slice %arg5[%mul3A_2] : memref<32768xi32, #tpu.memory_space<hbm>> -> memref<1024xi32, #tpu.memory_space<hbm>>
      tpu.wait_dma2 semaphore(%run_scoped3A : memref<!tpu.dma_semaphore, #tpu.memory_space<semaphore_mem>>) src(%dma_wait3A_104 : memref<1024xi32, #tpu.memory_space<hbm>>) dst(%arg13 : memref<1024xi32, #tpu.memory_space<vmem>>)
      tpu.yield
    }) : () -> ()
    %dma_start3A = arith.constant 0 : i32
    %dma_start3A_3 = arith.constant 0 : i32
    %dma_start3A_4 = tpu.memref_slice %arg6[%dma_start3A, %dma_start3A_3] : memref<160000x16xf32, #tpu.memory_space<hbm>> -> memref<160000x16xf32, #tpu.memory_space<hbm>>
    tpu.enqueue_indirect_dma source(%dma_start3A_4 : memref<160000x16xf32, #tpu.memory_space<hbm>>) target(%arg14 : memref<1024x16xf32, #tpu.memory_space<vmem>>) offsets(%arg13 : memref<1024xi32, #tpu.memory_space<vmem>>) semaphore(%arg15 : memref<!tpu.dma_semaphore, #tpu.memory_space<semaphore_mem>>)
    %dma_wait3A = arith.constant 0 : i32
    %dma_wait3A_5 = arith.constant 0 : i32
    %dma_wait3A_6 = tpu.memref_slice %arg6[%dma_wait3A, %dma_wait3A_5] : memref<160000x16xf32, #tpu.memory_space<hbm>> -> memref<160000x16xf32, #tpu.memory_space<hbm>>
    tpu.wait_indirect_dma semaphore(%arg15 : memref<!tpu.dma_semaphore, #tpu.memory_space<semaphore_mem>>) src(%dma_wait3A_6 : memref<160000x16xf32, #tpu.memory_space<hbm>>) dst(%arg14 : memref<1024x16xf32, #tpu.memory_space<vmem>>)
    "tpu.region"() ({
      %run_scoped3A = tpu.sem_alloc : memref<!tpu.dma_semaphore, #tpu.memory_space<semaphore_mem>>
      %dma_start3A_101 = arith.constant 0 : i32
      %dma_start3A_102 = tpu.memref_slice %arg9[%mul3A_2, %dma_start3A_101] : memref<32768x16xf32, #tpu.memory_space<hbm>> -> memref<1024x16xf32, #tpu.memory_space<hbm>>
      %dma_start3A_103 = arith.constant 0 : i32
      %dma_start3A_104 = tpu.memref_slice %arg9[%mul3A_2, %dma_start3A_103] : memref<32768x16xf32, #tpu.memory_space<hbm>> -> memref<1024x16xf32, #tpu.memory_space<hbm>>
      tpu.enqueue_dma source(%arg14 : memref<1024x16xf32, #tpu.memory_space<vmem>>) target(%dma_start3A_104 : memref<1024x16xf32, #tpu.memory_space<hbm>>) target_semaphore(%run_scoped3A : memref<!tpu.dma_semaphore, #tpu.memory_space<semaphore_mem>>)
      %dma_wait3A_105 = arith.constant 0 : i32
      %dma_wait3A_106 = tpu.memref_slice %arg9[%mul3A_2, %dma_wait3A_105] : memref<32768x16xf32, #tpu.memory_space<hbm>> -> memref<1024x16xf32, #tpu.memory_space<hbm>>
      %dma_wait3A_107 = arith.constant 0 : i32
      %dma_wait3A_108 = tpu.memref_slice %arg9[%mul3A_2, %dma_wait3A_107] : memref<32768x16xf32, #tpu.memory_space<hbm>> -> memref<1024x16xf32, #tpu.memory_space<hbm>>
      tpu.wait_dma2 semaphore(%run_scoped3A : memref<!tpu.dma_semaphore, #tpu.memory_space<semaphore_mem>>) src(%arg14 : memref<1024x16xf32, #tpu.memory_space<vmem>>) dst(%dma_wait3A_108 : memref<1024x16xf32, #tpu.memory_space<hbm>>)
      tpu.yield
    }) : () -> ()
    %mul3A_7 = arith.constant 64 : i32
    %mul3A_8 = arith.muli %add3A, %mul3A_7 : i32
    "tpu.region"() ({
      %run_scoped3A = tpu.sem_alloc : memref<!tpu.dma_semaphore, #tpu.memory_space<semaphore_mem>>
      %dma_start3A_101 = tpu.memref_slice %arg4[%mul3A_8] : memref<2048xi32, #tpu.memory_space<hbm>> -> memref<64xi32, #tpu.memory_space<hbm>>
      %dma_start3A_102 = tpu.memref_slice %arg4[%mul3A_8] : memref<2048xi32, #tpu.memory_space<hbm>> -> memref<64xi32, #tpu.memory_space<hbm>>
      tpu.enqueue_dma source(%dma_start3A_102 : memref<64xi32, #tpu.memory_space<hbm>>) target(%arg12 : memref<64xi32, #tpu.memory_space<vmem>>) target_semaphore(%run_scoped3A : memref<!tpu.dma_semaphore, #tpu.memory_space<semaphore_mem>>)
      %dma_wait3A_103 = tpu.memref_slice %arg4[%mul3A_8] : memref<2048xi32, #tpu.memory_space<hbm>> -> memref<64xi32, #tpu.memory_space<hbm>>
      %dma_wait3A_104 = tpu.memref_slice %arg4[%mul3A_8] : memref<2048xi32, #tpu.memory_space<hbm>> -> memref<64xi32, #tpu.memory_space<hbm>>
      tpu.wait_dma2 semaphore(%run_scoped3A : memref<!tpu.dma_semaphore, #tpu.memory_space<semaphore_mem>>) src(%dma_wait3A_104 : memref<64xi32, #tpu.memory_space<hbm>>) dst(%arg12 : memref<64xi32, #tpu.memory_space<vmem>>)
      tpu.yield
    }) : () -> ()
    %dma_start3A_9 = arith.constant 0 : i32
    %dma_start3A_10 = arith.constant 0 : i32
    %dma_start3A_11 = tpu.memref_slice %arg11[%dma_start3A_9, %dma_start3A_10] : memref<128x256xf32, #tpu.memory_space<vmem>> -> memref<64x256xf32, #tpu.memory_space<vmem>>
    %dma_start3A_12 = arith.constant 0 : i32
    %dma_start3A_13 = arith.constant 0 : i32
    %dma_start3A_14 = tpu.memref_slice %arg2[%dma_start3A_12, %dma_start3A_13] : memref<10000x256xf32, #tpu.memory_space<hbm>> -> memref<10000x256xf32, #tpu.memory_space<hbm>>
    tpu.enqueue_indirect_dma source(%dma_start3A_14 : memref<10000x256xf32, #tpu.memory_space<hbm>>) target(%dma_start3A_11 : memref<64x256xf32, #tpu.memory_space<vmem>>) offsets(%arg12 : memref<64xi32, #tpu.memory_space<vmem>>) semaphore(%arg15 : memref<!tpu.dma_semaphore, #tpu.memory_space<semaphore_mem>>)
    %dma_wait3A_15 = arith.constant 0 : i32
    %dma_wait3A_16 = arith.constant 0 : i32
    %dma_wait3A_17 = tpu.memref_slice %arg11[%dma_wait3A_15, %dma_wait3A_16] : memref<128x256xf32, #tpu.memory_space<vmem>> -> memref<64x256xf32, #tpu.memory_space<vmem>>
    %dma_wait3A_18 = arith.constant 0 : i32
    %dma_wait3A_19 = arith.constant 0 : i32
    %dma_wait3A_20 = tpu.memref_slice %arg2[%dma_wait3A_18, %dma_wait3A_19] : memref<10000x256xf32, #tpu.memory_space<hbm>> -> memref<10000x256xf32, #tpu.memory_space<hbm>>
    tpu.wait_indirect_dma semaphore(%arg15 : memref<!tpu.dma_semaphore, #tpu.memory_space<semaphore_mem>>) src(%dma_wait3A_20 : memref<10000x256xf32, #tpu.memory_space<hbm>>) dst(%dma_wait3A_17 : memref<64x256xf32, #tpu.memory_space<vmem>>)
    "tpu.region"() ({
      %run_scoped3A = tpu.sem_alloc : memref<!tpu.dma_semaphore, #tpu.memory_space<semaphore_mem>>
      %dma_start3A_101 = arith.constant 0 : i32
      %dma_start3A_102 = arith.constant 0 : i32
      %dma_start3A_103 = tpu.memref_slice %arg11[%dma_start3A_101, %dma_start3A_102] : memref<128x256xf32, #tpu.memory_space<vmem>> -> memref<64x256xf32, #tpu.memory_space<vmem>>
      %dma_start3A_104 = arith.constant 0 : i32
      %dma_start3A_105 = tpu.memref_slice %arg8[%mul3A_8, %dma_start3A_104] : memref<2048x256xf32, #tpu.memory_space<hbm>> -> memref<64x256xf32, #tpu.memory_space<hbm>>
      %dma_start3A_106 = arith.constant 0 : i32
      %dma_start3A_107 = tpu.memref_slice %arg8[%mul3A_8, %dma_start3A_106] : memref<2048x256xf32, #tpu.memory_space<hbm>> -> memref<64x256xf32, #tpu.memory_space<hbm>>
      %dma_start3A_108 = arith.constant 0 : i32
      %dma_start3A_109 = arith.constant 0 : i32
      %dma_start3A_110 = tpu.memref_slice %arg11[%dma_start3A_108, %dma_start3A_109] : memref<128x256xf32, #tpu.memory_space<vmem>> -> memref<64x256xf32, #tpu.memory_space<vmem>>
      tpu.enqueue_dma source(%dma_start3A_110 : memref<64x256xf32, #tpu.memory_space<vmem>>) target(%dma_start3A_107 : memref<64x256xf32, #tpu.memory_space<hbm>>) target_semaphore(%run_scoped3A : memref<!tpu.dma_semaphore, #tpu.memory_space<semaphore_mem>>)
      %dma_wait3A_111 = arith.constant 0 : i32
      %dma_wait3A_112 = arith.constant 0 : i32
      %dma_wait3A_113 = tpu.memref_slice %arg11[%dma_wait3A_111, %dma_wait3A_112] : memref<128x256xf32, #tpu.memory_space<vmem>> -> memref<64x256xf32, #tpu.memory_space<vmem>>
      %dma_wait3A_114 = arith.constant 0 : i32
      %dma_wait3A_115 = tpu.memref_slice %arg8[%mul3A_8, %dma_wait3A_114] : memref<2048x256xf32, #tpu.memory_space<hbm>> -> memref<64x256xf32, #tpu.memory_space<hbm>>
      %dma_wait3A_116 = arith.constant 0 : i32
      %dma_wait3A_117 = tpu.memref_slice %arg8[%mul3A_8, %dma_wait3A_116] : memref<2048x256xf32, #tpu.memory_space<hbm>> -> memref<64x256xf32, #tpu.memory_space<hbm>>
      %dma_wait3A_118 = arith.constant 0 : i32
      %dma_wait3A_119 = arith.constant 0 : i32
      %dma_wait3A_120 = tpu.memref_slice %arg11[%dma_wait3A_118, %dma_wait3A_119] : memref<128x256xf32, #tpu.memory_space<vmem>> -> memref<64x256xf32, #tpu.memory_space<vmem>>
      tpu.wait_dma2 semaphore(%run_scoped3A : memref<!tpu.dma_semaphore, #tpu.memory_space<semaphore_mem>>) src(%dma_wait3A_120 : memref<64x256xf32, #tpu.memory_space<vmem>>) dst(%dma_wait3A_117 : memref<64x256xf32, #tpu.memory_space<hbm>>)
      tpu.yield
    }) : () -> ()
    %mul3A_21 = arith.constant 1024 : i32
    %mul3A_22 = arith.muli %add3A, %mul3A_21 : i32
    %add3A_23 = arith.constant 0 : i32
    %add3A_24 = arith.addi %mul3A_22, %add3A_23 : i32
    "tpu.region"() ({
      %run_scoped3A = tpu.sem_alloc : memref<!tpu.dma_semaphore, #tpu.memory_space<semaphore_mem>>
      %dma_start3A_101 = tpu.memref_slice %arg3[%add3A_24] : memref<32768xi32, #tpu.memory_space<hbm>> -> memref<128xi32, #tpu.memory_space<hbm>>
      %dma_start3A_102 = tpu.memref_slice %arg3[%add3A_24] : memref<32768xi32, #tpu.memory_space<hbm>> -> memref<128xi32, #tpu.memory_space<hbm>>
      tpu.enqueue_dma source(%dma_start3A_102 : memref<128xi32, #tpu.memory_space<hbm>>) target(%arg10 : memref<128xi32, #tpu.memory_space<vmem>>) target_semaphore(%run_scoped3A : memref<!tpu.dma_semaphore, #tpu.memory_space<semaphore_mem>>)
      %dma_wait3A_103 = tpu.memref_slice %arg3[%add3A_24] : memref<32768xi32, #tpu.memory_space<hbm>> -> memref<128xi32, #tpu.memory_space<hbm>>
      %dma_wait3A_104 = tpu.memref_slice %arg3[%add3A_24] : memref<32768xi32, #tpu.memory_space<hbm>> -> memref<128xi32, #tpu.memory_space<hbm>>
      tpu.wait_dma2 semaphore(%run_scoped3A : memref<!tpu.dma_semaphore, #tpu.memory_space<semaphore_mem>>) src(%dma_wait3A_104 : memref<128xi32, #tpu.memory_space<hbm>>) dst(%arg10 : memref<128xi32, #tpu.memory_space<vmem>>)
      tpu.yield
    }) : () -> ()
    %dma_start3A_25 = arith.constant 0 : i32
    %dma_start3A_26 = arith.constant 0 : i32
    %dma_start3A_27 = tpu.memref_slice %arg2[%dma_start3A_25, %dma_start3A_26] : memref<10000x256xf32, #tpu.memory_space<hbm>> -> memref<10000x256xf32, #tpu.memory_space<hbm>>
    tpu.enqueue_indirect_dma source(%dma_start3A_27 : memref<10000x256xf32, #tpu.memory_space<hbm>>) target(%arg11 : memref<128x256xf32, #tpu.memory_space<vmem>>) offsets(%arg10 : memref<128xi32, #tpu.memory_space<vmem>>) semaphore(%arg15 : memref<!tpu.dma_semaphore, #tpu.memory_space<semaphore_mem>>)
    %dma_wait3A_28 = arith.constant 0 : i32
    %dma_wait3A_29 = arith.constant 0 : i32
    %dma_wait3A_30 = tpu.memref_slice %arg2[%dma_wait3A_28, %dma_wait3A_29] : memref<10000x256xf32, #tpu.memory_space<hbm>> -> memref<10000x256xf32, #tpu.memory_space<hbm>>
    tpu.wait_indirect_dma semaphore(%arg15 : memref<!tpu.dma_semaphore, #tpu.memory_space<semaphore_mem>>) src(%dma_wait3A_30 : memref<10000x256xf32, #tpu.memory_space<hbm>>) dst(%arg11 : memref<128x256xf32, #tpu.memory_space<vmem>>)
    "tpu.region"() ({
      %run_scoped3A = tpu.sem_alloc : memref<!tpu.dma_semaphore, #tpu.memory_space<semaphore_mem>>
      %dma_start3A_101 = arith.constant 0 : i32
      %dma_start3A_102 = tpu.memref_slice %arg7[%add3A_24, %dma_start3A_101] : memref<32768x256xf32, #tpu.memory_space<hbm>> -> memref<128x256xf32, #tpu.memory_space<hbm>>
      %dma_start3A_103 = arith.constant 0 : i32
      %dma_start3A_104 = tpu.memref_slice %arg7[%add3A_24, %dma_start3A_103] : memref<32768x256xf32, #tpu.memory_space<hbm>> -> memref<128x256xf32, #tpu.memory_space<hbm>>
      tpu.enqueue_dma source(%arg11 : memref<128x256xf32, #tpu.memory_space<vmem>>) target(%dma_start3A_104 : memref<128x256xf32, #tpu.memory_space<hbm>>) target_semaphore(%run_scoped3A : memref<!tpu.dma_semaphore, #tpu.memory_space<semaphore_mem>>)
      %dma_wait3A_105 = arith.constant 0 : i32
      %dma_wait3A_106 = tpu.memref_slice %arg7[%add3A_24, %dma_wait3A_105] : memref<32768x256xf32, #tpu.memory_space<hbm>> -> memref<128x256xf32, #tpu.memory_space<hbm>>
      %dma_wait3A_107 = arith.constant 0 : i32
      %dma_wait3A_108 = tpu.memref_slice %arg7[%add3A_24, %dma_wait3A_107] : memref<32768x256xf32, #tpu.memory_space<hbm>> -> memref<128x256xf32, #tpu.memory_space<hbm>>
      tpu.wait_dma2 semaphore(%run_scoped3A : memref<!tpu.dma_semaphore, #tpu.memory_space<semaphore_mem>>) src(%arg11 : memref<128x256xf32, #tpu.memory_space<vmem>>) dst(%dma_wait3A_108 : memref<128x256xf32, #tpu.memory_space<hbm>>)
      tpu.yield
    }) : () -> ()
    %mul3A_31 = arith.constant 1024 : i32
    %mul3A_32 = arith.muli %add3A, %mul3A_31 : i32
    %add3A_33 = arith.constant 128 : i32
    %add3A_34 = arith.addi %mul3A_32, %add3A_33 : i32
    "tpu.region"() ({
      %run_scoped3A = tpu.sem_alloc : memref<!tpu.dma_semaphore, #tpu.memory_space<semaphore_mem>>
      %dma_start3A_101 = tpu.memref_slice %arg3[%add3A_34] : memref<32768xi32, #tpu.memory_space<hbm>> -> memref<128xi32, #tpu.memory_space<hbm>>
      %dma_start3A_102 = tpu.memref_slice %arg3[%add3A_34] : memref<32768xi32, #tpu.memory_space<hbm>> -> memref<128xi32, #tpu.memory_space<hbm>>
      tpu.enqueue_dma source(%dma_start3A_102 : memref<128xi32, #tpu.memory_space<hbm>>) target(%arg10 : memref<128xi32, #tpu.memory_space<vmem>>) target_semaphore(%run_scoped3A : memref<!tpu.dma_semaphore, #tpu.memory_space<semaphore_mem>>)
      %dma_wait3A_103 = tpu.memref_slice %arg3[%add3A_34] : memref<32768xi32, #tpu.memory_space<hbm>> -> memref<128xi32, #tpu.memory_space<hbm>>
      %dma_wait3A_104 = tpu.memref_slice %arg3[%add3A_34] : memref<32768xi32, #tpu.memory_space<hbm>> -> memref<128xi32, #tpu.memory_space<hbm>>
      tpu.wait_dma2 semaphore(%run_scoped3A : memref<!tpu.dma_semaphore, #tpu.memory_space<semaphore_mem>>) src(%dma_wait3A_104 : memref<128xi32, #tpu.memory_space<hbm>>) dst(%arg10 : memref<128xi32, #tpu.memory_space<vmem>>)
      tpu.yield
    }) : () -> ()
    %dma_start3A_35 = arith.constant 0 : i32
    %dma_start3A_36 = arith.constant 0 : i32
    %dma_start3A_37 = tpu.memref_slice %arg2[%dma_start3A_35, %dma_start3A_36] : memref<10000x256xf32, #tpu.memory_space<hbm>> -> memref<10000x256xf32, #tpu.memory_space<hbm>>
    tpu.enqueue_indirect_dma source(%dma_start3A_37 : memref<10000x256xf32, #tpu.memory_space<hbm>>) target(%arg11 : memref<128x256xf32, #tpu.memory_space<vmem>>) offsets(%arg10 : memref<128xi32, #tpu.memory_space<vmem>>) semaphore(%arg15 : memref<!tpu.dma_semaphore, #tpu.memory_space<semaphore_mem>>)
    %dma_wait3A_38 = arith.constant 0 : i32
    %dma_wait3A_39 = arith.constant 0 : i32
    %dma_wait3A_40 = tpu.memref_slice %arg2[%dma_wait3A_38, %dma_wait3A_39] : memref<10000x256xf32, #tpu.memory_space<hbm>> -> memref<10000x256xf32, #tpu.memory_space<hbm>>
    tpu.wait_indirect_dma semaphore(%arg15 : memref<!tpu.dma_semaphore, #tpu.memory_space<semaphore_mem>>) src(%dma_wait3A_40 : memref<10000x256xf32, #tpu.memory_space<hbm>>) dst(%arg11 : memref<128x256xf32, #tpu.memory_space<vmem>>)
    "tpu.region"() ({
      %run_scoped3A = tpu.sem_alloc : memref<!tpu.dma_semaphore, #tpu.memory_space<semaphore_mem>>
      %dma_start3A_101 = arith.constant 0 : i32
      %dma_start3A_102 = tpu.memref_slice %arg7[%add3A_34, %dma_start3A_101] : memref<32768x256xf32, #tpu.memory_space<hbm>> -> memref<128x256xf32, #tpu.memory_space<hbm>>
      %dma_start3A_103 = arith.constant 0 : i32
      %dma_start3A_104 = tpu.memref_slice %arg7[%add3A_34, %dma_start3A_103] : memref<32768x256xf32, #tpu.memory_space<hbm>> -> memref<128x256xf32, #tpu.memory_space<hbm>>
      tpu.enqueue_dma source(%arg11 : memref<128x256xf32, #tpu.memory_space<vmem>>) target(%dma_start3A_104 : memref<128x256xf32, #tpu.memory_space<hbm>>) target_semaphore(%run_scoped3A : memref<!tpu.dma_semaphore, #tpu.memory_space<semaphore_mem>>)
      %dma_wait3A_105 = arith.constant 0 : i32
      %dma_wait3A_106 = tpu.memref_slice %arg7[%add3A_34, %dma_wait3A_105] : memref<32768x256xf32, #tpu.memory_space<hbm>> -> memref<128x256xf32, #tpu.memory_space<hbm>>
      %dma_wait3A_107 = arith.constant 0 : i32
      %dma_wait3A_108 = tpu.memref_slice %arg7[%add3A_34, %dma_wait3A_107] : memref<32768x256xf32, #tpu.memory_space<hbm>> -> memref<128x256xf32, #tpu.memory_space<hbm>>
      tpu.wait_dma2 semaphore(%run_scoped3A : memref<!tpu.dma_semaphore, #tpu.memory_space<semaphore_mem>>) src(%arg11 : memref<128x256xf32, #tpu.memory_space<vmem>>) dst(%dma_wait3A_108 : memref<128x256xf32, #tpu.memory_space<hbm>>)
      tpu.yield
    }) : () -> ()
    %mul3A_41 = arith.constant 1024 : i32
    %mul3A_42 = arith.muli %add3A, %mul3A_41 : i32
    %add3A_43 = arith.constant 256 : i32
    %add3A_44 = arith.addi %mul3A_42, %add3A_43 : i32
    "tpu.region"() ({
      %run_scoped3A = tpu.sem_alloc : memref<!tpu.dma_semaphore, #tpu.memory_space<semaphore_mem>>
      %dma_start3A_101 = tpu.memref_slice %arg3[%add3A_44] : memref<32768xi32, #tpu.memory_space<hbm>> -> memref<128xi32, #tpu.memory_space<hbm>>
      %dma_start3A_102 = tpu.memref_slice %arg3[%add3A_44] : memref<32768xi32, #tpu.memory_space<hbm>> -> memref<128xi32, #tpu.memory_space<hbm>>
      tpu.enqueue_dma source(%dma_start3A_102 : memref<128xi32, #tpu.memory_space<hbm>>) target(%arg10 : memref<128xi32, #tpu.memory_space<vmem>>) target_semaphore(%run_scoped3A : memref<!tpu.dma_semaphore, #tpu.memory_space<semaphore_mem>>)
      %dma_wait3A_103 = tpu.memref_slice %arg3[%add3A_44] : memref<32768xi32, #tpu.memory_space<hbm>> -> memref<128xi32, #tpu.memory_space<hbm>>
      %dma_wait3A_104 = tpu.memref_slice %arg3[%add3A_44] : memref<32768xi32, #tpu.memory_space<hbm>> -> memref<128xi32, #tpu.memory_space<hbm>>
      tpu.wait_dma2 semaphore(%run_scoped3A : memref<!tpu.dma_semaphore, #tpu.memory_space<semaphore_mem>>) src(%dma_wait3A_104 : memref<128xi32, #tpu.memory_space<hbm>>) dst(%arg10 : memref<128xi32, #tpu.memory_space<vmem>>)
      tpu.yield
    }) : () -> ()
    %dma_start3A_45 = arith.constant 0 : i32
    %dma_start3A_46 = arith.constant 0 : i32
    %dma_start3A_47 = tpu.memref_slice %arg2[%dma_start3A_45, %dma_start3A_46] : memref<10000x256xf32, #tpu.memory_space<hbm>> -> memref<10000x256xf32, #tpu.memory_space<hbm>>
    tpu.enqueue_indirect_dma source(%dma_start3A_47 : memref<10000x256xf32, #tpu.memory_space<hbm>>) target(%arg11 : memref<128x256xf32, #tpu.memory_space<vmem>>) offsets(%arg10 : memref<128xi32, #tpu.memory_space<vmem>>) semaphore(%arg15 : memref<!tpu.dma_semaphore, #tpu.memory_space<semaphore_mem>>)
    %dma_wait3A_48 = arith.constant 0 : i32
    %dma_wait3A_49 = arith.constant 0 : i32
    %dma_wait3A_50 = tpu.memref_slice %arg2[%dma_wait3A_48, %dma_wait3A_49] : memref<10000x256xf32, #tpu.memory_space<hbm>> -> memref<10000x256xf32, #tpu.memory_space<hbm>>
    tpu.wait_indirect_dma semaphore(%arg15 : memref<!tpu.dma_semaphore, #tpu.memory_space<semaphore_mem>>) src(%dma_wait3A_50 : memref<10000x256xf32, #tpu.memory_space<hbm>>) dst(%arg11 : memref<128x256xf32, #tpu.memory_space<vmem>>)
    "tpu.region"() ({
      %run_scoped3A = tpu.sem_alloc : memref<!tpu.dma_semaphore, #tpu.memory_space<semaphore_mem>>
      %dma_start3A_101 = arith.constant 0 : i32
      %dma_start3A_102 = tpu.memref_slice %arg7[%add3A_44, %dma_start3A_101] : memref<32768x256xf32, #tpu.memory_space<hbm>> -> memref<128x256xf32, #tpu.memory_space<hbm>>
      %dma_start3A_103 = arith.constant 0 : i32
      %dma_start3A_104 = tpu.memref_slice %arg7[%add3A_44, %dma_start3A_103] : memref<32768x256xf32, #tpu.memory_space<hbm>> -> memref<128x256xf32, #tpu.memory_space<hbm>>
      tpu.enqueue_dma source(%arg11 : memref<128x256xf32, #tpu.memory_space<vmem>>) target(%dma_start3A_104 : memref<128x256xf32, #tpu.memory_space<hbm>>) target_semaphore(%run_scoped3A : memref<!tpu.dma_semaphore, #tpu.memory_space<semaphore_mem>>)
      %dma_wait3A_105 = arith.constant 0 : i32
      %dma_wait3A_106 = tpu.memref_slice %arg7[%add3A_44, %dma_wait3A_105] : memref<32768x256xf32, #tpu.memory_space<hbm>> -> memref<128x256xf32, #tpu.memory_space<hbm>>
      %dma_wait3A_107 = arith.constant 0 : i32
      %dma_wait3A_108 = tpu.memref_slice %arg7[%add3A_44, %dma_wait3A_107] : memref<32768x256xf32, #tpu.memory_space<hbm>> -> memref<128x256xf32, #tpu.memory_space<hbm>>
      tpu.wait_dma2 semaphore(%run_scoped3A : memref<!tpu.dma_semaphore, #tpu.memory_space<semaphore_mem>>) src(%arg11 : memref<128x256xf32, #tpu.memory_space<vmem>>) dst(%dma_wait3A_108 : memref<128x256xf32, #tpu.memory_space<hbm>>)
      tpu.yield
    }) : () -> ()
    %mul3A_51 = arith.constant 1024 : i32
    %mul3A_52 = arith.muli %add3A, %mul3A_51 : i32
    %add3A_53 = arith.constant 384 : i32
    %add3A_54 = arith.addi %mul3A_52, %add3A_53 : i32
    "tpu.region"() ({
      %run_scoped3A = tpu.sem_alloc : memref<!tpu.dma_semaphore, #tpu.memory_space<semaphore_mem>>
      %dma_start3A_101 = tpu.memref_slice %arg3[%add3A_54] : memref<32768xi32, #tpu.memory_space<hbm>> -> memref<128xi32, #tpu.memory_space<hbm>>
      %dma_start3A_102 = tpu.memref_slice %arg3[%add3A_54] : memref<32768xi32, #tpu.memory_space<hbm>> -> memref<128xi32, #tpu.memory_space<hbm>>
      tpu.enqueue_dma source(%dma_start3A_102 : memref<128xi32, #tpu.memory_space<hbm>>) target(%arg10 : memref<128xi32, #tpu.memory_space<vmem>>) target_semaphore(%run_scoped3A : memref<!tpu.dma_semaphore, #tpu.memory_space<semaphore_mem>>)
      %dma_wait3A_103 = tpu.memref_slice %arg3[%add3A_54] : memref<32768xi32, #tpu.memory_space<hbm>> -> memref<128xi32, #tpu.memory_space<hbm>>
      %dma_wait3A_104 = tpu.memref_slice %arg3[%add3A_54] : memref<32768xi32, #tpu.memory_space<hbm>> -> memref<128xi32, #tpu.memory_space<hbm>>
      tpu.wait_dma2 semaphore(%run_scoped3A : memref<!tpu.dma_semaphore, #tpu.memory_space<semaphore_mem>>) src(%dma_wait3A_104 : memref<128xi32, #tpu.memory_space<hbm>>) dst(%arg10 : memref<128xi32, #tpu.memory_space<vmem>>)
      tpu.yield
    }) : () -> ()
    %dma_start3A_55 = arith.constant 0 : i32
    %dma_start3A_56 = arith.constant 0 : i32
    %dma_start3A_57 = tpu.memref_slice %arg2[%dma_start3A_55, %dma_start3A_56] : memref<10000x256xf32, #tpu.memory_space<hbm>> -> memref<10000x256xf32, #tpu.memory_space<hbm>>
    tpu.enqueue_indirect_dma source(%dma_start3A_57 : memref<10000x256xf32, #tpu.memory_space<hbm>>) target(%arg11 : memref<128x256xf32, #tpu.memory_space<vmem>>) offsets(%arg10 : memref<128xi32, #tpu.memory_space<vmem>>) semaphore(%arg15 : memref<!tpu.dma_semaphore, #tpu.memory_space<semaphore_mem>>)
    %dma_wait3A_58 = arith.constant 0 : i32
    %dma_wait3A_59 = arith.constant 0 : i32
    %dma_wait3A_60 = tpu.memref_slice %arg2[%dma_wait3A_58, %dma_wait3A_59] : memref<10000x256xf32, #tpu.memory_space<hbm>> -> memref<10000x256xf32, #tpu.memory_space<hbm>>
    tpu.wait_indirect_dma semaphore(%arg15 : memref<!tpu.dma_semaphore, #tpu.memory_space<semaphore_mem>>) src(%dma_wait3A_60 : memref<10000x256xf32, #tpu.memory_space<hbm>>) dst(%arg11 : memref<128x256xf32, #tpu.memory_space<vmem>>)
    "tpu.region"() ({
      %run_scoped3A = tpu.sem_alloc : memref<!tpu.dma_semaphore, #tpu.memory_space<semaphore_mem>>
      %dma_start3A_101 = arith.constant 0 : i32
      %dma_start3A_102 = tpu.memref_slice %arg7[%add3A_54, %dma_start3A_101] : memref<32768x256xf32, #tpu.memory_space<hbm>> -> memref<128x256xf32, #tpu.memory_space<hbm>>
      %dma_start3A_103 = arith.constant 0 : i32
      %dma_start3A_104 = tpu.memref_slice %arg7[%add3A_54, %dma_start3A_103] : memref<32768x256xf32, #tpu.memory_space<hbm>> -> memref<128x256xf32, #tpu.memory_space<hbm>>
      tpu.enqueue_dma source(%arg11 : memref<128x256xf32, #tpu.memory_space<vmem>>) target(%dma_start3A_104 : memref<128x256xf32, #tpu.memory_space<hbm>>) target_semaphore(%run_scoped3A : memref<!tpu.dma_semaphore, #tpu.memory_space<semaphore_mem>>)
      %dma_wait3A_105 = arith.constant 0 : i32
      %dma_wait3A_106 = tpu.memref_slice %arg7[%add3A_54, %dma_wait3A_105] : memref<32768x256xf32, #tpu.memory_space<hbm>> -> memref<128x256xf32, #tpu.memory_space<hbm>>
      %dma_wait3A_107 = arith.constant 0 : i32
      %dma_wait3A_108 = tpu.memref_slice %arg7[%add3A_54, %dma_wait3A_107] : memref<32768x256xf32, #tpu.memory_space<hbm>> -> memref<128x256xf32, #tpu.memory_space<hbm>>
      tpu.wait_dma2 semaphore(%run_scoped3A : memref<!tpu.dma_semaphore, #tpu.memory_space<semaphore_mem>>) src(%arg11 : memref<128x256xf32, #tpu.memory_space<vmem>>) dst(%dma_wait3A_108 : memref<128x256xf32, #tpu.memory_space<hbm>>)
      tpu.yield
    }) : () -> ()
    %mul3A_61 = arith.constant 1024 : i32
    %mul3A_62 = arith.muli %add3A, %mul3A_61 : i32
    %add3A_63 = arith.constant 512 : i32
    %add3A_64 = arith.addi %mul3A_62, %add3A_63 : i32
    "tpu.region"() ({
      %run_scoped3A = tpu.sem_alloc : memref<!tpu.dma_semaphore, #tpu.memory_space<semaphore_mem>>
      %dma_start3A_101 = tpu.memref_slice %arg3[%add3A_64] : memref<32768xi32, #tpu.memory_space<hbm>> -> memref<128xi32, #tpu.memory_space<hbm>>
      %dma_start3A_102 = tpu.memref_slice %arg3[%add3A_64] : memref<32768xi32, #tpu.memory_space<hbm>> -> memref<128xi32, #tpu.memory_space<hbm>>
      tpu.enqueue_dma source(%dma_start3A_102 : memref<128xi32, #tpu.memory_space<hbm>>) target(%arg10 : memref<128xi32, #tpu.memory_space<vmem>>) target_semaphore(%run_scoped3A : memref<!tpu.dma_semaphore, #tpu.memory_space<semaphore_mem>>)
      %dma_wait3A_103 = tpu.memref_slice %arg3[%add3A_64] : memref<32768xi32, #tpu.memory_space<hbm>> -> memref<128xi32, #tpu.memory_space<hbm>>
      %dma_wait3A_104 = tpu.memref_slice %arg3[%add3A_64] : memref<32768xi32, #tpu.memory_space<hbm>> -> memref<128xi32, #tpu.memory_space<hbm>>
      tpu.wait_dma2 semaphore(%run_scoped3A : memref<!tpu.dma_semaphore, #tpu.memory_space<semaphore_mem>>) src(%dma_wait3A_104 : memref<128xi32, #tpu.memory_space<hbm>>) dst(%arg10 : memref<128xi32, #tpu.memory_space<vmem>>)
      tpu.yield
    }) : () -> ()
    %dma_start3A_65 = arith.constant 0 : i32
    %dma_start3A_66 = arith.constant 0 : i32
    %dma_start3A_67 = tpu.memref_slice %arg2[%dma_start3A_65, %dma_start3A_66] : memref<10000x256xf32, #tpu.memory_space<hbm>> -> memref<10000x256xf32, #tpu.memory_space<hbm>>
    tpu.enqueue_indirect_dma source(%dma_start3A_67 : memref<10000x256xf32, #tpu.memory_space<hbm>>) target(%arg11 : memref<128x256xf32, #tpu.memory_space<vmem>>) offsets(%arg10 : memref<128xi32, #tpu.memory_space<vmem>>) semaphore(%arg15 : memref<!tpu.dma_semaphore, #tpu.memory_space<semaphore_mem>>)
    %dma_wait3A_68 = arith.constant 0 : i32
    %dma_wait3A_69 = arith.constant 0 : i32
    %dma_wait3A_70 = tpu.memref_slice %arg2[%dma_wait3A_68, %dma_wait3A_69] : memref<10000x256xf32, #tpu.memory_space<hbm>> -> memref<10000x256xf32, #tpu.memory_space<hbm>>
    tpu.wait_indirect_dma semaphore(%arg15 : memref<!tpu.dma_semaphore, #tpu.memory_space<semaphore_mem>>) src(%dma_wait3A_70 : memref<10000x256xf32, #tpu.memory_space<hbm>>) dst(%arg11 : memref<128x256xf32, #tpu.memory_space<vmem>>)
    "tpu.region"() ({
      %run_scoped3A = tpu.sem_alloc : memref<!tpu.dma_semaphore, #tpu.memory_space<semaphore_mem>>
      %dma_start3A_101 = arith.constant 0 : i32
      %dma_start3A_102 = tpu.memref_slice %arg7[%add3A_64, %dma_start3A_101] : memref<32768x256xf32, #tpu.memory_space<hbm>> -> memref<128x256xf32, #tpu.memory_space<hbm>>
      %dma_start3A_103 = arith.constant 0 : i32
      %dma_start3A_104 = tpu.memref_slice %arg7[%add3A_64, %dma_start3A_103] : memref<32768x256xf32, #tpu.memory_space<hbm>> -> memref<128x256xf32, #tpu.memory_space<hbm>>
      tpu.enqueue_dma source(%arg11 : memref<128x256xf32, #tpu.memory_space<vmem>>) target(%dma_start3A_104 : memref<128x256xf32, #tpu.memory_space<hbm>>) target_semaphore(%run_scoped3A : memref<!tpu.dma_semaphore, #tpu.memory_space<semaphore_mem>>)
      %dma_wait3A_105 = arith.constant 0 : i32
      %dma_wait3A_106 = tpu.memref_slice %arg7[%add3A_64, %dma_wait3A_105] : memref<32768x256xf32, #tpu.memory_space<hbm>> -> memref<128x256xf32, #tpu.memory_space<hbm>>
      %dma_wait3A_107 = arith.constant 0 : i32
      %dma_wait3A_108 = tpu.memref_slice %arg7[%add3A_64, %dma_wait3A_107] : memref<32768x256xf32, #tpu.memory_space<hbm>> -> memref<128x256xf32, #tpu.memory_space<hbm>>
      tpu.wait_dma2 semaphore(%run_scoped3A : memref<!tpu.dma_semaphore, #tpu.memory_space<semaphore_mem>>) src(%arg11 : memref<128x256xf32, #tpu.memory_space<vmem>>) dst(%dma_wait3A_108 : memref<128x256xf32, #tpu.memory_space<hbm>>)
      tpu.yield
    }) : () -> ()
    %mul3A_71 = arith.constant 1024 : i32
    %mul3A_72 = arith.muli %add3A, %mul3A_71 : i32
    %add3A_73 = arith.constant 640 : i32
    %add3A_74 = arith.addi %mul3A_72, %add3A_73 : i32
    "tpu.region"() ({
      %run_scoped3A = tpu.sem_alloc : memref<!tpu.dma_semaphore, #tpu.memory_space<semaphore_mem>>
      %dma_start3A_101 = tpu.memref_slice %arg3[%add3A_74] : memref<32768xi32, #tpu.memory_space<hbm>> -> memref<128xi32, #tpu.memory_space<hbm>>
      %dma_start3A_102 = tpu.memref_slice %arg3[%add3A_74] : memref<32768xi32, #tpu.memory_space<hbm>> -> memref<128xi32, #tpu.memory_space<hbm>>
      tpu.enqueue_dma source(%dma_start3A_102 : memref<128xi32, #tpu.memory_space<hbm>>) target(%arg10 : memref<128xi32, #tpu.memory_space<vmem>>) target_semaphore(%run_scoped3A : memref<!tpu.dma_semaphore, #tpu.memory_space<semaphore_mem>>)
      %dma_wait3A_103 = tpu.memref_slice %arg3[%add3A_74] : memref<32768xi32, #tpu.memory_space<hbm>> -> memref<128xi32, #tpu.memory_space<hbm>>
      %dma_wait3A_104 = tpu.memref_slice %arg3[%add3A_74] : memref<32768xi32, #tpu.memory_space<hbm>> -> memref<128xi32, #tpu.memory_space<hbm>>
      tpu.wait_dma2 semaphore(%run_scoped3A : memref<!tpu.dma_semaphore, #tpu.memory_space<semaphore_mem>>) src(%dma_wait3A_104 : memref<128xi32, #tpu.memory_space<hbm>>) dst(%arg10 : memref<128xi32, #tpu.memory_space<vmem>>)
      tpu.yield
    }) : () -> ()
    %dma_start3A_75 = arith.constant 0 : i32
    %dma_start3A_76 = arith.constant 0 : i32
    %dma_start3A_77 = tpu.memref_slice %arg2[%dma_start3A_75, %dma_start3A_76] : memref<10000x256xf32, #tpu.memory_space<hbm>> -> memref<10000x256xf32, #tpu.memory_space<hbm>>
    tpu.enqueue_indirect_dma source(%dma_start3A_77 : memref<10000x256xf32, #tpu.memory_space<hbm>>) target(%arg11 : memref<128x256xf32, #tpu.memory_space<vmem>>) offsets(%arg10 : memref<128xi32, #tpu.memory_space<vmem>>) semaphore(%arg15 : memref<!tpu.dma_semaphore, #tpu.memory_space<semaphore_mem>>)
    %dma_wait3A_78 = arith.constant 0 : i32
    %dma_wait3A_79 = arith.constant 0 : i32
    %dma_wait3A_80 = tpu.memref_slice %arg2[%dma_wait3A_78, %dma_wait3A_79] : memref<10000x256xf32, #tpu.memory_space<hbm>> -> memref<10000x256xf32, #tpu.memory_space<hbm>>
    tpu.wait_indirect_dma semaphore(%arg15 : memref<!tpu.dma_semaphore, #tpu.memory_space<semaphore_mem>>) src(%dma_wait3A_80 : memref<10000x256xf32, #tpu.memory_space<hbm>>) dst(%arg11 : memref<128x256xf32, #tpu.memory_space<vmem>>)
    "tpu.region"() ({
      %run_scoped3A = tpu.sem_alloc : memref<!tpu.dma_semaphore, #tpu.memory_space<semaphore_mem>>
      %dma_start3A_101 = arith.constant 0 : i32
      %dma_start3A_102 = tpu.memref_slice %arg7[%add3A_74, %dma_start3A_101] : memref<32768x256xf32, #tpu.memory_space<hbm>> -> memref<128x256xf32, #tpu.memory_space<hbm>>
      %dma_start3A_103 = arith.constant 0 : i32
      %dma_start3A_104 = tpu.memref_slice %arg7[%add3A_74, %dma_start3A_103] : memref<32768x256xf32, #tpu.memory_space<hbm>> -> memref<128x256xf32, #tpu.memory_space<hbm>>
      tpu.enqueue_dma source(%arg11 : memref<128x256xf32, #tpu.memory_space<vmem>>) target(%dma_start3A_104 : memref<128x256xf32, #tpu.memory_space<hbm>>) target_semaphore(%run_scoped3A : memref<!tpu.dma_semaphore, #tpu.memory_space<semaphore_mem>>)
      %dma_wait3A_105 = arith.constant 0 : i32
      %dma_wait3A_106 = tpu.memref_slice %arg7[%add3A_74, %dma_wait3A_105] : memref<32768x256xf32, #tpu.memory_space<hbm>> -> memref<128x256xf32, #tpu.memory_space<hbm>>
      %dma_wait3A_107 = arith.constant 0 : i32
      %dma_wait3A_108 = tpu.memref_slice %arg7[%add3A_74, %dma_wait3A_107] : memref<32768x256xf32, #tpu.memory_space<hbm>> -> memref<128x256xf32, #tpu.memory_space<hbm>>
      tpu.wait_dma2 semaphore(%run_scoped3A : memref<!tpu.dma_semaphore, #tpu.memory_space<semaphore_mem>>) src(%arg11 : memref<128x256xf32, #tpu.memory_space<vmem>>) dst(%dma_wait3A_108 : memref<128x256xf32, #tpu.memory_space<hbm>>)
      tpu.yield
    }) : () -> ()
    %mul3A_81 = arith.constant 1024 : i32
    %mul3A_82 = arith.muli %add3A, %mul3A_81 : i32
    %add3A_83 = arith.constant 768 : i32
    %add3A_84 = arith.addi %mul3A_82, %add3A_83 : i32
    "tpu.region"() ({
      %run_scoped3A = tpu.sem_alloc : memref<!tpu.dma_semaphore, #tpu.memory_space<semaphore_mem>>
      %dma_start3A_101 = tpu.memref_slice %arg3[%add3A_84] : memref<32768xi32, #tpu.memory_space<hbm>> -> memref<128xi32, #tpu.memory_space<hbm>>
      %dma_start3A_102 = tpu.memref_slice %arg3[%add3A_84] : memref<32768xi32, #tpu.memory_space<hbm>> -> memref<128xi32, #tpu.memory_space<hbm>>
      tpu.enqueue_dma source(%dma_start3A_102 : memref<128xi32, #tpu.memory_space<hbm>>) target(%arg10 : memref<128xi32, #tpu.memory_space<vmem>>) target_semaphore(%run_scoped3A : memref<!tpu.dma_semaphore, #tpu.memory_space<semaphore_mem>>)
      %dma_wait3A_103 = tpu.memref_slice %arg3[%add3A_84] : memref<32768xi32, #tpu.memory_space<hbm>> -> memref<128xi32, #tpu.memory_space<hbm>>
      %dma_wait3A_104 = tpu.memref_slice %arg3[%add3A_84] : memref<32768xi32, #tpu.memory_space<hbm>> -> memref<128xi32, #tpu.memory_space<hbm>>
      tpu.wait_dma2 semaphore(%run_scoped3A : memref<!tpu.dma_semaphore, #tpu.memory_space<semaphore_mem>>) src(%dma_wait3A_104 : memref<128xi32, #tpu.memory_space<hbm>>) dst(%arg10 : memref<128xi32, #tpu.memory_space<vmem>>)
      tpu.yield
    }) : () -> ()
    %dma_start3A_85 = arith.constant 0 : i32
    %dma_start3A_86 = arith.constant 0 : i32
    %dma_start3A_87 = tpu.memref_slice %arg2[%dma_start3A_85, %dma_start3A_86] : memref<10000x256xf32, #tpu.memory_space<hbm>> -> memref<10000x256xf32, #tpu.memory_space<hbm>>
    tpu.enqueue_indirect_dma source(%dma_start3A_87 : memref<10000x256xf32, #tpu.memory_space<hbm>>) target(%arg11 : memref<128x256xf32, #tpu.memory_space<vmem>>) offsets(%arg10 : memref<128xi32, #tpu.memory_space<vmem>>) semaphore(%arg15 : memref<!tpu.dma_semaphore, #tpu.memory_space<semaphore_mem>>)
    %dma_wait3A_88 = arith.constant 0 : i32
    %dma_wait3A_89 = arith.constant 0 : i32
    %dma_wait3A_90 = tpu.memref_slice %arg2[%dma_wait3A_88, %dma_wait3A_89] : memref<10000x256xf32, #tpu.memory_space<hbm>> -> memref<10000x256xf32, #tpu.memory_space<hbm>>
    tpu.wait_indirect_dma semaphore(%arg15 : memref<!tpu.dma_semaphore, #tpu.memory_space<semaphore_mem>>) src(%dma_wait3A_90 : memref<10000x256xf32, #tpu.memory_space<hbm>>) dst(%arg11 : memref<128x256xf32, #tpu.memory_space<vmem>>)
    "tpu.region"() ({
      %run_scoped3A = tpu.sem_alloc : memref<!tpu.dma_semaphore, #tpu.memory_space<semaphore_mem>>
      %dma_start3A_101 = arith.constant 0 : i32
      %dma_start3A_102 = tpu.memref_slice %arg7[%add3A_84, %dma_start3A_101] : memref<32768x256xf32, #tpu.memory_space<hbm>> -> memref<128x256xf32, #tpu.memory_space<hbm>>
      %dma_start3A_103 = arith.constant 0 : i32
      %dma_start3A_104 = tpu.memref_slice %arg7[%add3A_84, %dma_start3A_103] : memref<32768x256xf32, #tpu.memory_space<hbm>> -> memref<128x256xf32, #tpu.memory_space<hbm>>
      tpu.enqueue_dma source(%arg11 : memref<128x256xf32, #tpu.memory_space<vmem>>) target(%dma_start3A_104 : memref<128x256xf32, #tpu.memory_space<hbm>>) target_semaphore(%run_scoped3A : memref<!tpu.dma_semaphore, #tpu.memory_space<semaphore_mem>>)
      %dma_wait3A_105 = arith.constant 0 : i32
      %dma_wait3A_106 = tpu.memref_slice %arg7[%add3A_84, %dma_wait3A_105] : memref<32768x256xf32, #tpu.memory_space<hbm>> -> memref<128x256xf32, #tpu.memory_space<hbm>>
      %dma_wait3A_107 = arith.constant 0 : i32
      %dma_wait3A_108 = tpu.memref_slice %arg7[%add3A_84, %dma_wait3A_107] : memref<32768x256xf32, #tpu.memory_space<hbm>> -> memref<128x256xf32, #tpu.memory_space<hbm>>
      tpu.wait_dma2 semaphore(%run_scoped3A : memref<!tpu.dma_semaphore, #tpu.memory_space<semaphore_mem>>) src(%arg11 : memref<128x256xf32, #tpu.memory_space<vmem>>) dst(%dma_wait3A_108 : memref<128x256xf32, #tpu.memory_space<hbm>>)
      tpu.yield
    }) : () -> ()
    %mul3A_91 = arith.constant 1024 : i32
    %mul3A_92 = arith.muli %add3A, %mul3A_91 : i32
    %add3A_93 = arith.constant 896 : i32
    %add3A_94 = arith.addi %mul3A_92, %add3A_93 : i32
    "tpu.region"() ({
      %run_scoped3A = tpu.sem_alloc : memref<!tpu.dma_semaphore, #tpu.memory_space<semaphore_mem>>
      %dma_start3A_101 = tpu.memref_slice %arg3[%add3A_94] : memref<32768xi32, #tpu.memory_space<hbm>> -> memref<128xi32, #tpu.memory_space<hbm>>
      %dma_start3A_102 = tpu.memref_slice %arg3[%add3A_94] : memref<32768xi32, #tpu.memory_space<hbm>> -> memref<128xi32, #tpu.memory_space<hbm>>
      tpu.enqueue_dma source(%dma_start3A_102 : memref<128xi32, #tpu.memory_space<hbm>>) target(%arg10 : memref<128xi32, #tpu.memory_space<vmem>>) target_semaphore(%run_scoped3A : memref<!tpu.dma_semaphore, #tpu.memory_space<semaphore_mem>>)
      %dma_wait3A_103 = tpu.memref_slice %arg3[%add3A_94] : memref<32768xi32, #tpu.memory_space<hbm>> -> memref<128xi32, #tpu.memory_space<hbm>>
      %dma_wait3A_104 = tpu.memref_slice %arg3[%add3A_94] : memref<32768xi32, #tpu.memory_space<hbm>> -> memref<128xi32, #tpu.memory_space<hbm>>
      tpu.wait_dma2 semaphore(%run_scoped3A : memref<!tpu.dma_semaphore, #tpu.memory_space<semaphore_mem>>) src(%dma_wait3A_104 : memref<128xi32, #tpu.memory_space<hbm>>) dst(%arg10 : memref<128xi32, #tpu.memory_space<vmem>>)
      tpu.yield
    }) : () -> ()
    %dma_start3A_95 = arith.constant 0 : i32
    %dma_start3A_96 = arith.constant 0 : i32
    %dma_start3A_97 = tpu.memref_slice %arg2[%dma_start3A_95, %dma_start3A_96] : memref<10000x256xf32, #tpu.memory_space<hbm>> -> memref<10000x256xf32, #tpu.memory_space<hbm>>
    tpu.enqueue_indirect_dma source(%dma_start3A_97 : memref<10000x256xf32, #tpu.memory_space<hbm>>) target(%arg11 : memref<128x256xf32, #tpu.memory_space<vmem>>) offsets(%arg10 : memref<128xi32, #tpu.memory_space<vmem>>) semaphore(%arg15 : memref<!tpu.dma_semaphore, #tpu.memory_space<semaphore_mem>>)
    %dma_wait3A_98 = arith.constant 0 : i32
    %dma_wait3A_99 = arith.constant 0 : i32
    %dma_wait3A_100 = tpu.memref_slice %arg2[%dma_wait3A_98, %dma_wait3A_99] : memref<10000x256xf32, #tpu.memory_space<hbm>> -> memref<10000x256xf32, #tpu.memory_space<hbm>>
    tpu.wait_indirect_dma semaphore(%arg15 : memref<!tpu.dma_semaphore, #tpu.memory_space<semaphore_mem>>) src(%dma_wait3A_100 : memref<10000x256xf32, #tpu.memory_space<hbm>>) dst(%arg11 : memref<128x256xf32, #tpu.memory_space<vmem>>)
    "tpu.region"() ({
      %run_scoped3A = tpu.sem_alloc : memref<!tpu.dma_semaphore, #tpu.memory_space<semaphore_mem>>
      %dma_start3A_101 = arith.constant 0 : i32
      %dma_start3A_102 = tpu.memref_slice %arg7[%add3A_94, %dma_start3A_101] : memref<32768x256xf32, #tpu.memory_space<hbm>> -> memref<128x256xf32, #tpu.memory_space<hbm>>
      %dma_start3A_103 = arith.constant 0 : i32
      %dma_start3A_104 = tpu.memref_slice %arg7[%add3A_94, %dma_start3A_103] : memref<32768x256xf32, #tpu.memory_space<hbm>> -> memref<128x256xf32, #tpu.memory_space<hbm>>
      tpu.enqueue_dma source(%arg11 : memref<128x256xf32, #tpu.memory_space<vmem>>) target(%dma_start3A_104 : memref<128x256xf32, #tpu.memory_space<hbm>>) target_semaphore(%run_scoped3A : memref<!tpu.dma_semaphore, #tpu.memory_space<semaphore_mem>>)
      %dma_wait3A_105 = arith.constant 0 : i32
      %dma_wait3A_106 = tpu.memref_slice %arg7[%add3A_94, %dma_wait3A_105] : memref<32768x256xf32, #tpu.memory_space<hbm>> -> memref<128x256xf32, #tpu.memory_space<hbm>>
      %dma_wait3A_107 = arith.constant 0 : i32
      %dma_wait3A_108 = tpu.memref_slice %arg7[%add3A_94, %dma_wait3A_107] : memref<32768x256xf32, #tpu.memory_space<hbm>> -> memref<128x256xf32, #tpu.memory_space<hbm>>
      tpu.wait_dma2 semaphore(%run_scoped3A : memref<!tpu.dma_semaphore, #tpu.memory_space<semaphore_mem>>) src(%arg11 : memref<128x256xf32, #tpu.memory_space<vmem>>) dst(%dma_wait3A_108 : memref<128x256xf32, #tpu.memory_space<hbm>>)
      tpu.yield
    }) : () -> ()
    return
  }
}

module attributes {stable_mosaic.version = 14 : i64} {
  func.func @_tc_body(%arg0: i32, %arg1: memref<256x256xf32, #tpu.memory_space<vmem>>, %arg2: memref<256x4096xf32, #tpu.memory_space<vmem>>, %arg3: memref<256x256xf32, #tpu.memory_space<vmem>>, %arg4: memref<256x16xi32, #tpu.memory_space<vmem>>, %arg5: memref<256x16xf32, #tpu.memory_space<vmem>>, %arg6: memref<256x256xf32, #tpu.memory_space<vmem>>, %arg7: memref<256x256xf32, #tpu.memory_space<vmem>>, %arg8: memref<256x100xf32, #tpu.memory_space<vmem>>, %arg9: memref<256x100xf32, #tpu.memory_space<vmem>>, %arg10: memref<256x16xf32, #tpu.memory_space<vmem>>, %arg11: memref<256x16xf32, #tpu.memory_space<vmem>>, %arg12: memref<1x256xf32, #tpu.memory_space<vmem>>, %arg13: memref<1x256xf32, #tpu.memory_space<vmem>>, %arg14: memref<1x100xf32, #tpu.memory_space<vmem>>, %arg15: memref<1x100xf32, #tpu.memory_space<vmem>>, %arg16: memref<1x16xf32, #tpu.memory_space<vmem>>, %arg17: memref<1x16xf32, #tpu.memory_space<vmem>>, %arg18: memref<256x356xf32, #tpu.memory_space<vmem>>, %arg19: memref<256x356xf32, #tpu.memory_space<vmem>>, %arg20: memref<100x356xf32, #tpu.memory_space<vmem>>, %arg21: memref<100x356xf32, #tpu.memory_space<vmem>>, %arg22: memref<16x356xf32, #tpu.memory_space<vmem>>, %arg23: memref<16x356xf32, #tpu.memory_space<vmem>>, %arg24: memref<356x256xf32, #tpu.memory_space<vmem>>, %arg25: memref<256x256xf32, #tpu.memory_space<vmem>>, %arg26: memref<1x256xf32, #tpu.memory_space<vmem>>, %arg27: memref<256x256xf32, #tpu.memory_space<vmem>>, %arg28: memref<1x256xf32, #tpu.memory_space<vmem>>, %arg29: memref<1x2048xf32, #tpu.memory_space<vmem>>, %arg30: memref<1x2048xf32, #tpu.memory_space<vmem>>, %arg31: memref<16x2048xf32, #tpu.memory_space<vmem>>, %arg32: memref<2048x16xf32, #tpu.memory_space<vmem>>, %arg33: memref<256x16xf32, #tpu.memory_space<vmem>>, %arg34: memref<16x256xf32, #tpu.memory_space<vmem>>, %arg35: memref<16x256xf32, #tpu.memory_space<vmem>>, %arg36: memref<256x16xf32, #tpu.memory_space<vmem>>, %arg37: memref<4096x16xf32, #tpu.memory_space<vmem>>, %arg38: memref<16x4096xf32, #tpu.memory_space<vmem>>, %arg39: memref<256x256xf32, #tpu.memory_space<vmem>>) attributes {dimension_semantics = [#tpu.dimension_semantics<arbitrary>], iteration_bounds = array<i64: 8>, scalar_prefetch = 0 : i64, scratch_operands = 0 : i64, tpu.core_type = #tpu.core_type<tc>, window_params = [{transform_indices = @transform_0, window_bounds = array<i64: 256, 256>}, {transform_indices = @transform_1, window_bounds = array<i64: 256, 4096>}, {transform_indices = @transform_2, window_bounds = array<i64: 256, 256>}, {transform_indices = @transform_3, window_bounds = array<i64: 256, 16>}, {transform_indices = @transform_4, window_bounds = array<i64: 256, 16>}, {pipeline_mode = #tpu.pipeline_mode<synchronous>, transform_indices = @transform_5, window_bounds = array<i64: 256, 256>}, {pipeline_mode = #tpu.pipeline_mode<synchronous>, transform_indices = @transform_6, window_bounds = array<i64: 256, 256>}, {pipeline_mode = #tpu.pipeline_mode<synchronous>, transform_indices = @transform_7, window_bounds = array<i64: 256, 100>}, {pipeline_mode = #tpu.pipeline_mode<synchronous>, transform_indices = @transform_8, window_bounds = array<i64: 256, 100>}, {pipeline_mode = #tpu.pipeline_mode<synchronous>, transform_indices = @transform_9, window_bounds = array<i64: 256, 16>}, {pipeline_mode = #tpu.pipeline_mode<synchronous>, transform_indices = @transform_10, window_bounds = array<i64: 256, 16>}, {pipeline_mode = #tpu.pipeline_mode<synchronous>, transform_indices = @transform_11, window_bounds = array<i64: 1, 256>}, {pipeline_mode = #tpu.pipeline_mode<synchronous>, transform_indices = @transform_12, window_bounds = array<i64: 1, 256>}, {pipeline_mode = #tpu.pipeline_mode<synchronous>, transform_indices = @transform_13, window_bounds = array<i64: 1, 100>}, {pipeline_mode = #tpu.pipeline_mode<synchronous>, transform_indices = @transform_14, window_bounds = array<i64: 1, 100>}, {pipeline_mode = #tpu.pipeline_mode<synchronous>, transform_indices = @transform_15, window_bounds = array<i64: 1, 16>}, {pipeline_mode = #tpu.pipeline_mode<synchronous>, transform_indices = @transform_16, window_bounds = array<i64: 1, 16>}, {pipeline_mode = #tpu.pipeline_mode<synchronous>, transform_indices = @transform_17, window_bounds = array<i64: 256, 356>}, {pipeline_mode = #tpu.pipeline_mode<synchronous>, transform_indices = @transform_18, window_bounds = array<i64: 256, 356>}, {pipeline_mode = #tpu.pipeline_mode<synchronous>, transform_indices = @transform_19, window_bounds = array<i64: 100, 356>}, {pipeline_mode = #tpu.pipeline_mode<synchronous>, transform_indices = @transform_20, window_bounds = array<i64: 100, 356>}, {pipeline_mode = #tpu.pipeline_mode<synchronous>, transform_indices = @transform_21, window_bounds = array<i64: 16, 356>}, {pipeline_mode = #tpu.pipeline_mode<synchronous>, transform_indices = @transform_22, window_bounds = array<i64: 16, 356>}, {pipeline_mode = #tpu.pipeline_mode<synchronous>, transform_indices = @transform_23, window_bounds = array<i64: 356, 256>}, {pipeline_mode = #tpu.pipeline_mode<synchronous>, transform_indices = @transform_24, window_bounds = array<i64: 256, 256>}, {pipeline_mode = #tpu.pipeline_mode<synchronous>, transform_indices = @transform_25, window_bounds = array<i64: 1, 256>}, {pipeline_mode = #tpu.pipeline_mode<synchronous>, transform_indices = @transform_26, window_bounds = array<i64: 256, 256>}, {pipeline_mode = #tpu.pipeline_mode<synchronous>, transform_indices = @transform_27, window_bounds = array<i64: 1, 256>}, {pipeline_mode = #tpu.pipeline_mode<synchronous>, transform_indices = @transform_28, window_bounds = array<i64: 1, 2048>}, {pipeline_mode = #tpu.pipeline_mode<synchronous>, transform_indices = @transform_29, window_bounds = array<i64: 1, 2048>}, {pipeline_mode = #tpu.pipeline_mode<synchronous>, transform_indices = @transform_30, window_bounds = array<i64: 16, 2048>}, {pipeline_mode = #tpu.pipeline_mode<synchronous>, transform_indices = @transform_31, window_bounds = array<i64: 2048, 16>}, {pipeline_mode = #tpu.pipeline_mode<synchronous>, transform_indices = @transform_32, window_bounds = array<i64: 256, 16>}, {pipeline_mode = #tpu.pipeline_mode<synchronous>, transform_indices = @transform_33, window_bounds = array<i64: 16, 256>}, {pipeline_mode = #tpu.pipeline_mode<synchronous>, transform_indices = @transform_34, window_bounds = array<i64: 16, 256>}, {pipeline_mode = #tpu.pipeline_mode<synchronous>, transform_indices = @transform_35, window_bounds = array<i64: 256, 16>}, {pipeline_mode = #tpu.pipeline_mode<synchronous>, transform_indices = @transform_36, window_bounds = array<i64: 4096, 16>}, {pipeline_mode = #tpu.pipeline_mode<synchronous>, transform_indices = @transform_37, window_bounds = array<i64: 16, 4096>}, {transform_indices = @transform_38, window_bounds = array<i64: 256, 256>}]} {
    %get3A = arith.constant 0 : index
    %get3A_0 = arith.constant 0 : index
    %get3A_1 = vector.load %arg1[%get3A, %get3A_0] : memref<256x256xf32, #tpu.memory_space<vmem>>, vector<256x256xf32>
    %get3A_2 = arith.constant 0 : index
    %get3A_3 = arith.constant 0 : index
    %get3A_4 = vector.load %arg2[%get3A_2, %get3A_3] : memref<256x4096xf32, #tpu.memory_space<vmem>>, vector<256x4096xf32>
    %get3A_5 = arith.constant 0 : index
    %get3A_6 = arith.constant 0 : index
    %get3A_7 = vector.load %arg3[%get3A_5, %get3A_6] : memref<256x256xf32, #tpu.memory_space<vmem>>, vector<256x256xf32>
    %get3A_8 = arith.constant 0 : index
    %get3A_9 = arith.constant 0 : index
    %get3A_10 = vector.load %arg5[%get3A_8, %get3A_9] : memref<256x16xf32, #tpu.memory_space<vmem>>, vector<256x16xf32>
    %get3A_11 = arith.constant 0 : index
    %get3A_12 = arith.constant 0 : index
    %get3A_13 = vector.load %arg4[%get3A_11, %get3A_12] : memref<256x16xi32, #tpu.memory_space<vmem>>, vector<256x16xi32>
    %eq3A = arith.constant 0 : i32
    %eq3A_14 = vector.broadcast %eq3A : i32 to vector<256x16xi32>
    %eq3A_15 = arith.cmpi eq, %get3A_13, %eq3A_14 : vector<256x16xi32>
    %get3A_16 = arith.constant 0 : index
    %get3A_17 = arith.constant 0 : index
    %get3A_18 = vector.load %arg31[%get3A_16, %get3A_17] : memref<16x2048xf32, #tpu.memory_space<vmem>>, vector<16x2048xf32>
    %get3A_19 = arith.constant 0 : index
    %get3A_20 = arith.constant 0 : index
    %get3A_21 = vector.load %arg32[%get3A_19, %get3A_20] : memref<2048x16xf32, #tpu.memory_space<vmem>>, vector<2048x16xf32>
    %get3A_22 = arith.constant 0 : index
    %get3A_23 = arith.constant 0 : index
    %get3A_24 = vector.load %arg33[%get3A_22, %get3A_23] : memref<256x16xf32, #tpu.memory_space<vmem>>, vector<256x16xf32>
    %get3A_25 = arith.constant 0 : index
    %get3A_26 = arith.constant 0 : index
    %get3A_27 = vector.load %arg34[%get3A_25, %get3A_26] : memref<16x256xf32, #tpu.memory_space<vmem>>, vector<16x256xf32>
    %get3A_28 = arith.constant 0 : index
    %get3A_29 = arith.constant 0 : index
    %get3A_30 = vector.load %arg35[%get3A_28, %get3A_29] : memref<16x256xf32, #tpu.memory_space<vmem>>, vector<16x256xf32>
    %get3A_31 = arith.constant 0 : index
    %get3A_32 = arith.constant 0 : index
    %get3A_33 = vector.load %arg36[%get3A_31, %get3A_32] : memref<256x16xf32, #tpu.memory_space<vmem>>, vector<256x16xf32>
    %get3A_34 = arith.constant 0 : index
    %get3A_35 = arith.constant 0 : index
    %get3A_36 = vector.load %arg37[%get3A_34, %get3A_35] : memref<4096x16xf32, #tpu.memory_space<vmem>>, vector<4096x16xf32>
    %get3A_37 = arith.constant 0 : index
    %get3A_38 = arith.constant 0 : index
    %get3A_39 = vector.load %arg38[%get3A_37, %get3A_38] : memref<16x4096xf32, #tpu.memory_space<vmem>>, vector<16x4096xf32>
    %dot_general3A = arith.constant dense<0.000000e+00> : vector<256x2048xf32>
    %dot_general3A_40 = tpu.matmul %get3A_10, %get3A_18, %dot_general3A {dimension_numbers = #tpu.dot_dimension_numbers<[1], [0], [0], [1], [0, 0, 1, 1], [], []>, precision = #tpu.contract_precision<fp32>, transpose_lhs_hint = false} : vector<256x16xf32>, vector<16x2048xf32>, vector<256x2048xf32> -> vector<256x2048xf32>
    %get3A_41 = arith.constant 0 : index
    %get3A_42 = arith.constant 0 : index
    %get3A_43 = vector.load %arg29[%get3A_41, %get3A_42] : memref<1x2048xf32, #tpu.memory_space<vmem>>, vector<1x2048xf32>
    %mul3A = vector.broadcast %get3A_43 : vector<1x2048xf32> to vector<256x2048xf32>
    %mul3A_44 = arith.mulf %dot_general3A_40, %mul3A : vector<256x2048xf32>
    %get3A_45 = arith.constant 0 : index
    %get3A_46 = arith.constant 0 : index
    %get3A_47 = vector.load %arg30[%get3A_45, %get3A_46] : memref<1x2048xf32, #tpu.memory_space<vmem>>, vector<1x2048xf32>
    %add3A = vector.broadcast %get3A_47 : vector<1x2048xf32> to vector<256x2048xf32>
    %add3A_48 = arith.addf %mul3A_44, %add3A : vector<256x2048xf32>
    %cos3A = math.cos %add3A_48 : vector<256x2048xf32>
    %get3A_49 = arith.constant 0 : index
    %get3A_50 = arith.constant 0 : index
    %get3A_51 = vector.load %arg6[%get3A_49, %get3A_50] : memref<256x256xf32, #tpu.memory_space<vmem>>, vector<256x256xf32>
    %dot_general3A_52 = arith.constant dense<0.000000e+00> : vector<256x256xf32>
    %dot_general3A_53 = tpu.matmul %get3A_1, %get3A_51, %dot_general3A_52 {dimension_numbers = #tpu.dot_dimension_numbers<[1], [0], [0], [1], [0, 0, 1, 1], [], []>, transpose_lhs_hint = false} : vector<256x256xf32>, vector<256x256xf32>, vector<256x256xf32> -> vector<256x256xf32>
    %get3A_54 = arith.constant 0 : index
    %get3A_55 = arith.constant 0 : index
    %get3A_56 = vector.load %arg12[%get3A_54, %get3A_55] : memref<1x256xf32, #tpu.memory_space<vmem>>, vector<1x256xf32>
    %add3A_57 = vector.broadcast %get3A_56 : vector<1x256xf32> to vector<256x256xf32>
    %add3A_58 = arith.addf %dot_general3A_53, %add3A_57 : vector<256x256xf32>
    %get3A_59 = arith.constant 0 : index
    %get3A_60 = arith.constant 0 : index
    %get3A_61 = vector.load %arg7[%get3A_59, %get3A_60] : memref<256x256xf32, #tpu.memory_space<vmem>>, vector<256x256xf32>
    %dot_general3A_62 = arith.constant dense<0.000000e+00> : vector<256x256xf32>
    %dot_general3A_63 = tpu.matmul %get3A_1, %get3A_61, %dot_general3A_62 {dimension_numbers = #tpu.dot_dimension_numbers<[1], [0], [0], [1], [0, 0, 1, 1], [], []>, transpose_lhs_hint = false} : vector<256x256xf32>, vector<256x256xf32>, vector<256x256xf32> -> vector<256x256xf32>
    %get3A_64 = arith.constant 0 : index
    %get3A_65 = arith.constant 0 : index
    %get3A_66 = vector.load %arg13[%get3A_64, %get3A_65] : memref<1x256xf32, #tpu.memory_space<vmem>>, vector<1x256xf32>
    %add3A_67 = vector.broadcast %get3A_66 : vector<1x256xf32> to vector<256x256xf32>
    %add3A_68 = arith.addf %dot_general3A_63, %add3A_67 : vector<256x256xf32>
    %get3A_69 = arith.constant 0 : index
    %get3A_70 = arith.constant 0 : index
    %get3A_71 = vector.load %arg8[%get3A_69, %get3A_70] : memref<256x100xf32, #tpu.memory_space<vmem>>, vector<256x100xf32>
    %dot_general3A_72 = arith.constant dense<0.000000e+00> : vector<256x100xf32>
    %dot_general3A_73 = tpu.matmul %get3A_1, %get3A_71, %dot_general3A_72 {dimension_numbers = #tpu.dot_dimension_numbers<[1], [0], [0], [1], [0, 0, 1, 1], [], []>, transpose_lhs_hint = false} : vector<256x256xf32>, vector<256x100xf32>, vector<256x100xf32> -> vector<256x100xf32>
    %get3A_74 = arith.constant 0 : index
    %get3A_75 = arith.constant 0 : index
    %get3A_76 = vector.load %arg14[%get3A_74, %get3A_75] : memref<1x100xf32, #tpu.memory_space<vmem>>, vector<1x100xf32>
    %add3A_77 = vector.broadcast %get3A_76 : vector<1x100xf32> to vector<256x100xf32>
    %add3A_78 = arith.addf %dot_general3A_73, %add3A_77 : vector<256x100xf32>
    %get3A_79 = arith.constant 0 : index
    %get3A_80 = arith.constant 0 : index
    %get3A_81 = vector.load %arg9[%get3A_79, %get3A_80] : memref<256x100xf32, #tpu.memory_space<vmem>>, vector<256x100xf32>
    %dot_general3A_82 = arith.constant dense<0.000000e+00> : vector<256x100xf32>
    %dot_general3A_83 = tpu.matmul %get3A_1, %get3A_81, %dot_general3A_82 {dimension_numbers = #tpu.dot_dimension_numbers<[1], [0], [0], [1], [0, 0, 1, 1], [], []>, transpose_lhs_hint = false} : vector<256x256xf32>, vector<256x100xf32>, vector<256x100xf32> -> vector<256x100xf32>
    %get3A_84 = arith.constant 0 : index
    %get3A_85 = arith.constant 0 : index
    %get3A_86 = vector.load %arg15[%get3A_84, %get3A_85] : memref<1x100xf32, #tpu.memory_space<vmem>>, vector<1x100xf32>
    %add3A_87 = vector.broadcast %get3A_86 : vector<1x100xf32> to vector<256x100xf32>
    %add3A_88 = arith.addf %dot_general3A_83, %add3A_87 : vector<256x100xf32>
    %get3A_89 = arith.constant 0 : index
    %get3A_90 = arith.constant 0 : index
    %get3A_91 = vector.load %arg10[%get3A_89, %get3A_90] : memref<256x16xf32, #tpu.memory_space<vmem>>, vector<256x16xf32>
    %dot_general3A_92 = arith.constant dense<0.000000e+00> : vector<256x16xf32>
    %dot_general3A_93 = tpu.matmul %get3A_1, %get3A_91, %dot_general3A_92 {dimension_numbers = #tpu.dot_dimension_numbers<[1], [0], [0], [1], [0, 0, 1, 1], [], []>, transpose_lhs_hint = false} : vector<256x256xf32>, vector<256x16xf32>, vector<256x16xf32> -> vector<256x16xf32>
    %get3A_94 = arith.constant 0 : index
    %get3A_95 = arith.constant 0 : index
    %get3A_96 = vector.load %arg16[%get3A_94, %get3A_95] : memref<1x16xf32, #tpu.memory_space<vmem>>, vector<1x16xf32>
    %add3A_97 = vector.broadcast %get3A_96 : vector<1x16xf32> to vector<256x16xf32>
    %add3A_98 = arith.addf %dot_general3A_93, %add3A_97 : vector<256x16xf32>
    %get3A_99 = arith.constant 0 : index
    %get3A_100 = arith.constant 0 : index
    %get3A_101 = vector.load %arg11[%get3A_99, %get3A_100] : memref<256x16xf32, #tpu.memory_space<vmem>>, vector<256x16xf32>
    %dot_general3A_102 = arith.constant dense<0.000000e+00> : vector<256x16xf32>
    %dot_general3A_103 = tpu.matmul %get3A_1, %get3A_101, %dot_general3A_102 {dimension_numbers = #tpu.dot_dimension_numbers<[1], [0], [0], [1], [0, 0, 1, 1], [], []>, transpose_lhs_hint = false} : vector<256x256xf32>, vector<256x16xf32>, vector<256x16xf32> -> vector<256x16xf32>
    %get3A_104 = arith.constant 0 : index
    %get3A_105 = arith.constant 0 : index
    %get3A_106 = vector.load %arg17[%get3A_104, %get3A_105] : memref<1x16xf32, #tpu.memory_space<vmem>>, vector<1x16xf32>
    %add3A_107 = vector.broadcast %get3A_106 : vector<1x16xf32> to vector<256x16xf32>
    %add3A_108 = arith.addf %dot_general3A_103, %add3A_107 : vector<256x16xf32>
    %broadcast_in_dim3A = arith.constant 0.000000e+00 : f32
    %broadcast_in_dim3A_109 = vector.broadcast %broadcast_in_dim3A : f32 to vector<256x28xf32>
    %concatenate3A = tpu.concatenate %add3A_58, %add3A_58, %add3A_58, %add3A_58, %add3A_58, %add3A_58, %add3A_58, %add3A_58, %add3A_58, %add3A_58, %add3A_58, %add3A_58, %add3A_58, %add3A_58, %add3A_58, %add3A_58 in 1 : vector<256x256xf32>, vector<256x256xf32>, vector<256x256xf32>, vector<256x256xf32>, vector<256x256xf32>, vector<256x256xf32>, vector<256x256xf32>, vector<256x256xf32>, vector<256x256xf32>, vector<256x256xf32>, vector<256x256xf32>, vector<256x256xf32>, vector<256x256xf32>, vector<256x256xf32>, vector<256x256xf32>, vector<256x256xf32> -> vector<256x4096xf32>
    %mul3A_110 = arith.mulf %get3A_4, %concatenate3A : vector<256x4096xf32>
    %dot_general3A_111 = arith.constant dense<0.000000e+00> : vector<256x16xf32>
    %dot_general3A_112 = tpu.matmul %mul3A_110, %get3A_36, %dot_general3A_111 {dimension_numbers = #tpu.dot_dimension_numbers<[1], [0], [0], [1], [0, 0, 1, 1], [], []>, transpose_lhs_hint = false} : vector<256x4096xf32>, vector<4096x16xf32>, vector<256x16xf32> -> vector<256x16xf32>
    %concatenate3A_113 = tpu.concatenate %add3A_78, %broadcast_in_dim3A_109 in 1 : vector<256x100xf32>, vector<256x28xf32> -> vector<256x128xf32>
    %concatenate3A_114 = tpu.concatenate %concatenate3A_113, %concatenate3A_113, %concatenate3A_113, %concatenate3A_113, %concatenate3A_113, %concatenate3A_113, %concatenate3A_113, %concatenate3A_113, %concatenate3A_113, %concatenate3A_113, %concatenate3A_113, %concatenate3A_113, %concatenate3A_113, %concatenate3A_113, %concatenate3A_113, %concatenate3A_113 in 1 : vector<256x128xf32>, vector<256x128xf32>, vector<256x128xf32>, vector<256x128xf32>, vector<256x128xf32>, vector<256x128xf32>, vector<256x128xf32>, vector<256x128xf32>, vector<256x128xf32>, vector<256x128xf32>, vector<256x128xf32>, vector<256x128xf32>, vector<256x128xf32>, vector<256x128xf32>, vector<256x128xf32>, vector<256x128xf32> -> vector<256x2048xf32>
    %mul3A_115 = arith.mulf %cos3A, %concatenate3A_114 : vector<256x2048xf32>
    %dot_general3A_116 = arith.constant dense<0.000000e+00> : vector<256x16xf32>
    %dot_general3A_117 = tpu.matmul %mul3A_115, %get3A_21, %dot_general3A_116 {dimension_numbers = #tpu.dot_dimension_numbers<[1], [0], [0], [1], [0, 0, 1, 1], [], []>, transpose_lhs_hint = false} : vector<256x2048xf32>, vector<2048x16xf32>, vector<256x16xf32> -> vector<256x16xf32>
    %dot_general3A_118 = arith.constant dense<0.000000e+00> : vector<256x256xf32>
    %dot_general3A_119 = tpu.matmul %add3A_98, %get3A_30, %dot_general3A_118 {dimension_numbers = #tpu.dot_dimension_numbers<[1], [0], [0], [1], [0, 0, 1, 1], [], []>, transpose_lhs_hint = false} : vector<256x16xf32>, vector<16x256xf32>, vector<256x256xf32> -> vector<256x256xf32>
    %mul3A_120 = arith.mulf %get3A_7, %dot_general3A_119 : vector<256x256xf32>
    %dot_general3A_121 = arith.constant dense<0.000000e+00> : vector<256x16xf32>
    %dot_general3A_122 = tpu.matmul %mul3A_120, %get3A_24, %dot_general3A_121 {dimension_numbers = #tpu.dot_dimension_numbers<[1], [0], [0], [1], [0, 0, 1, 1], [], []>, transpose_lhs_hint = false} : vector<256x256xf32>, vector<256x16xf32>, vector<256x16xf32> -> vector<256x16xf32>
    %add3A_123 = arith.addf %dot_general3A_112, %dot_general3A_117 : vector<256x16xf32>
    %add3A_124 = arith.addf %add3A_123, %dot_general3A_122 : vector<256x16xf32>
    %jit3A = arith.constant -1.000000e+10 : f32
    %broadcast_in_dim3A_125 = vector.broadcast %jit3A : f32 to vector<256x16xf32>
    %select_n3A = arith.select %eq3A_15, %broadcast_in_dim3A_125, %add3A_124 : vector<256x16xi1>, vector<256x16xf32>
    %reduce_max3A = arith.constant dense<0xFF800000> : vector<256xf32>
    %reduce_max3A_126 = vector.multi_reduction <maximumf>, %select_n3A, %reduce_max3A [1] : vector<256x16xf32> to vector<256xf32>
    %broadcast_in_dim3A_127 = vector.shape_cast %reduce_max3A_126 : vector<256xf32> to vector<256x1xf32>
    %sub3A = vector.broadcast %broadcast_in_dim3A_127 : vector<256x1xf32> to vector<256x16xf32>
    %sub3A_128 = arith.subf %select_n3A, %sub3A : vector<256x16xf32>
    %exp3A = math.exp %sub3A_128 : vector<256x16xf32>
    %reduce_sum3A = arith.constant dense<0.000000e+00> : vector<256xf32>
    %reduce_sum3A_129 = vector.multi_reduction <add>, %exp3A, %reduce_sum3A [1] : vector<256x16xf32> to vector<256xf32>
    %broadcast_in_dim3A_130 = vector.shape_cast %reduce_sum3A_129 : vector<256xf32> to vector<256x1xf32>
    %div3A = arith.constant 1.000000e+00 : f32
    %div3A_131 = vector.broadcast %div3A : f32 to vector<256x1xf32>
    %div3A_132 = arith.divf %div3A_131, %broadcast_in_dim3A_130 : vector<256x1xf32>
    %mul3A_133 = vector.broadcast %div3A_132 : vector<256x1xf32> to vector<256x16xf32>
    %mul3A_134 = arith.mulf %exp3A, %mul3A_133 : vector<256x16xf32>
    %concatenate3A_135 = tpu.concatenate %add3A_68, %add3A_68, %add3A_68, %add3A_68, %add3A_68, %add3A_68, %add3A_68, %add3A_68, %add3A_68, %add3A_68, %add3A_68, %add3A_68, %add3A_68, %add3A_68, %add3A_68, %add3A_68 in 1 : vector<256x256xf32>, vector<256x256xf32>, vector<256x256xf32>, vector<256x256xf32>, vector<256x256xf32>, vector<256x256xf32>, vector<256x256xf32>, vector<256x256xf32>, vector<256x256xf32>, vector<256x256xf32>, vector<256x256xf32>, vector<256x256xf32>, vector<256x256xf32>, vector<256x256xf32>, vector<256x256xf32>, vector<256x256xf32> -> vector<256x4096xf32>
    %mul3A_136 = arith.mulf %get3A_4, %concatenate3A_135 : vector<256x4096xf32>
    %dot_general3A_137 = arith.constant dense<0.000000e+00> : vector<256x16xf32>
    %dot_general3A_138 = tpu.matmul %mul3A_136, %get3A_36, %dot_general3A_137 {dimension_numbers = #tpu.dot_dimension_numbers<[1], [0], [0], [1], [0, 0, 1, 1], [], []>, transpose_lhs_hint = false} : vector<256x4096xf32>, vector<4096x16xf32>, vector<256x16xf32> -> vector<256x16xf32>
    %concatenate3A_139 = tpu.concatenate %add3A_88, %broadcast_in_dim3A_109 in 1 : vector<256x100xf32>, vector<256x28xf32> -> vector<256x128xf32>
    %concatenate3A_140 = tpu.concatenate %concatenate3A_139, %concatenate3A_139, %concatenate3A_139, %concatenate3A_139, %concatenate3A_139, %concatenate3A_139, %concatenate3A_139, %concatenate3A_139, %concatenate3A_139, %concatenate3A_139, %concatenate3A_139, %concatenate3A_139, %concatenate3A_139, %concatenate3A_139, %concatenate3A_139, %concatenate3A_139 in 1 : vector<256x128xf32>, vector<256x128xf32>, vector<256x128xf32>, vector<256x128xf32>, vector<256x128xf32>, vector<256x128xf32>, vector<256x128xf32>, vector<256x128xf32>, vector<256x128xf32>, vector<256x128xf32>, vector<256x128xf32>, vector<256x128xf32>, vector<256x128xf32>, vector<256x128xf32>, vector<256x128xf32>, vector<256x128xf32> -> vector<256x2048xf32>
    %mul3A_141 = arith.mulf %cos3A, %concatenate3A_140 : vector<256x2048xf32>
    %dot_general3A_142 = arith.constant dense<0.000000e+00> : vector<256x16xf32>
    %dot_general3A_143 = tpu.matmul %mul3A_141, %get3A_21, %dot_general3A_142 {dimension_numbers = #tpu.dot_dimension_numbers<[1], [0], [0], [1], [0, 0, 1, 1], [], []>, transpose_lhs_hint = false} : vector<256x2048xf32>, vector<2048x16xf32>, vector<256x16xf32> -> vector<256x16xf32>
    %dot_general3A_144 = arith.constant dense<0.000000e+00> : vector<256x256xf32>
    %dot_general3A_145 = tpu.matmul %add3A_108, %get3A_30, %dot_general3A_144 {dimension_numbers = #tpu.dot_dimension_numbers<[1], [0], [0], [1], [0, 0, 1, 1], [], []>, transpose_lhs_hint = false} : vector<256x16xf32>, vector<16x256xf32>, vector<256x256xf32> -> vector<256x256xf32>
    %mul3A_146 = arith.mulf %get3A_7, %dot_general3A_145 : vector<256x256xf32>
    %dot_general3A_147 = arith.constant dense<0.000000e+00> : vector<256x16xf32>
    %dot_general3A_148 = tpu.matmul %mul3A_146, %get3A_24, %dot_general3A_147 {dimension_numbers = #tpu.dot_dimension_numbers<[1], [0], [0], [1], [0, 0, 1, 1], [], []>, transpose_lhs_hint = false} : vector<256x256xf32>, vector<256x16xf32>, vector<256x16xf32> -> vector<256x16xf32>
    %add3A_149 = arith.addf %dot_general3A_138, %dot_general3A_143 : vector<256x16xf32>
    %add3A_150 = arith.addf %add3A_149, %dot_general3A_148 : vector<256x16xf32>
    %jit3A_151 = arith.constant -1.000000e+10 : f32
    %broadcast_in_dim3A_152 = vector.broadcast %jit3A_151 : f32 to vector<256x16xf32>
    %select_n3A_153 = arith.select %eq3A_15, %broadcast_in_dim3A_152, %add3A_150 : vector<256x16xi1>, vector<256x16xf32>
    %reduce_max3A_154 = arith.constant dense<0xFF800000> : vector<256xf32>
    %reduce_max3A_155 = vector.multi_reduction <maximumf>, %select_n3A_153, %reduce_max3A_154 [1] : vector<256x16xf32> to vector<256xf32>
    %broadcast_in_dim3A_156 = vector.shape_cast %reduce_max3A_155 : vector<256xf32> to vector<256x1xf32>
    %sub3A_157 = vector.broadcast %broadcast_in_dim3A_156 : vector<256x1xf32> to vector<256x16xf32>
    %sub3A_158 = arith.subf %select_n3A_153, %sub3A_157 : vector<256x16xf32>
    %exp3A_159 = math.exp %sub3A_158 : vector<256x16xf32>
    %reduce_sum3A_160 = arith.constant dense<0.000000e+00> : vector<256xf32>
    %reduce_sum3A_161 = vector.multi_reduction <add>, %exp3A_159, %reduce_sum3A_160 [1] : vector<256x16xf32> to vector<256xf32>
    %broadcast_in_dim3A_162 = vector.shape_cast %reduce_sum3A_161 : vector<256xf32> to vector<256x1xf32>
    %div3A_163 = arith.constant 1.000000e+00 : f32
    %div3A_164 = vector.broadcast %div3A_163 : f32 to vector<256x1xf32>
    %div3A_165 = arith.divf %div3A_164, %broadcast_in_dim3A_162 : vector<256x1xf32>
    %mul3A_166 = vector.broadcast %div3A_165 : vector<256x1xf32> to vector<256x16xf32>
    %mul3A_167 = arith.mulf %exp3A_159, %mul3A_166 : vector<256x16xf32>
    %dot_general3A_168 = arith.constant dense<0.000000e+00> : vector<256x4096xf32>
    %dot_general3A_169 = tpu.matmul %mul3A_134, %get3A_39, %dot_general3A_168 {dimension_numbers = #tpu.dot_dimension_numbers<[1], [0], [0], [1], [0, 0, 1, 1], [], []>, transpose_lhs_hint = false} : vector<256x16xf32>, vector<16x4096xf32>, vector<256x4096xf32> -> vector<256x4096xf32>
    %mul3A_170 = arith.mulf %get3A_4, %dot_general3A_169 : vector<256x4096xf32>
    %slice3A = vector.extract_strided_slice %mul3A_170 {offsets = [0, 0], sizes = [256, 256], strides = [1, 1]} : vector<256x4096xf32> to vector<256x256xf32>
    %slice3A_171 = vector.extract_strided_slice %mul3A_170 {offsets = [0, 256], sizes = [256, 256], strides = [1, 1]} : vector<256x4096xf32> to vector<256x256xf32>
    %slice3A_172 = vector.extract_strided_slice %mul3A_170 {offsets = [0, 512], sizes = [256, 256], strides = [1, 1]} : vector<256x4096xf32> to vector<256x256xf32>
    %slice3A_173 = vector.extract_strided_slice %mul3A_170 {offsets = [0, 768], sizes = [256, 256], strides = [1, 1]} : vector<256x4096xf32> to vector<256x256xf32>
    %slice3A_174 = vector.extract_strided_slice %mul3A_170 {offsets = [0, 1024], sizes = [256, 256], strides = [1, 1]} : vector<256x4096xf32> to vector<256x256xf32>
    %slice3A_175 = vector.extract_strided_slice %mul3A_170 {offsets = [0, 1280], sizes = [256, 256], strides = [1, 1]} : vector<256x4096xf32> to vector<256x256xf32>
    %slice3A_176 = vector.extract_strided_slice %mul3A_170 {offsets = [0, 1536], sizes = [256, 256], strides = [1, 1]} : vector<256x4096xf32> to vector<256x256xf32>
    %slice3A_177 = vector.extract_strided_slice %mul3A_170 {offsets = [0, 1792], sizes = [256, 256], strides = [1, 1]} : vector<256x4096xf32> to vector<256x256xf32>
    %slice3A_178 = vector.extract_strided_slice %mul3A_170 {offsets = [0, 2048], sizes = [256, 256], strides = [1, 1]} : vector<256x4096xf32> to vector<256x256xf32>
    %slice3A_179 = vector.extract_strided_slice %mul3A_170 {offsets = [0, 2304], sizes = [256, 256], strides = [1, 1]} : vector<256x4096xf32> to vector<256x256xf32>
    %slice3A_180 = vector.extract_strided_slice %mul3A_170 {offsets = [0, 2560], sizes = [256, 256], strides = [1, 1]} : vector<256x4096xf32> to vector<256x256xf32>
    %slice3A_181 = vector.extract_strided_slice %mul3A_170 {offsets = [0, 2816], sizes = [256, 256], strides = [1, 1]} : vector<256x4096xf32> to vector<256x256xf32>
    %slice3A_182 = vector.extract_strided_slice %mul3A_170 {offsets = [0, 3072], sizes = [256, 256], strides = [1, 1]} : vector<256x4096xf32> to vector<256x256xf32>
    %slice3A_183 = vector.extract_strided_slice %mul3A_170 {offsets = [0, 3328], sizes = [256, 256], strides = [1, 1]} : vector<256x4096xf32> to vector<256x256xf32>
    %slice3A_184 = vector.extract_strided_slice %mul3A_170 {offsets = [0, 3584], sizes = [256, 256], strides = [1, 1]} : vector<256x4096xf32> to vector<256x256xf32>
    %slice3A_185 = vector.extract_strided_slice %mul3A_170 {offsets = [0, 3840], sizes = [256, 256], strides = [1, 1]} : vector<256x4096xf32> to vector<256x256xf32>
    %add3A_186 = arith.addf %slice3A, %slice3A_171 : vector<256x256xf32>
    %add3A_187 = arith.addf %slice3A_172, %slice3A_173 : vector<256x256xf32>
    %add3A_188 = arith.addf %slice3A_174, %slice3A_175 : vector<256x256xf32>
    %add3A_189 = arith.addf %slice3A_176, %slice3A_177 : vector<256x256xf32>
    %add3A_190 = arith.addf %slice3A_178, %slice3A_179 : vector<256x256xf32>
    %add3A_191 = arith.addf %slice3A_180, %slice3A_181 : vector<256x256xf32>
    %add3A_192 = arith.addf %slice3A_182, %slice3A_183 : vector<256x256xf32>
    %add3A_193 = arith.addf %slice3A_184, %slice3A_185 : vector<256x256xf32>
    %add3A_194 = arith.addf %add3A_186, %add3A_187 : vector<256x256xf32>
    %add3A_195 = arith.addf %add3A_188, %add3A_189 : vector<256x256xf32>
    %add3A_196 = arith.addf %add3A_190, %add3A_191 : vector<256x256xf32>
    %add3A_197 = arith.addf %add3A_192, %add3A_193 : vector<256x256xf32>
    %add3A_198 = arith.addf %add3A_194, %add3A_195 : vector<256x256xf32>
    %add3A_199 = arith.addf %add3A_196, %add3A_197 : vector<256x256xf32>
    %add3A_200 = arith.addf %add3A_198, %add3A_199 : vector<256x256xf32>
    %dot_general3A_201 = arith.constant dense<0.000000e+00> : vector<256x2048xf32>
    %dot_general3A_202 = tpu.matmul %mul3A_134, %get3A_18, %dot_general3A_201 {dimension_numbers = #tpu.dot_dimension_numbers<[1], [0], [0], [1], [0, 0, 1, 1], [], []>, transpose_lhs_hint = false} : vector<256x16xf32>, vector<16x2048xf32>, vector<256x2048xf32> -> vector<256x2048xf32>
    %mul3A_203 = arith.mulf %cos3A, %dot_general3A_202 : vector<256x2048xf32>
    %slice3A_204 = vector.extract_strided_slice %mul3A_203 {offsets = [0, 0], sizes = [256, 128], strides = [1, 1]} : vector<256x2048xf32> to vector<256x128xf32>
    %slice3A_205 = vector.extract_strided_slice %mul3A_203 {offsets = [0, 128], sizes = [256, 128], strides = [1, 1]} : vector<256x2048xf32> to vector<256x128xf32>
    %slice3A_206 = vector.extract_strided_slice %mul3A_203 {offsets = [0, 256], sizes = [256, 128], strides = [1, 1]} : vector<256x2048xf32> to vector<256x128xf32>
    %slice3A_207 = vector.extract_strided_slice %mul3A_203 {offsets = [0, 384], sizes = [256, 128], strides = [1, 1]} : vector<256x2048xf32> to vector<256x128xf32>
    %slice3A_208 = vector.extract_strided_slice %mul3A_203 {offsets = [0, 512], sizes = [256, 128], strides = [1, 1]} : vector<256x2048xf32> to vector<256x128xf32>
    %slice3A_209 = vector.extract_strided_slice %mul3A_203 {offsets = [0, 640], sizes = [256, 128], strides = [1, 1]} : vector<256x2048xf32> to vector<256x128xf32>
    %slice3A_210 = vector.extract_strided_slice %mul3A_203 {offsets = [0, 768], sizes = [256, 128], strides = [1, 1]} : vector<256x2048xf32> to vector<256x128xf32>
    %slice3A_211 = vector.extract_strided_slice %mul3A_203 {offsets = [0, 896], sizes = [256, 128], strides = [1, 1]} : vector<256x2048xf32> to vector<256x128xf32>
    %slice3A_212 = vector.extract_strided_slice %mul3A_203 {offsets = [0, 1024], sizes = [256, 128], strides = [1, 1]} : vector<256x2048xf32> to vector<256x128xf32>
    %slice3A_213 = vector.extract_strided_slice %mul3A_203 {offsets = [0, 1152], sizes = [256, 128], strides = [1, 1]} : vector<256x2048xf32> to vector<256x128xf32>
    %slice3A_214 = vector.extract_strided_slice %mul3A_203 {offsets = [0, 1280], sizes = [256, 128], strides = [1, 1]} : vector<256x2048xf32> to vector<256x128xf32>
    %slice3A_215 = vector.extract_strided_slice %mul3A_203 {offsets = [0, 1408], sizes = [256, 128], strides = [1, 1]} : vector<256x2048xf32> to vector<256x128xf32>
    %slice3A_216 = vector.extract_strided_slice %mul3A_203 {offsets = [0, 1536], sizes = [256, 128], strides = [1, 1]} : vector<256x2048xf32> to vector<256x128xf32>
    %slice3A_217 = vector.extract_strided_slice %mul3A_203 {offsets = [0, 1664], sizes = [256, 128], strides = [1, 1]} : vector<256x2048xf32> to vector<256x128xf32>
    %slice3A_218 = vector.extract_strided_slice %mul3A_203 {offsets = [0, 1792], sizes = [256, 128], strides = [1, 1]} : vector<256x2048xf32> to vector<256x128xf32>
    %slice3A_219 = vector.extract_strided_slice %mul3A_203 {offsets = [0, 1920], sizes = [256, 128], strides = [1, 1]} : vector<256x2048xf32> to vector<256x128xf32>
    %add3A_220 = arith.addf %slice3A_204, %slice3A_205 : vector<256x128xf32>
    %add3A_221 = arith.addf %slice3A_206, %slice3A_207 : vector<256x128xf32>
    %add3A_222 = arith.addf %slice3A_208, %slice3A_209 : vector<256x128xf32>
    %add3A_223 = arith.addf %slice3A_210, %slice3A_211 : vector<256x128xf32>
    %add3A_224 = arith.addf %slice3A_212, %slice3A_213 : vector<256x128xf32>
    %add3A_225 = arith.addf %slice3A_214, %slice3A_215 : vector<256x128xf32>
    %add3A_226 = arith.addf %slice3A_216, %slice3A_217 : vector<256x128xf32>
    %add3A_227 = arith.addf %slice3A_218, %slice3A_219 : vector<256x128xf32>
    %add3A_228 = arith.addf %add3A_220, %add3A_221 : vector<256x128xf32>
    %add3A_229 = arith.addf %add3A_222, %add3A_223 : vector<256x128xf32>
    %add3A_230 = arith.addf %add3A_224, %add3A_225 : vector<256x128xf32>
    %add3A_231 = arith.addf %add3A_226, %add3A_227 : vector<256x128xf32>
    %add3A_232 = arith.addf %add3A_228, %add3A_229 : vector<256x128xf32>
    %add3A_233 = arith.addf %add3A_230, %add3A_231 : vector<256x128xf32>
    %add3A_234 = arith.addf %add3A_232, %add3A_233 : vector<256x128xf32>
    %slice3A_235 = vector.extract_strided_slice %add3A_234 {offsets = [0, 0], sizes = [256, 100], strides = [1, 1]} : vector<256x128xf32> to vector<256x100xf32>
    %dot_general3A_236 = arith.constant dense<0.000000e+00> : vector<256x256xf32>
    %dot_general3A_237 = tpu.matmul %mul3A_134, %get3A_27, %dot_general3A_236 {dimension_numbers = #tpu.dot_dimension_numbers<[1], [0], [0], [1], [0, 0, 1, 1], [], []>, transpose_lhs_hint = false} : vector<256x16xf32>, vector<16x256xf32>, vector<256x256xf32> -> vector<256x256xf32>
    %mul3A_238 = arith.mulf %get3A_7, %dot_general3A_237 : vector<256x256xf32>
    %dot_general3A_239 = arith.constant dense<0.000000e+00> : vector<256x16xf32>
    %dot_general3A_240 = tpu.matmul %mul3A_238, %get3A_33, %dot_general3A_239 {dimension_numbers = #tpu.dot_dimension_numbers<[1], [0], [0], [1], [0, 0, 1, 1], [], []>, transpose_lhs_hint = false} : vector<256x256xf32>, vector<256x16xf32>, vector<256x16xf32> -> vector<256x16xf32>
    %dot_general3A_241 = arith.constant dense<0.000000e+00> : vector<256x4096xf32>
    %dot_general3A_242 = tpu.matmul %mul3A_167, %get3A_39, %dot_general3A_241 {dimension_numbers = #tpu.dot_dimension_numbers<[1], [0], [0], [1], [0, 0, 1, 1], [], []>, transpose_lhs_hint = false} : vector<256x16xf32>, vector<16x4096xf32>, vector<256x4096xf32> -> vector<256x4096xf32>
    %mul3A_243 = arith.mulf %get3A_4, %dot_general3A_242 : vector<256x4096xf32>
    %slice3A_244 = vector.extract_strided_slice %mul3A_243 {offsets = [0, 0], sizes = [256, 256], strides = [1, 1]} : vector<256x4096xf32> to vector<256x256xf32>
    %slice3A_245 = vector.extract_strided_slice %mul3A_243 {offsets = [0, 256], sizes = [256, 256], strides = [1, 1]} : vector<256x4096xf32> to vector<256x256xf32>
    %slice3A_246 = vector.extract_strided_slice %mul3A_243 {offsets = [0, 512], sizes = [256, 256], strides = [1, 1]} : vector<256x4096xf32> to vector<256x256xf32>
    %slice3A_247 = vector.extract_strided_slice %mul3A_243 {offsets = [0, 768], sizes = [256, 256], strides = [1, 1]} : vector<256x4096xf32> to vector<256x256xf32>
    %slice3A_248 = vector.extract_strided_slice %mul3A_243 {offsets = [0, 1024], sizes = [256, 256], strides = [1, 1]} : vector<256x4096xf32> to vector<256x256xf32>
    %slice3A_249 = vector.extract_strided_slice %mul3A_243 {offsets = [0, 1280], sizes = [256, 256], strides = [1, 1]} : vector<256x4096xf32> to vector<256x256xf32>
    %slice3A_250 = vector.extract_strided_slice %mul3A_243 {offsets = [0, 1536], sizes = [256, 256], strides = [1, 1]} : vector<256x4096xf32> to vector<256x256xf32>
    %slice3A_251 = vector.extract_strided_slice %mul3A_243 {offsets = [0, 1792], sizes = [256, 256], strides = [1, 1]} : vector<256x4096xf32> to vector<256x256xf32>
    %slice3A_252 = vector.extract_strided_slice %mul3A_243 {offsets = [0, 2048], sizes = [256, 256], strides = [1, 1]} : vector<256x4096xf32> to vector<256x256xf32>
    %slice3A_253 = vector.extract_strided_slice %mul3A_243 {offsets = [0, 2304], sizes = [256, 256], strides = [1, 1]} : vector<256x4096xf32> to vector<256x256xf32>
    %slice3A_254 = vector.extract_strided_slice %mul3A_243 {offsets = [0, 2560], sizes = [256, 256], strides = [1, 1]} : vector<256x4096xf32> to vector<256x256xf32>
    %slice3A_255 = vector.extract_strided_slice %mul3A_243 {offsets = [0, 2816], sizes = [256, 256], strides = [1, 1]} : vector<256x4096xf32> to vector<256x256xf32>
    %slice3A_256 = vector.extract_strided_slice %mul3A_243 {offsets = [0, 3072], sizes = [256, 256], strides = [1, 1]} : vector<256x4096xf32> to vector<256x256xf32>
    %slice3A_257 = vector.extract_strided_slice %mul3A_243 {offsets = [0, 3328], sizes = [256, 256], strides = [1, 1]} : vector<256x4096xf32> to vector<256x256xf32>
    %slice3A_258 = vector.extract_strided_slice %mul3A_243 {offsets = [0, 3584], sizes = [256, 256], strides = [1, 1]} : vector<256x4096xf32> to vector<256x256xf32>
    %slice3A_259 = vector.extract_strided_slice %mul3A_243 {offsets = [0, 3840], sizes = [256, 256], strides = [1, 1]} : vector<256x4096xf32> to vector<256x256xf32>
    %add3A_260 = arith.addf %slice3A_244, %slice3A_245 : vector<256x256xf32>
    %add3A_261 = arith.addf %slice3A_246, %slice3A_247 : vector<256x256xf32>
    %add3A_262 = arith.addf %slice3A_248, %slice3A_249 : vector<256x256xf32>
    %add3A_263 = arith.addf %slice3A_250, %slice3A_251 : vector<256x256xf32>
    %add3A_264 = arith.addf %slice3A_252, %slice3A_253 : vector<256x256xf32>
    %add3A_265 = arith.addf %slice3A_254, %slice3A_255 : vector<256x256xf32>
    %add3A_266 = arith.addf %slice3A_256, %slice3A_257 : vector<256x256xf32>
    %add3A_267 = arith.addf %slice3A_258, %slice3A_259 : vector<256x256xf32>
    %add3A_268 = arith.addf %add3A_260, %add3A_261 : vector<256x256xf32>
    %add3A_269 = arith.addf %add3A_262, %add3A_263 : vector<256x256xf32>
    %add3A_270 = arith.addf %add3A_264, %add3A_265 : vector<256x256xf32>
    %add3A_271 = arith.addf %add3A_266, %add3A_267 : vector<256x256xf32>
    %add3A_272 = arith.addf %add3A_268, %add3A_269 : vector<256x256xf32>
    %add3A_273 = arith.addf %add3A_270, %add3A_271 : vector<256x256xf32>
    %add3A_274 = arith.addf %add3A_272, %add3A_273 : vector<256x256xf32>
    %dot_general3A_275 = arith.constant dense<0.000000e+00> : vector<256x2048xf32>
    %dot_general3A_276 = tpu.matmul %mul3A_167, %get3A_18, %dot_general3A_275 {dimension_numbers = #tpu.dot_dimension_numbers<[1], [0], [0], [1], [0, 0, 1, 1], [], []>, transpose_lhs_hint = false} : vector<256x16xf32>, vector<16x2048xf32>, vector<256x2048xf32> -> vector<256x2048xf32>
    %mul3A_277 = arith.mulf %cos3A, %dot_general3A_276 : vector<256x2048xf32>
    %slice3A_278 = vector.extract_strided_slice %mul3A_277 {offsets = [0, 0], sizes = [256, 128], strides = [1, 1]} : vector<256x2048xf32> to vector<256x128xf32>
    %slice3A_279 = vector.extract_strided_slice %mul3A_277 {offsets = [0, 128], sizes = [256, 128], strides = [1, 1]} : vector<256x2048xf32> to vector<256x128xf32>
    %slice3A_280 = vector.extract_strided_slice %mul3A_277 {offsets = [0, 256], sizes = [256, 128], strides = [1, 1]} : vector<256x2048xf32> to vector<256x128xf32>
    %slice3A_281 = vector.extract_strided_slice %mul3A_277 {offsets = [0, 384], sizes = [256, 128], strides = [1, 1]} : vector<256x2048xf32> to vector<256x128xf32>
    %slice3A_282 = vector.extract_strided_slice %mul3A_277 {offsets = [0, 512], sizes = [256, 128], strides = [1, 1]} : vector<256x2048xf32> to vector<256x128xf32>
    %slice3A_283 = vector.extract_strided_slice %mul3A_277 {offsets = [0, 640], sizes = [256, 128], strides = [1, 1]} : vector<256x2048xf32> to vector<256x128xf32>
    %slice3A_284 = vector.extract_strided_slice %mul3A_277 {offsets = [0, 768], sizes = [256, 128], strides = [1, 1]} : vector<256x2048xf32> to vector<256x128xf32>
    %slice3A_285 = vector.extract_strided_slice %mul3A_277 {offsets = [0, 896], sizes = [256, 128], strides = [1, 1]} : vector<256x2048xf32> to vector<256x128xf32>
    %slice3A_286 = vector.extract_strided_slice %mul3A_277 {offsets = [0, 1024], sizes = [256, 128], strides = [1, 1]} : vector<256x2048xf32> to vector<256x128xf32>
    %slice3A_287 = vector.extract_strided_slice %mul3A_277 {offsets = [0, 1152], sizes = [256, 128], strides = [1, 1]} : vector<256x2048xf32> to vector<256x128xf32>
    %slice3A_288 = vector.extract_strided_slice %mul3A_277 {offsets = [0, 1280], sizes = [256, 128], strides = [1, 1]} : vector<256x2048xf32> to vector<256x128xf32>
    %slice3A_289 = vector.extract_strided_slice %mul3A_277 {offsets = [0, 1408], sizes = [256, 128], strides = [1, 1]} : vector<256x2048xf32> to vector<256x128xf32>
    %slice3A_290 = vector.extract_strided_slice %mul3A_277 {offsets = [0, 1536], sizes = [256, 128], strides = [1, 1]} : vector<256x2048xf32> to vector<256x128xf32>
    %slice3A_291 = vector.extract_strided_slice %mul3A_277 {offsets = [0, 1664], sizes = [256, 128], strides = [1, 1]} : vector<256x2048xf32> to vector<256x128xf32>
    %slice3A_292 = vector.extract_strided_slice %mul3A_277 {offsets = [0, 1792], sizes = [256, 128], strides = [1, 1]} : vector<256x2048xf32> to vector<256x128xf32>
    %slice3A_293 = vector.extract_strided_slice %mul3A_277 {offsets = [0, 1920], sizes = [256, 128], strides = [1, 1]} : vector<256x2048xf32> to vector<256x128xf32>
    %add3A_294 = arith.addf %slice3A_278, %slice3A_279 : vector<256x128xf32>
    %add3A_295 = arith.addf %slice3A_280, %slice3A_281 : vector<256x128xf32>
    %add3A_296 = arith.addf %slice3A_282, %slice3A_283 : vector<256x128xf32>
    %add3A_297 = arith.addf %slice3A_284, %slice3A_285 : vector<256x128xf32>
    %add3A_298 = arith.addf %slice3A_286, %slice3A_287 : vector<256x128xf32>
    %add3A_299 = arith.addf %slice3A_288, %slice3A_289 : vector<256x128xf32>
    %add3A_300 = arith.addf %slice3A_290, %slice3A_291 : vector<256x128xf32>
    %add3A_301 = arith.addf %slice3A_292, %slice3A_293 : vector<256x128xf32>
    %add3A_302 = arith.addf %add3A_294, %add3A_295 : vector<256x128xf32>
    %add3A_303 = arith.addf %add3A_296, %add3A_297 : vector<256x128xf32>
    %add3A_304 = arith.addf %add3A_298, %add3A_299 : vector<256x128xf32>
    %add3A_305 = arith.addf %add3A_300, %add3A_301 : vector<256x128xf32>
    %add3A_306 = arith.addf %add3A_302, %add3A_303 : vector<256x128xf32>
    %add3A_307 = arith.addf %add3A_304, %add3A_305 : vector<256x128xf32>
    %add3A_308 = arith.addf %add3A_306, %add3A_307 : vector<256x128xf32>
    %slice3A_309 = vector.extract_strided_slice %add3A_308 {offsets = [0, 0], sizes = [256, 100], strides = [1, 1]} : vector<256x128xf32> to vector<256x100xf32>
    %dot_general3A_310 = arith.constant dense<0.000000e+00> : vector<256x256xf32>
    %dot_general3A_311 = tpu.matmul %mul3A_167, %get3A_27, %dot_general3A_310 {dimension_numbers = #tpu.dot_dimension_numbers<[1], [0], [0], [1], [0, 0, 1, 1], [], []>, transpose_lhs_hint = false} : vector<256x16xf32>, vector<16x256xf32>, vector<256x256xf32> -> vector<256x256xf32>
    %mul3A_312 = arith.mulf %get3A_7, %dot_general3A_311 : vector<256x256xf32>
    %dot_general3A_313 = arith.constant dense<0.000000e+00> : vector<256x16xf32>
    %dot_general3A_314 = tpu.matmul %mul3A_312, %get3A_33, %dot_general3A_313 {dimension_numbers = #tpu.dot_dimension_numbers<[1], [0], [0], [1], [0, 0, 1, 1], [], []>, transpose_lhs_hint = false} : vector<256x256xf32>, vector<256x16xf32>, vector<256x16xf32> -> vector<256x16xf32>
    %get3A_315 = arith.constant 0 : index
    %get3A_316 = arith.constant 0 : index
    %get3A_317 = vector.load %arg18[%get3A_315, %get3A_316] : memref<256x356xf32, #tpu.memory_space<vmem>>, vector<256x356xf32>
    %dot_general3A_318 = arith.constant dense<0.000000e+00> : vector<256x356xf32>
    %dot_general3A_319 = tpu.matmul %add3A_200, %get3A_317, %dot_general3A_318 {dimension_numbers = #tpu.dot_dimension_numbers<[1], [0], [0], [1], [0, 0, 1, 1], [], []>, transpose_lhs_hint = false} : vector<256x256xf32>, vector<256x356xf32>, vector<256x356xf32> -> vector<256x356xf32>
    %get3A_320 = arith.constant 0 : index
    %get3A_321 = arith.constant 0 : index
    %get3A_322 = vector.load %arg19[%get3A_320, %get3A_321] : memref<256x356xf32, #tpu.memory_space<vmem>>, vector<256x356xf32>
    %dot_general3A_323 = arith.constant dense<0.000000e+00> : vector<256x356xf32>
    %dot_general3A_324 = tpu.matmul %add3A_274, %get3A_322, %dot_general3A_323 {dimension_numbers = #tpu.dot_dimension_numbers<[1], [0], [0], [1], [0, 0, 1, 1], [], []>, transpose_lhs_hint = false} : vector<256x256xf32>, vector<256x356xf32>, vector<256x356xf32> -> vector<256x356xf32>
    %add3A_325 = arith.addf %dot_general3A_319, %dot_general3A_324 : vector<256x356xf32>
    %get3A_326 = arith.constant 0 : index
    %get3A_327 = arith.constant 0 : index
    %get3A_328 = vector.load %arg20[%get3A_326, %get3A_327] : memref<100x356xf32, #tpu.memory_space<vmem>>, vector<100x356xf32>
    %dot_general3A_329 = arith.constant dense<0.000000e+00> : vector<256x356xf32>
    %dot_general3A_330 = tpu.matmul %slice3A_235, %get3A_328, %dot_general3A_329 {dimension_numbers = #tpu.dot_dimension_numbers<[1], [0], [0], [1], [0, 0, 1, 1], [], []>, transpose_lhs_hint = false} : vector<256x100xf32>, vector<100x356xf32>, vector<256x356xf32> -> vector<256x356xf32>
    %add3A_331 = arith.addf %add3A_325, %dot_general3A_330 : vector<256x356xf32>
    %get3A_332 = arith.constant 0 : index
    %get3A_333 = arith.constant 0 : index
    %get3A_334 = vector.load %arg21[%get3A_332, %get3A_333] : memref<100x356xf32, #tpu.memory_space<vmem>>, vector<100x356xf32>
    %dot_general3A_335 = arith.constant dense<0.000000e+00> : vector<256x356xf32>
    %dot_general3A_336 = tpu.matmul %slice3A_309, %get3A_334, %dot_general3A_335 {dimension_numbers = #tpu.dot_dimension_numbers<[1], [0], [0], [1], [0, 0, 1, 1], [], []>, transpose_lhs_hint = false} : vector<256x100xf32>, vector<100x356xf32>, vector<256x356xf32> -> vector<256x356xf32>
    %add3A_337 = arith.addf %add3A_331, %dot_general3A_336 : vector<256x356xf32>
    %get3A_338 = arith.constant 0 : index
    %get3A_339 = arith.constant 0 : index
    %get3A_340 = vector.load %arg22[%get3A_338, %get3A_339] : memref<16x356xf32, #tpu.memory_space<vmem>>, vector<16x356xf32>
    %dot_general3A_341 = arith.constant dense<0.000000e+00> : vector<256x356xf32>
    %dot_general3A_342 = tpu.matmul %dot_general3A_240, %get3A_340, %dot_general3A_341 {dimension_numbers = #tpu.dot_dimension_numbers<[1], [0], [0], [1], [0, 0, 1, 1], [], []>, transpose_lhs_hint = false} : vector<256x16xf32>, vector<16x356xf32>, vector<256x356xf32> -> vector<256x356xf32>
    %add3A_343 = arith.addf %add3A_337, %dot_general3A_342 : vector<256x356xf32>
    %get3A_344 = arith.constant 0 : index
    %get3A_345 = arith.constant 0 : index
    %get3A_346 = vector.load %arg23[%get3A_344, %get3A_345] : memref<16x356xf32, #tpu.memory_space<vmem>>, vector<16x356xf32>
    %dot_general3A_347 = arith.constant dense<0.000000e+00> : vector<256x356xf32>
    %dot_general3A_348 = tpu.matmul %dot_general3A_314, %get3A_346, %dot_general3A_347 {dimension_numbers = #tpu.dot_dimension_numbers<[1], [0], [0], [1], [0, 0, 1, 1], [], []>, transpose_lhs_hint = false} : vector<256x16xf32>, vector<16x356xf32>, vector<256x356xf32> -> vector<256x356xf32>
    %add3A_349 = arith.addf %add3A_343, %dot_general3A_348 : vector<256x356xf32>
    %convert_element_type3A = arith.extui %eq3A_15 : vector<256x16xi1> to vector<256x16xi32>
    %convert_element_type3A_350 = arith.sitofp %convert_element_type3A : vector<256x16xi32> to vector<256x16xf32>
    %reduce_sum3A_351 = arith.constant dense<0.000000e+00> : vector<256xf32>
    %reduce_sum3A_352 = vector.multi_reduction <add>, %convert_element_type3A_350, %reduce_sum3A_351 [1] : vector<256x16xf32> to vector<256xf32>
    %broadcast_in_dim3A_353 = vector.shape_cast %reduce_sum3A_352 : vector<256xf32> to vector<256x1xf32>
    %eq3A_354 = arith.constant 1.600000e+01 : f32
    %eq3A_355 = vector.broadcast %eq3A_354 : f32 to vector<256x1xf32>
    %eq3A_356 = arith.cmpf oeq, %broadcast_in_dim3A_353, %eq3A_355 : vector<256x1xf32>
    %jit3A_357 = arith.constant 0.000000e+00 : f32
    %broadcast_in_dim3A_358 = vector.shape_cast %eq3A_356 : vector<256x1xi1> to vector<256x1xi1>
    %broadcast_in_dim3A_359 = vector.broadcast %broadcast_in_dim3A_358 : vector<256x1xi1> to vector<256x356xi1>
    %broadcast_in_dim3A_360 = vector.broadcast %jit3A_357 : f32 to vector<256x356xf32>
    %select_n3A_361 = arith.select %broadcast_in_dim3A_359, %broadcast_in_dim3A_360, %add3A_349 : vector<256x356xi1>, vector<256x356xf32>
    %get3A_362 = arith.constant 0 : index
    %get3A_363 = arith.constant 0 : index
    %get3A_364 = vector.load %arg24[%get3A_362, %get3A_363] : memref<356x256xf32, #tpu.memory_space<vmem>>, vector<356x256xf32>
    %dot_general3A_365 = arith.constant dense<0.000000e+00> : vector<256x256xf32>
    %dot_general3A_366 = tpu.matmul %select_n3A_361, %get3A_364, %dot_general3A_365 {dimension_numbers = #tpu.dot_dimension_numbers<[1], [0], [0], [1], [0, 0, 1, 1], [], []>, transpose_lhs_hint = false} : vector<256x356xf32>, vector<356x256xf32>, vector<256x256xf32> -> vector<256x256xf32>
    %get3A_367 = arith.constant 0 : index
    %get3A_368 = arith.constant 0 : index
    %get3A_369 = vector.load %arg25[%get3A_367, %get3A_368] : memref<256x256xf32, #tpu.memory_space<vmem>>, vector<256x256xf32>
    %dot_general3A_370 = arith.constant dense<0.000000e+00> : vector<256x256xf32>
    %dot_general3A_371 = tpu.matmul %get3A_1, %get3A_369, %dot_general3A_370 {dimension_numbers = #tpu.dot_dimension_numbers<[1], [0], [0], [1], [0, 0, 1, 1], [], []>, transpose_lhs_hint = false} : vector<256x256xf32>, vector<256x256xf32>, vector<256x256xf32> -> vector<256x256xf32>
    %add3A_372 = arith.addf %dot_general3A_366, %dot_general3A_371 : vector<256x256xf32>
    %get3A_373 = arith.constant 0 : index
    %get3A_374 = arith.constant 0 : index
    %get3A_375 = vector.load %arg26[%get3A_373, %get3A_374] : memref<1x256xf32, #tpu.memory_space<vmem>>, vector<1x256xf32>
    %add3A_376 = vector.broadcast %get3A_375 : vector<1x256xf32> to vector<256x256xf32>
    %add3A_377 = arith.addf %add3A_372, %add3A_376 : vector<256x256xf32>
    %max3A = arith.constant 0.000000e+00 : f32
    %max3A_378 = vector.broadcast %max3A : f32 to vector<256x256xf32>
    %max3A_379 = arith.maximumf %add3A_377, %max3A_378 : vector<256x256xf32>
    %get3A_380 = arith.constant 0 : index
    %get3A_381 = arith.constant 0 : index
    %get3A_382 = vector.load %arg27[%get3A_380, %get3A_381] : memref<256x256xf32, #tpu.memory_space<vmem>>, vector<256x256xf32>
    %dot_general3A_383 = arith.constant dense<0.000000e+00> : vector<256x256xf32>
    %dot_general3A_384 = tpu.matmul %max3A_379, %get3A_382, %dot_general3A_383 {dimension_numbers = #tpu.dot_dimension_numbers<[1], [0], [0], [1], [0, 0, 1, 1], [], []>, transpose_lhs_hint = false} : vector<256x256xf32>, vector<256x256xf32>, vector<256x256xf32> -> vector<256x256xf32>
    %get3A_385 = arith.constant 0 : index
    %get3A_386 = arith.constant 0 : index
    %get3A_387 = vector.load %arg28[%get3A_385, %get3A_386] : memref<1x256xf32, #tpu.memory_space<vmem>>, vector<1x256xf32>
    %add3A_388 = vector.broadcast %get3A_387 : vector<1x256xf32> to vector<256x256xf32>
    %add3A_389 = arith.addf %dot_general3A_384, %add3A_388 : vector<256x256xf32>
    %swap3A = arith.constant 0 : index
    %swap3A_390 = arith.constant 0 : index
    %swap3A_391 = vector.load %arg39[%swap3A, %swap3A_390] : memref<256x256xf32, #tpu.memory_space<vmem>>, vector<256x256xf32>
    tpu.vector_store %arg39[%swap3A, %swap3A_390], %add3A_389 {strides = array<i32>} : memref<256x256xf32, #tpu.memory_space<vmem>>, vector<256x256xf32>,
    return
  }
  func.func @transform_0(%arg0: i32) -> (i32, i32) {
    %c0_i32 = arith.constant 0 : i32
    %c0_i32_0 = arith.constant 0 : i32
    return %arg0, %c0_i32 : i32, i32
  }
  func.func @transform_1(%arg0: i32) -> (i32, i32) {
    %c0_i32 = arith.constant 0 : i32
    %c0_i32_0 = arith.constant 0 : i32
    return %arg0, %c0_i32 : i32, i32
  }
  func.func @transform_2(%arg0: i32) -> (i32, i32) {
    %c0_i32 = arith.constant 0 : i32
    %c0_i32_0 = arith.constant 0 : i32
    return %arg0, %c0_i32 : i32, i32
  }
  func.func @transform_3(%arg0: i32) -> (i32, i32) {
    %c0_i32 = arith.constant 0 : i32
    %c0_i32_0 = arith.constant 0 : i32
    return %arg0, %c0_i32 : i32, i32
  }
  func.func @transform_4(%arg0: i32) -> (i32, i32) {
    %c0_i32 = arith.constant 0 : i32
    %c0_i32_0 = arith.constant 0 : i32
    return %arg0, %c0_i32 : i32, i32
  }
  func.func @transform_5(%arg0: i32) -> (i32, i32) {
    %c0_i32 = arith.constant 0 : i32
    %c0_i32_0 = arith.constant 0 : i32
    %c0_i32_1 = arith.constant 0 : i32
    return %c0_i32, %c0_i32_0 : i32, i32
  }
  func.func @transform_6(%arg0: i32) -> (i32, i32) {
    %c0_i32 = arith.constant 0 : i32
    %c0_i32_0 = arith.constant 0 : i32
    %c0_i32_1 = arith.constant 0 : i32
    return %c0_i32, %c0_i32_0 : i32, i32
  }
  func.func @transform_7(%arg0: i32) -> (i32, i32) {
    %c0_i32 = arith.constant 0 : i32
    %c0_i32_0 = arith.constant 0 : i32
    %c0_i32_1 = arith.constant 0 : i32
    return %c0_i32, %c0_i32_0 : i32, i32
  }
  func.func @transform_8(%arg0: i32) -> (i32, i32) {
    %c0_i32 = arith.constant 0 : i32
    %c0_i32_0 = arith.constant 0 : i32
    %c0_i32_1 = arith.constant 0 : i32
    return %c0_i32, %c0_i32_0 : i32, i32
  }
  func.func @transform_9(%arg0: i32) -> (i32, i32) {
    %c0_i32 = arith.constant 0 : i32
    %c0_i32_0 = arith.constant 0 : i32
    %c0_i32_1 = arith.constant 0 : i32
    return %c0_i32, %c0_i32_0 : i32, i32
  }
  func.func @transform_10(%arg0: i32) -> (i32, i32) {
    %c0_i32 = arith.constant 0 : i32
    %c0_i32_0 = arith.constant 0 : i32
    %c0_i32_1 = arith.constant 0 : i32
    return %c0_i32, %c0_i32_0 : i32, i32
  }
  func.func @transform_11(%arg0: i32) -> (i32, i32) {
    %c0_i32 = arith.constant 0 : i32
    %c0_i32_0 = arith.constant 0 : i32
    %c0_i32_1 = arith.constant 0 : i32
    return %c0_i32, %c0_i32_0 : i32, i32
  }
  func.func @transform_12(%arg0: i32) -> (i32, i32) {
    %c0_i32 = arith.constant 0 : i32
    %c0_i32_0 = arith.constant 0 : i32
    %c0_i32_1 = arith.constant 0 : i32
    return %c0_i32, %c0_i32_0 : i32, i32
  }
  func.func @transform_13(%arg0: i32) -> (i32, i32) {
    %c0_i32 = arith.constant 0 : i32
    %c0_i32_0 = arith.constant 0 : i32
    %c0_i32_1 = arith.constant 0 : i32
    return %c0_i32, %c0_i32_0 : i32, i32
  }
  func.func @transform_14(%arg0: i32) -> (i32, i32) {
    %c0_i32 = arith.constant 0 : i32
    %c0_i32_0 = arith.constant 0 : i32
    %c0_i32_1 = arith.constant 0 : i32
    return %c0_i32, %c0_i32_0 : i32, i32
  }
  func.func @transform_15(%arg0: i32) -> (i32, i32) {
    %c0_i32 = arith.constant 0 : i32
    %c0_i32_0 = arith.constant 0 : i32
    %c0_i32_1 = arith.constant 0 : i32
    return %c0_i32, %c0_i32_0 : i32, i32
  }
  func.func @transform_16(%arg0: i32) -> (i32, i32) {
    %c0_i32 = arith.constant 0 : i32
    %c0_i32_0 = arith.constant 0 : i32
    %c0_i32_1 = arith.constant 0 : i32
    return %c0_i32, %c0_i32_0 : i32, i32
  }
  func.func @transform_17(%arg0: i32) -> (i32, i32) {
    %c0_i32 = arith.constant 0 : i32
    %c0_i32_0 = arith.constant 0 : i32
    %c0_i32_1 = arith.constant 0 : i32
    return %c0_i32, %c0_i32_0 : i32, i32
  }
  func.func @transform_18(%arg0: i32) -> (i32, i32) {
    %c0_i32 = arith.constant 0 : i32
    %c0_i32_0 = arith.constant 0 : i32
    %c0_i32_1 = arith.constant 0 : i32
    return %c0_i32, %c0_i32_0 : i32, i32
  }
  func.func @transform_19(%arg0: i32) -> (i32, i32) {
    %c0_i32 = arith.constant 0 : i32
    %c0_i32_0 = arith.constant 0 : i32
    %c0_i32_1 = arith.constant 0 : i32
    return %c0_i32, %c0_i32_0 : i32, i32
  }
  func.func @transform_20(%arg0: i32) -> (i32, i32) {
    %c0_i32 = arith.constant 0 : i32
    %c0_i32_0 = arith.constant 0 : i32
    %c0_i32_1 = arith.constant 0 : i32
    return %c0_i32, %c0_i32_0 : i32, i32
  }
  func.func @transform_21(%arg0: i32) -> (i32, i32) {
    %c0_i32 = arith.constant 0 : i32
    %c0_i32_0 = arith.constant 0 : i32
    %c0_i32_1 = arith.constant 0 : i32
    return %c0_i32, %c0_i32_0 : i32, i32
  }
  func.func @transform_22(%arg0: i32) -> (i32, i32) {
    %c0_i32 = arith.constant 0 : i32
    %c0_i32_0 = arith.constant 0 : i32
    %c0_i32_1 = arith.constant 0 : i32
    return %c0_i32, %c0_i32_0 : i32, i32
  }
  func.func @transform_23(%arg0: i32) -> (i32, i32) {
    %c0_i32 = arith.constant 0 : i32
    %c0_i32_0 = arith.constant 0 : i32
    %c0_i32_1 = arith.constant 0 : i32
    return %c0_i32, %c0_i32_0 : i32, i32
  }
  func.func @transform_24(%arg0: i32) -> (i32, i32) {
    %c0_i32 = arith.constant 0 : i32
    %c0_i32_0 = arith.constant 0 : i32
    %c0_i32_1 = arith.constant 0 : i32
    return %c0_i32, %c0_i32_0 : i32, i32
  }
  func.func @transform_25(%arg0: i32) -> (i32, i32) {
    %c0_i32 = arith.constant 0 : i32
    %c0_i32_0 = arith.constant 0 : i32
    %c0_i32_1 = arith.constant 0 : i32
    return %c0_i32, %c0_i32_0 : i32, i32
  }
  func.func @transform_26(%arg0: i32) -> (i32, i32) {
    %c0_i32 = arith.constant 0 : i32
    %c0_i32_0 = arith.constant 0 : i32
    %c0_i32_1 = arith.constant 0 : i32
    return %c0_i32, %c0_i32_0 : i32, i32
  }
  func.func @transform_27(%arg0: i32) -> (i32, i32) {
    %c0_i32 = arith.constant 0 : i32
    %c0_i32_0 = arith.constant 0 : i32
    %c0_i32_1 = arith.constant 0 : i32
    return %c0_i32, %c0_i32_0 : i32, i32
  }
  func.func @transform_28(%arg0: i32) -> (i32, i32) {
    %c0_i32 = arith.constant 0 : i32
    %c0_i32_0 = arith.constant 0 : i32
    %c0_i32_1 = arith.constant 0 : i32
    return %c0_i32, %c0_i32_0 : i32, i32
  }
  func.func @transform_29(%arg0: i32) -> (i32, i32) {
    %c0_i32 = arith.constant 0 : i32
    %c0_i32_0 = arith.constant 0 : i32
    %c0_i32_1 = arith.constant 0 : i32
    return %c0_i32, %c0_i32_0 : i32, i32
  }
  func.func @transform_30(%arg0: i32) -> (i32, i32) {
    %c0_i32 = arith.constant 0 : i32
    %c0_i32_0 = arith.constant 0 : i32
    %c0_i32_1 = arith.constant 0 : i32
    return %c0_i32, %c0_i32_0 : i32, i32
  }
  func.func @transform_31(%arg0: i32) -> (i32, i32) {
    %c0_i32 = arith.constant 0 : i32
    %c0_i32_0 = arith.constant 0 : i32
    %c0_i32_1 = arith.constant 0 : i32
    return %c0_i32, %c0_i32_0 : i32, i32
  }
  func.func @transform_32(%arg0: i32) -> (i32, i32) {
    %c0_i32 = arith.constant 0 : i32
    %c0_i32_0 = arith.constant 0 : i32
    %c0_i32_1 = arith.constant 0 : i32
    return %c0_i32, %c0_i32_0 : i32, i32
  }
  func.func @transform_33(%arg0: i32) -> (i32, i32) {
    %c0_i32 = arith.constant 0 : i32
    %c0_i32_0 = arith.constant 0 : i32
    %c0_i32_1 = arith.constant 0 : i32
    return %c0_i32, %c0_i32_0 : i32, i32
  }
  func.func @transform_34(%arg0: i32) -> (i32, i32) {
    %c0_i32 = arith.constant 0 : i32
    %c0_i32_0 = arith.constant 0 : i32
    %c0_i32_1 = arith.constant 0 : i32
    return %c0_i32, %c0_i32_0 : i32, i32
  }
  func.func @transform_35(%arg0: i32) -> (i32, i32) {
    %c0_i32 = arith.constant 0 : i32
    %c0_i32_0 = arith.constant 0 : i32
    %c0_i32_1 = arith.constant 0 : i32
    return %c0_i32, %c0_i32_0 : i32, i32
  }
  func.func @transform_36(%arg0: i32) -> (i32, i32) {
    %c0_i32 = arith.constant 0 : i32
    %c0_i32_0 = arith.constant 0 : i32
    %c0_i32_1 = arith.constant 0 : i32
    return %c0_i32, %c0_i32_0 : i32, i32
  }
  func.func @transform_37(%arg0: i32) -> (i32, i32) {
    %c0_i32 = arith.constant 0 : i32
    %c0_i32_0 = arith.constant 0 : i32
    %c0_i32_1 = arith.constant 0 : i32
    return %c0_i32, %c0_i32_0 : i32, i32
  }
  func.func @transform_38(%arg0: i32) -> (i32, i32) {
    %c0_i32 = arith.constant 0 : i32
    %c0_i32_0 = arith.constant 0 : i32
    return %arg0, %c0_i32 : i32, i32
  }
}

</mosaic_0001>

<sc_bundles>
// kernel: kernel.6.cloned.1.call-start
scs
__scs_entry_jumppad:
0x0: {  	(pc) =	sbr.rel $0x88, $3  }
0x1: {  	(tag) =	ssettag $0x0;
	lr =	simm.s32 $0x1  }
0x2: {  	[smem:$0x3F91] =	sst lr;
	_ =	strace $0xD0000000  }
0x3: {  	_ = 	snop  }
0x4: {  	_ = 	snop  }
0x5: {  	_ = 	snop  }
0x6: {  	_ = 	snop  }
0x7: {  	_ = 	snop  }
__scs_overlays_trampoline_lowered:
0x8: {  	[smem:$0x3FA0] =	sst s0  }
0x9: {  	[smem:$0x3FA1] =	sst s1  }
0xa: {  	[smem:$0x3FA2] =	sst s2  }
0xb: {  	[smem:$0x3FA3] =	sst s3  }
0xc: {  	[smem:$0x3FA4] =	sst s4  }
0xd: {  	[smem:$0x3FA5] =	sst s5  }
0xe: {  	[smem:$0x3FA6] =	sst s6  }
0xf: {  	[smem:$0x3FA7] =	sst s7  }
0x10: {  	[smem:$0x3FA8] =	sst s8  }
0x11: {  	[smem:$0x3FA9] =	sst s9;
	s0 =	simm.s32 @!p0 $0x0  }
0x12: {  	s1 =	sld [smem:$0x3F8F];
	s0 =	simm.s32 @p0 $0x1  }
0x13: {  	[smem:$0x3FAA] =	sst s0;
	s0 =	simm.s32 @!p1 $0x0  }
0x14: {  	s2 =	sld [smem:$0x3F8E];
	s0 =	simm.s32 @p1 $0x1  }
0x15: {  	[smem:$0x3FAB] =	sst s0;
	s0 =	simm.s32 @!p2 $0x0  }
0x16: {  	s3 =	sld [smem:$0x3FDB];
	s0 =	simm.s32 @p2 $0x1  }
0x17: {  	s4 =	simm.s32 $0x1BF5;
	[smem:$0x3FAD] =	sst s0  }
0x18: {  	s0 =	sld [smem:$0x3F90];
	_ =	swait.ge [sflag:s4], $0x0  }
0x19: {  	s7 =	sld [smem:$0x3F91]  }
0x1a: {  	s8 =	sadd.s32 $0xFFFFE003, lr  }
0x1b: {  	s9 =	sadd.s32 $0xFFFFFEF7, lr;
	s5 =	simm.s32 $0xFFFFFFFF;
	p2 =	slt.u32 s8, $0xFFFFF086  }
0x1c: {  	p1 =	slt.u32 s9, $0xF7A;
	s5 =	simm.s32 @!p2 $0x0  }
0x1d: {  	s5 =	simm.s32 @p1 $0x1;
	p0 =	seq.s32 s7, s2  }
0x1e: {  	s7 =	smul.u32 @!p0 $0xF7A, s2;
	p2 =	seq.s32 @!p0 s5, $0x0  }
0x1f: {  	s9 =	smul.u32 $0xF7A, s1;
	s8 =	simm.s32 @!p0 $0x1BF5;
	p2 =	por !p2, p0  }
0x20: {  	[sflag:s8] =	ssyncset.s32 @!p0 $0xFFFFF086;
	s6 =	sadd.s32 @!p0 s3, s7;
	s7 =	simm.s32 @!p0 $0x108  }
0x21: {  	s3 =	sadd.s32 s3, s9;
	s6 =	sadd.s32 @!p0 $0x88, s6;
	s7 =	simm.s32 @p2 $0x1082  }
0x22: {  	[simem:s7], [sflag:s8] =	dma.local @!p0 [hbm:s6], $0xF7A  }
0x23: {  	s9 =	sor.u32 $0xD0000000, s2;
	s6 =	simm.s32 $0x108;
	_ =	swait.ge @!p0 [sflag:s8], $0x0  }
0x24: {  	s3 =	sadd.s32 $0x88, s3;
	s6 =	simm.s32 @!p1 $0x1082;
	[sflag:s4] =	ssyncset.s32 $0xFFFFF086  }
0x25: {  	[simem:s6], [sflag:s4] =	dma.local [hbm:s3], $0xF7A  }
0x26: {  	[smem:$0x3F91] =	sst s1;
	(tag) =	ssettag s2;
	_ =	strace s9  }
0x27: {  	s1 =	sld [smem:$0x3FA1]  }
0x28: {  	s2 =	sld [smem:$0x3FA2]  }
0x29: {  	s4 =	sld [smem:$0x3FA4]  }
0x2a: {  	p0 =	seq.s32 s5, $0x0;
	s5 =	sld [smem:$0x3FA5]  }
0x2b: {  	s6 =	sld [smem:$0x3FA6]  }
0x2c: {  	s7 =	sld [smem:$0x3FA7]  }
0x2d: {  	s3 =	simm.s32 $0x108;
	s8 =	sld [smem:$0x3FA8]  }
0x2e: {  	s3 =	simm.s32 @!p0 $0x1082;
	s9 =	sld [smem:$0x3FA9]  }
0x2f: {  	lr =	sadd.s32 s0, s3;
	s0 =	sld [smem:$0x3FA0]  }
0x30: {  	s3 =	sld [smem:$0x3FA3]  }
0x31: {  	[smem:$0x3FAC] =	sst s10  }
0x32: {  	s10 =	sld [smem:$0x3FAA];
	_ =	sdelay $0x3  }
0x33: {  	p0 =	seq.s32 s10, $0x1;
	s10 =	sld [smem:$0x3FAC];
	_ =	sdelay $0x3  }
0x34: {  	[smem:$0x3FAC] =	sst s10  }
0x35: {  	s10 =	sld [smem:$0x3FAB];
	_ =	sdelay $0x3  }
0x36: {  	p1 =	seq.s32 s10, $0x1;
	s10 =	sld [smem:$0x3FAC];
	_ =	sdelay $0x3  }
0x37: {  	[smem:$0x3FAC] =	sst s10  }
0x38: {  	s10 =	sld [smem:$0x3FAD]  }
0x39: {  	_ = 	snop;
	(pc) =	sbr.ind lr, $3  }
0x3a: {  	_ = 	snop  }
0x3b: {  	_ = 	snop  }
0x3c: {  	p2 =	seq.s32 s10, $0x1;
	s10 =	sld [smem:$0x3FAC]  }
0x3d: {  	_ =	shalt  }
0x3e: {  	_ =	shalt  }
0x3f: {  	_ =	shalt  }
0x40: {  	_ =	shalt  }
0x41: {  	_ =	shalt  }
0x42: {  	_ =	shalt  }
0x43: {  	_ =	shalt  }
0x44: {  	_ =	shalt  }
0x45: {  	_ =	shalt  }
0x46: {  	_ =	shalt  }
0x47: {  	_ =	shalt  }
0x48: {  	_ =	shalt  }
0x49: {  	_ =	shalt  }
0x4a: {  	_ =	shalt  }
0x4b: {  	_ =	shalt  }
0x4c: {  	_ =	shalt  }
0x4d: {  	_ =	shalt  }
0x4e: {  	_ =	shalt  }
0x4f: {  	_ =	shalt  }
0x50: {  	_ =	shalt  }
0x51: {  	_ =	shalt  }
0x52: {  	_ =	shalt  }
0x53: {  	_ =	shalt  }
0x54: {  	_ =	shalt  }
0x55: {  	_ =	shalt  }
0x56: {  	_ =	shalt  }
0x57: {  	_ =	shalt  }
0x58: {  	_ =	shalt  }
0x59: {  	_ =	shalt  }
0x5a: {  	_ =	shalt  }
0x5b: {  	_ =	shalt  }
0x5c: {  	_ =	shalt  }
0x5d: {  	_ =	shalt  }
0x5e: {  	_ =	shalt  }
0x5f: {  	_ =	shalt  }
0x60: {  	_ =	shalt  }
0x61: {  	_ =	shalt  }
0x62: {  	_ =	shalt  }
0x63: {  	_ =	shalt  }
0x64: {  	_ =	shalt  }
0x65: {  	_ =	shalt  }
0x66: {  	_ =	shalt  }
0x67: {  	_ =	shalt  }
0x68: {  	_ =	shalt  }
0x69: {  	_ =	shalt  }
0x6a: {  	_ =	shalt  }
0x6b: {  	_ =	shalt  }
0x6c: {  	_ =	shalt  }
0x6d: {  	_ =	shalt  }
0x6e: {  	_ =	shalt  }
0x6f: {  	_ =	shalt  }
0x70: {  	_ =	shalt  }
0x71: {  	_ =	shalt  }
0x72: {  	_ =	shalt  }
0x73: {  	_ =	shalt  }
0x74: {  	_ =	shalt  }
0x75: {  	_ =	shalt  }
0x76: {  	_ =	shalt  }
0x77: {  	_ =	shalt  }
0x78: {  	_ =	shalt  }
0x79: {  	_ =	shalt  }
0x7a: {  	_ =	shalt  }
0x7b: {  	_ =	shalt  }
0x7c: {  	_ =	shalt  }
0x7d: {  	_ =	shalt  }
0x7e: {  	_ =	shalt  }
0x7f: {  	_ =	shalt  }
0x80: {  	_ =	shalt  }
0x81: {  	_ =	shalt  }
0x82: {  	_ =	shalt  }
0x83: {  	_ =	shalt  }
0x84: {  	_ =	shalt  }
0x85: {  	_ =	shalt  }
0x86: {  	_ =	shalt  }
0x87: {  	_ =	shalt  }
.Lfunc_end0:
.L_simem_size_0:
called_computation_lowered:
.L_overlay_start_0:
0x88: {  	s2 =	sld [smem:$0x3FD9]  }
0x89: {  	s3 =	sld [smem:$0x3FFE];
	_ =	sdelay $0x1  }
0x8a: {  	s1 =	srdreg.scid  }
0x8b: {  	s0 =	sand.u32 $0x1, s1  }
0x8c: {  	s16 =	sshll.u32 s0, $0xA;
	s2 =	sadd.s32 s3, s2  }
0x8d: {  	s2 =	sadd.s32 s2, s16  }
0x8e: {  	[smem:$0x3FB8] =	sst s2  }
0x8f: {  	_ = 	snop  }
0x90: {  	(tm) =	ssettm $0x1  }
0x91: {  	s17 =	sld [smem:$0x3FFB];
	_ =	sdelay $0x3  }
0x92: {  	_ =	strace s17  }
0x93: {  	s2 =	sld [smem:$0x3FFC];
	_ =	sdelay $0x3  }
0x94: {  	_ =	strace s2  }
0x95: {  	s2 =	sld [smem:$0x3FFD];
	_ =	sdelay $0x3  }
0x96: {  	_ =	strace s2  }
0x97: {  	_ =	strace $0x8FFFFFFF  }
0x98: {  	s18 =	sld [smem:$0x3FDB];
	_ =	sdelay $0x1  }
0x99: {  	s19 =	simm.s32 $_scs_section_size  }
0x9a: {  	s4 =	simm.s32 $_size__tile_overlayer_lowered;
	s5 =	simm.s32 $_tile_overlayer_lowered  }
0x9b: {  	s22 =	simm.s32 $0x1BFF;
	s21 =	sshll.u32 s5, $0x1;
	s2 =	sadd.s32 s19, s18  }
0x9c: {  	s6 =	simm.s32 $0x0;
	s20 =	sshll.u32 s4, $0x1;
	s4 =	sadd.s32 s21, s2  }
0x9d: {  	[timem:s6], [sflag:s22] =	dma.local [hbm:s4], s20  }
0x9e: {  	_ =	swait.ge [sflag:s22], s20  }
0x9f: {  	s3 =	ssub.s32 $0x0, s20;
	[sflag:s22] =	ssyncset.done $0x0  }
0xa0: {  	[sflag:s22] =	ssyncadd.s32 s3;
	_ =	sdelay $0x1  }
0xa1: {  	s23 =	simm.s32 $0x1B8B  }
0xa2: {  	_ =	swait.ge [sflag:s23], $0x1  }
0xa3: {  	[sflag:s23] =	ssyncset.done $0x0  }
0xa4: {  	s25 =	simm.s32 $0x1B8E;
	s24 =	sld [smem:$0x3FFE];
	[sflag:s23] =	ssyncadd.s32 $0xFFFFFFFF  }
0xa5: {  	s26 =	simm.s32 $execute0_lowered;
	[smem:$0x3FD2] =	sst s25  }
0xa6: {  	s4 =	sshll.u32 s26, $0x1;
	_ =	strace $0x80000046;
	[dreg:$0x1] =	wrdreg $0xFFFFFFFF  }
0xa7: {  	s28 =	simm.s32 $_size_execute0_lowered;
	s2 =	sadd.s32 s2, s4;
	[dreg:$0x0] =	wrdreg $0x0  }
0xa8: {  	s4 =	sshll.u32 s28, $0x1;
	[dreg:$0x2] =	wrdreg s2  }
0xa9: {  	[dreg:$0x3] =	wrdreg s4  }
0xaa: {  	[dreg:$0x4] =	wrdreg $0xC0  }
0xab: {  	_ =	task [dreg:s6], $0x5FFFF  }
0xac: {  	[dreg:$0x1] =	wrdreg $0xFFFFFFFF  }
0xad: {  	[dreg:$0x0] =	wrdreg $0x60  }
0xae: {  	[dreg:$0x2] =	wrdreg s24  }
0xaf: {  	[dreg:$0x3] =	wrdreg $0x9  }
0xb0: {  	_ =	task.clear_ibuf [dreg:s6], $0x4FFFF;
	_ =	strace $0x90000046  }
0xb1: {  	s29 =	simm.s32 $0x9;
	_ =	strace $0x80000048  }
0xb2: {  	_ =	swait.ge [sflag:s29], $0x1  }
0xb3: {  	[sflag:s29] =	ssyncadd.s32 $0xFFFFFFFF  }
0xb4: {  	_ =	strace $0x90000048  }
0xb5: {  	_ =	sfence  }
0xb6: {  	s30 =	sld [smem:$0x0];
	_ =	sdelay $0x2  }
0xb7: {  	s31 =	sshll.u32 s1, $0xD;
	s1 =	sshrl.u32 s1, $0x2  }
0xb8: {  	s3 =	sand.u32 $0x4000, s31;
	s1 =	sadd.s32 s1, s30  }
0xb9: {  	s0 =	sor.u32 s3, s0;
	s1 =	sshll.u32 s1, $0x11  }
0xba: {  	s0 =	sor.u32 s1, s0  }
0xbb: {  	s0 =	sadd.s32 $0x8F2B, s0  }
0xbc: {  	[sflag:s0] =	ssyncadd.remote.s32 $0x1  }
0xbd: {  	_ =	sfence.sel $0xFFFF  }
0xbe: {  	[dreg:$0x0] =	wrdreg $0xFFFFFFFF;
	(pc) =	sbr.abs _section_cstart, $3  }
0xbf: {  	[dreg:$0x1] =	wrdreg $0xFFFFFFFF  }
0xc0: {  	_ =	task.clear_ibuf [dreg:s6], $0x2FFFF;
	_ =	strace $0x9FFFFFFF  }
0xc1: {  	(tm) =	ssettm $0x7FFFFFFF  }
tec
execute0_lowered:
.L_overlay_start_1:
0x0: {  	(tag) =	ssettag $0x1  }
0x1: {  	s0 =	srdreg.scid;
	s1 =	stileid.u32  }
0x2: {  	s31 =	sand.u32 $0x1, s0;
	s23 =	sshll.u32 s1, $0x1  }
0x3: {  	s0 =	sor.u32 s31, s23  }
0x4: {  	s16 =	rddreg [dreg:$0x0];
	s2 =	simm.s32 $0x0;
	s15 =	sshll.u32 s0, $0x7  }
0x5: {  	[smem:$0x7FF] =	sst s2;
	s24 =	sadd.s32 $0x27DC00, s16;
	s3 =	sadd.s32 s15, s16  }
0x6: {  	_ =	strace $0x80000047;
	[dreg:$0x2] =	wrdreg s24;
	s3 =	sadd.s32 $0x5B200, s3  }
0x7: {  	[dreg:$0x3] =	wrdreg s3  }
0x8: {  	s4 =	simm.s32 $0x80C0;
	s3 =	simm.s32 $0x2;
	s5 =	rddreg [dreg:$0x3]  }
0x9: {  	[tilespmem:s4], [sflag:$0x2] =	stream.linear.gather [hbm4b:s5+s2], $0x400, $0x38;
	[tilespmem:$0xC4C0] =	vst v63  }
0xa: {  	_ =	swait.ge [sflag:s3], $0x400  }
0xb: {  	s6 =	simm.s32 $0x84C0;
	s7 =	simm.s32 $0x1;
	[sflag:s3] =	ssyncset.done $0x0  }
0xc: {  	s5 =	simm.s32 $0x400;
	s8 =	rddreg [dreg:$0x2];
	[sflag:s3] =	ssyncadd.s32 $0xFFFFFC00  }
0xd: {  	[tilespmem:s6], [sflag:$0x1] =	stream.indirect.gather [hbm4b:s8+s5], $0x10, s4, s5, $0xb8;
	[tilespmem:$0xC4C0] =	vst v63  }
0xe: {  	s25 =	sshll.u32 s0, $0xB;
	_ =	swait.ge [sflag:s7], $0x4000  }
0xf: {  	s14 =	sadd.s32 s25, s16;
	[sflag:s7] =	ssyncset.done $0x0  }
0x10: {  	s8 =	sadd.s32 $0x16C200, s14;
	[sflag:s7] =	ssyncadd.s32 $0xFFFFC000  }
0x11: {  	[hbm4b:s8+s2] =	stream.linear.scatter [tilespmem:s6], [sflag:$0x2], $0x4000, $0x38;
	[tilespmem:$0xC4C0] =	vst v63  }
0x12: {  	s9 =	sshll.u32 s0, $0x3;
	_ =	swait.ge [sflag:s3], $0x4000  }
0x13: {  	s9 =	sadd.s32 s9, s16;
	[sflag:s3] =	ssyncset.done $0x0  }
0x14: {  	s10 =	simm.s32 $0x8080;
	s9 =	sadd.s32 $0x5AE00, s9;
	[sflag:s3] =	ssyncadd.s32 $0xFFFFC000  }
0x15: {  	[tilespmem:s10], [sflag:$0x2] =	stream.linear.gather [hbm4b:s9+s2], $0x40, $0x38;
	[tilespmem:$0xC4C0] =	vst v63  }
0x16: {  	_ =	swait.ge [sflag:s3], $0x40  }
0x17: {  	s12 =	simm.s32 $0x40;
	[sflag:s3] =	ssyncset.done $0x0  }
0x18: {  	s13 =	simm.s32 $0x80;
	s11 =	sadd.s32 $0xCC00, s16;
	[sflag:s3] =	ssyncadd.s32 $0xFFFFFFC0  }
0x19: {  	[tilespmem:s13], [sflag:$0x1] =	stream.indirect.gather [hbm4b:s11+s12], $0x100, s10, s12, $0xb8;
	[tilespmem:$0xC4C0] =	vst v63  }
0x1a: {  	_ =	swait.ge [sflag:s7], $0x4000  }
0x1b: {  	[sflag:s7] =	ssyncset.done $0x0  }
0x1c: {  	s14 =	sadd.s32 $0x15C200, s14;
	[sflag:s7] =	ssyncadd.s32 $0xFFFFC000  }
0x1d: {  	[hbm4b:s14+s2] =	stream.linear.scatter [tilespmem:s13], [sflag:$0x2], $0x4000, $0x38;
	[tilespmem:$0xC4C0] =	vst v63  }
0x1e: {  	_ =	swait.ge [sflag:s3], $0x4000  }
0x1f: {  	s30 =	sadd.s32 $0xBC00, s16;
	[sflag:s3] =	ssyncset.done $0x0  }
0x20: {  	s15 =	sadd.s32 s30, s15;
	[sflag:s3] =	ssyncadd.s32 $0xFFFFC000  }
0x21: {  	[tilespmem:s2], [sflag:$0x2] =	stream.linear.gather [hbm4b:s15+s2], $0x80, $0x38;
	[tilespmem:$0xC4C0] =	vst v63  }
0x22: {  	_ =	swait.ge [sflag:s3], $0x80  }
0x23: {  	[sflag:s3] =	ssyncset.done $0x0  }
0x24: {  	[sflag:s3] =	ssyncadd.s32 $0xFFFFFF80  }
0x25: {  	[tilespmem:s13], [sflag:$0x1] =	stream.indirect.gather [hbm4b:s11+s13], $0x100, s2, s13, $0xb8;
	[tilespmem:$0xC4C0] =	vst v63  }
0x26: {  	_ =	swait.ge [sflag:s7], $0x8000  }
0x27: {  	s1 =	sadd.s32 $0x5C200, s16;
	s26 =	sshll.u32 s0, $0xF;
	[sflag:s7] =	ssyncset.done $0x0  }
0x28: {  	s0 =	sshll.u32 s0, $0xA;
	s16 =	sadd.s32 s1, s26;
	[sflag:s7] =	ssyncadd.s32 $0xFFFF8000  }
0x29: {  	[hbm4b:s16+s2] =	stream.linear.scatter [tilespmem:s13], [sflag:$0x2], $0x8000, $0x38;
	[tilespmem:$0xC4C0] =	vst v63  }
0x2a: {  	s18 =	sor.u32 $0x80, s0;
	_ =	swait.ge [sflag:s3], $0x8000  }
0x2b: {  	s17 =	sshrl.u32 s18, $0x3;
	[sflag:s3] =	ssyncset.done $0x0  }
0x2c: {  	s17 =	sadd.s32 s30, s17;
	[sflag:s3] =	ssyncadd.s32 $0xFFFF8000  }
0x2d: {  	[tilespmem:s2], [sflag:$0x2] =	stream.linear.gather [hbm4b:s17+s2], $0x80, $0x38;
	[tilespmem:$0xC4C0] =	vst v63  }
0x2e: {  	_ =	swait.ge [sflag:s3], $0x80  }
0x2f: {  	[sflag:s3] =	ssyncset.done $0x0  }
0x30: {  	[sflag:s3] =	ssyncadd.s32 $0xFFFFFF80  }
0x31: {  	[tilespmem:s13], [sflag:$0x1] =	stream.indirect.gather [hbm4b:s11+s13], $0x100, s2, s13, $0xb8;
	[tilespmem:$0xC4C0] =	vst v63  }
0x32: {  	_ =	swait.ge [sflag:s7], $0x8000  }
0x33: {  	s18 =	sshll.u32 s18, $0x5;
	[sflag:s7] =	ssyncset.done $0x0  }
0x34: {  	s18 =	sadd.s32 s1, s18;
	[sflag:s7] =	ssyncadd.s32 $0xFFFF8000  }
0x35: {  	[hbm4b:s18+s2] =	stream.linear.scatter [tilespmem:s13], [sflag:$0x2], $0x8000, $0x38;
	[tilespmem:$0xC4C0] =	vst v63  }
0x36: {  	s20 =	sor.u32 $0x100, s0;
	_ =	swait.ge [sflag:s3], $0x8000  }
0x37: {  	s19 =	sshrl.u32 s20, $0x3;
	[sflag:s3] =	ssyncset.done $0x0  }
0x38: {  	s19 =	sadd.s32 s30, s19;
	[sflag:s3] =	ssyncadd.s32 $0xFFFF8000  }
0x39: {  	[tilespmem:s2], [sflag:$0x2] =	stream.linear.gather [hbm4b:s19+s2], $0x80, $0x38;
	[tilespmem:$0xC4C0] =	vst v63  }
0x3a: {  	_ =	swait.ge [sflag:s3], $0x80  }
0x3b: {  	[sflag:s3] =	ssyncset.done $0x0  }
0x3c: {  	[sflag:s3] =	ssyncadd.s32 $0xFFFFFF80  }
0x3d: {  	[tilespmem:s13], [sflag:$0x1] =	stream.indirect.gather [hbm4b:s11+s13], $0x100, s2, s13, $0xb8;
	[tilespmem:$0xC4C0] =	vst v63  }
0x3e: {  	_ =	swait.ge [sflag:s7], $0x8000  }
0x3f: {  	s20 =	sshll.u32 s20, $0x5;
	[sflag:s7] =	ssyncset.done $0x0  }
0x40: {  	s20 =	sadd.s32 s1, s20;
	[sflag:s7] =	ssyncadd.s32 $0xFFFF8000  }
0x41: {  	[hbm4b:s20+s2] =	stream.linear.scatter [tilespmem:s13], [sflag:$0x2], $0x8000, $0x38;
	[tilespmem:$0xC4C0] =	vst v63  }
0x42: {  	s22 =	sor.u32 $0x180, s0;
	_ =	swait.ge [sflag:s3], $0x8000  }
0x43: {  	s21 =	sshrl.u32 s22, $0x3;
	[sflag:s3] =	ssyncset.done $0x0  }
0x44: {  	s21 =	sadd.s32 s30, s21;
	[sflag:s3] =	ssyncadd.s32 $0xFFFF8000  }
0x45: {  	[tilespmem:s2], [sflag:$0x2] =	stream.linear.gather [hbm4b:s21+s2], $0x80, $0x38;
	[tilespmem:$0xC4C0] =	vst v63  }
0x46: {  	_ =	swait.ge [sflag:s3], $0x80  }
0x47: {  	[sflag:s3] =	ssyncset.done $0x0  }
0x48: {  	[sflag:s3] =	ssyncadd.s32 $0xFFFFFF80  }
0x49: {  	[tilespmem:s13], [sflag:$0x1] =	stream.indirect.gather [hbm4b:s11+s13], $0x100, s2, s13, $0xb8;
	[tilespmem:$0xC4C0] =	vst v63  }
0x4a: {  	_ =	swait.ge [sflag:s7], $0x8000  }
0x4b: {  	s22 =	sshll.u32 s22, $0x5;
	[sflag:s7] =	ssyncset.done $0x0  }
0x4c: {  	s22 =	sadd.s32 s1, s22;
	[sflag:s7] =	ssyncadd.s32 $0xFFFF8000  }
0x4d: {  	[hbm4b:s22+s2] =	stream.linear.scatter [tilespmem:s13], [sflag:$0x2], $0x8000, $0x38;
	[tilespmem:$0xC4C0] =	vst v63  }
0x4e: {  	s24 =	sor.u32 $0x200, s0;
	_ =	swait.ge [sflag:s3], $0x8000  }
0x4f: {  	s23 =	sshrl.u32 s24, $0x3;
	[sflag:s3] =	ssyncset.done $0x0  }
0x50: {  	s23 =	sadd.s32 s30, s23;
	[sflag:s3] =	ssyncadd.s32 $0xFFFF8000  }
0x51: {  	[tilespmem:s2], [sflag:$0x2] =	stream.linear.gather [hbm4b:s23+s2], $0x80, $0x38;
	[tilespmem:$0xC4C0] =	vst v63  }
0x52: {  	_ =	swait.ge [sflag:s3], $0x80  }
0x53: {  	[sflag:s3] =	ssyncset.done $0x0  }
0x54: {  	[sflag:s3] =	ssyncadd.s32 $0xFFFFFF80  }
0x55: {  	[tilespmem:s13], [sflag:$0x1] =	stream.indirect.gather [hbm4b:s11+s13], $0x100, s2, s13, $0xb8;
	[tilespmem:$0xC4C0] =	vst v63  }
0x56: {  	_ =	swait.ge [sflag:s7], $0x8000  }
0x57: {  	s24 =	sshll.u32 s24, $0x5;
	[sflag:s7] =	ssyncset.done $0x0  }
0x58: {  	s24 =	sadd.s32 s1, s24;
	[sflag:s7] =	ssyncadd.s32 $0xFFFF8000  }
0x59: {  	[hbm4b:s24+s2] =	stream.linear.scatter [tilespmem:s13], [sflag:$0x2], $0x8000, $0x38;
	[tilespmem:$0xC4C0] =	vst v63  }
0x5a: {  	s26 =	sor.u32 $0x280, s0;
	_ =	swait.ge [sflag:s3], $0x8000  }
0x5b: {  	s25 =	sshrl.u32 s26, $0x3;
	[sflag:s3] =	ssyncset.done $0x0  }
0x5c: {  	s25 =	sadd.s32 s30, s25;
	[sflag:s3] =	ssyncadd.s32 $0xFFFF8000  }
0x5d: {  	[tilespmem:s2], [sflag:$0x2] =	stream.linear.gather [hbm4b:s25+s2], $0x80, $0x38;
	[tilespmem:$0xC4C0] =	vst v63  }
0x5e: {  	_ =	swait.ge [sflag:s3], $0x80  }
0x5f: {  	[sflag:s3] =	ssyncset.done $0x0  }
0x60: {  	[sflag:s3] =	ssyncadd.s32 $0xFFFFFF80  }
0x61: {  	[tilespmem:s13], [sflag:$0x1] =	stream.indirect.gather [hbm4b:s11+s13], $0x100, s2, s13, $0xb8;
	[tilespmem:$0xC4C0] =	vst v63  }
0x62: {  	_ =	swait.ge [sflag:s7], $0x8000  }
0x63: {  	s26 =	sshll.u32 s26, $0x5;
	[sflag:s7] =	ssyncset.done $0x0  }
0x64: {  	s26 =	sadd.s32 s1, s26;
	[dreg:$0x4] =	wrdreg s1;
	[sflag:s7] =	ssyncadd.s32 $0xFFFF8000  }
0x65: {  	[hbm4b:s26+s2] =	stream.linear.scatter [tilespmem:s13], [sflag:$0x2], $0x8000, $0x38;
	[tilespmem:$0xC4C0] =	vst v63  }
0x66: {  	s29 =	sor.u32 $0x300, s0;
	_ =	swait.ge [sflag:s3], $0x8000  }
0x67: {  	s28 =	sshrl.u32 s29, $0x3;
	[sflag:s3] =	ssyncset.done $0x0  }
0x68: {  	s28 =	sadd.s32 s30, s28;
	[sflag:s3] =	ssyncadd.s32 $0xFFFF8000  }
0x69: {  	[tilespmem:s2], [sflag:$0x2] =	stream.linear.gather [hbm4b:s28+s2], $0x80, $0x38;
	[tilespmem:$0xC4C0] =	vst v63  }
0x6a: {  	_ =	swait.ge [sflag:s3], $0x80  }
0x6b: {  	[sflag:s3] =	ssyncset.done $0x0  }
0x6c: {  	[sflag:s3] =	ssyncadd.s32 $0xFFFFFF80  }
0x6d: {  	[tilespmem:s13], [sflag:$0x1] =	stream.indirect.gather [hbm4b:s11+s13], $0x100, s2, s13, $0xb8;
	[tilespmem:$0xC4C0] =	vst v63  }
0x6e: {  	_ =	swait.ge [sflag:s7], $0x8000  }
0x6f: {  	s29 =	sshll.u32 s29, $0x5;
	[sflag:s7] =	ssyncset.done $0x0  }
0x70: {  	s0 =	sor.u32 $0x380, s0;
	s29 =	sadd.s32 s1, s29;
	[sflag:s7] =	ssyncadd.s32 $0xFFFF8000  }
0x71: {  	[hbm4b:s29+s2] =	stream.linear.scatter [tilespmem:s13], [sflag:$0x2], $0x8000, $0x38;
	[tilespmem:$0xC4C0] =	vst v63  }
0x72: {  	s1 =	sshrl.u32 s0, $0x3;
	_ =	swait.ge [sflag:s3], $0x8000  }
0x73: {  	s30 =	sadd.s32 s30, s1;
	s1 =	ssub.s32 $0x2, s31;
	[sflag:s3] =	ssyncset.done $0x0  }
0x74: {  	s31 =	sshrl.u32 s1, $0x1;
	[sflag:s3] =	ssyncadd.s32 $0xFFFF8000  }
0x75: {  	[tilespmem:s2], [sflag:$0x2] =	stream.linear.gather [hbm4b:s30+s2], $0x80, $0x38;
	[tilespmem:$0xC4C0] =	vst v63  }
0x76: {  	s1 =	ssub.s32 s1, s31;
	_ =	swait.ge [sflag:s3], $0x80  }
0x77: {  	s1 =	smax.u32 s1, $0x1;
	[sflag:s3] =	ssyncset.done $0x0  }
0x78: {  	p0 =	sne.s32 s1, $0x1;
	[sflag:s3] =	ssyncadd.s32 $0xFFFFFF80  }
0x79: {  	[tilespmem:s13], [sflag:$0x1] =	stream.indirect.gather [hbm4b:s11+s13], $0x100, s2, s13, $0xb8;
	[tilespmem:$0xC4C0] =	vst v63  }
.Ltmp0:
0x7a: {  	_ =	swait.ge [sflag:s7], $0x8000;
	(pc) =	sbr.rel @!p0 .LBB2_2-.Ltmp0, $4  }
0x7b: {  	s0 =	sshll.u32 s0, $0x5;
	[sflag:s7] =	ssyncset.done $0x0;
	s31 =	rddreg [dreg:$0x4]  }
0x7c: {  	s31 =	sadd.s32 s31, s0;
	[sflag:s7] =	ssyncadd.s32 $0xFFFF8000  }
0x7d: {  	[hbm4b:s31+s2] =	stream.linear.scatter [tilespmem:s13], [sflag:$0x2], $0x8000, $0x38;
	[tilespmem:$0xC4C0] =	vst v63  }
0x7e: {  	s1 =	sadd.s32 $0xFFFFFFFF, s1;
	_ =	swait.ge [sflag:s3], $0x8000  }
.LBB2_1:
0x7f: {  	[sflag:s3] =	ssyncset.done $0x0  }
0x80: {  	s0 =	rddreg [dreg:$0x3];
	[sflag:s3] =	ssyncadd.s32 $0xFFFF8000  }
0x81: {  	[tilespmem:s4], [sflag:$0x2] =	stream.linear.gather [hbm4b:s0+s2], $0x400, $0x38;
	[tilespmem:$0xC4C0] =	vst v63  }
0x82: {  	_ =	swait.ge [sflag:s3], $0x400  }
0x83: {  	[sflag:s3] =	ssyncset.done $0x0  }
0x84: {  	s0 =	rddreg [dreg:$0x2];
	[sflag:s3] =	ssyncadd.s32 $0xFFFFFC00  }
0x85: {  	[tilespmem:s6], [sflag:$0x1] =	stream.indirect.gather [hbm4b:s0+s5], $0x10, s4, s5, $0xb8;
	[tilespmem:$0xC4C0] =	vst v63  }
0x86: {  	_ =	swait.ge [sflag:s7], $0x4000  }
0x87: {  	[sflag:s7] =	ssyncset.done $0x0  }
0x88: {  	[sflag:s7] =	ssyncadd.s32 $0xFFFFC000  }
0x89: {  	[hbm4b:s8+s2] =	stream.linear.scatter [tilespmem:s6], [sflag:$0x2], $0x4000, $0x38;
	[tilespmem:$0xC4C0] =	vst v63  }
0x8a: {  	_ =	swait.ge [sflag:s3], $0x4000  }
0x8b: {  	[sflag:s3] =	ssyncset.done $0x0  }
0x8c: {  	[sflag:s3] =	ssyncadd.s32 $0xFFFFC000  }
0x8d: {  	[tilespmem:s10], [sflag:$0x2] =	stream.linear.gather [hbm4b:s9+s2], $0x40, $0x38;
	[tilespmem:$0xC4C0] =	vst v63  }
0x8e: {  	_ =	swait.ge [sflag:s3], $0x40  }
0x8f: {  	[sflag:s3] =	ssyncset.done $0x0  }
0x90: {  	[sflag:s3] =	ssyncadd.s32 $0xFFFFFFC0  }
0x91: {  	[tilespmem:s13], [sflag:$0x1] =	stream.indirect.gather [hbm4b:s11+s12], $0x100, s10, s12, $0xb8;
	[tilespmem:$0xC4C0] =	vst v63  }
0x92: {  	_ =	swait.ge [sflag:s7], $0x4000  }
0x93: {  	[sflag:s7] =	ssyncset.done $0x0  }
0x94: {  	[sflag:s7] =	ssyncadd.s32 $0xFFFFC000  }
0x95: {  	[hbm4b:s14+s2] =	stream.linear.scatter [tilespmem:s13], [sflag:$0x2], $0x4000, $0x38;
	[tilespmem:$0xC4C0] =	vst v63  }
0x96: {  	_ =	swait.ge [sflag:s3], $0x4000  }
0x97: {  	[sflag:s3] =	ssyncset.done $0x0  }
0x98: {  	[sflag:s3] =	ssyncadd.s32 $0xFFFFC000  }
0x99: {  	[tilespmem:s2], [sflag:$0x2] =	stream.linear.gather [hbm4b:s15+s2], $0x80, $0x38;
	[tilespmem:$0xC4C0] =	vst v63  }
0x9a: {  	_ =	swait.ge [sflag:s3], $0x80  }
0x9b: {  	[sflag:s3] =	ssyncset.done $0x0  }
0x9c: {  	[sflag:s3] =	ssyncadd.s32 $0xFFFFFF80  }
0x9d: {  	[tilespmem:s13], [sflag:$0x1] =	stream.indirect.gather [hbm4b:s11+s13], $0x100, s2, s13, $0xb8;
	[tilespmem:$0xC4C0] =	vst v63  }
0x9e: {  	_ =	swait.ge [sflag:s7], $0x8000  }
0x9f: {  	[sflag:s7] =	ssyncset.done $0x0  }
0xa0: {  	[sflag:s7] =	ssyncadd.s32 $0xFFFF8000  }
0xa1: {  	[hbm4b:s16+s2] =	stream.linear.scatter [tilespmem:s13], [sflag:$0x2], $0x8000, $0x38;
	[tilespmem:$0xC4C0] =	vst v63  }
0xa2: {  	_ =	swait.ge [sflag:s3], $0x8000  }
0xa3: {  	[sflag:s3] =	ssyncset.done $0x0  }
0xa4: {  	[sflag:s3] =	ssyncadd.s32 $0xFFFF8000  }
0xa5: {  	[tilespmem:s2], [sflag:$0x2] =	stream.linear.gather [hbm4b:s17+s2], $0x80, $0x38;
	[tilespmem:$0xC4C0] =	vst v63  }
0xa6: {  	_ =	swait.ge [sflag:s3], $0x80  }
0xa7: {  	[sflag:s3] =	ssyncset.done $0x0  }
0xa8: {  	[sflag:s3] =	ssyncadd.s32 $0xFFFFFF80  }
0xa9: {  	[tilespmem:s13], [sflag:$0x1] =	stream.indirect.gather [hbm4b:s11+s13], $0x100, s2, s13, $0xb8;
	[tilespmem:$0xC4C0] =	vst v63  }
0xaa: {  	_ =	swait.ge [sflag:s7], $0x8000  }
0xab: {  	[sflag:s7] =	ssyncset.done $0x0  }
0xac: {  	[sflag:s7] =	ssyncadd.s32 $0xFFFF8000  }
0xad: {  	[hbm4b:s18+s2] =	stream.linear.scatter [tilespmem:s13], [sflag:$0x2], $0x8000, $0x38;
	[tilespmem:$0xC4C0] =	vst v63  }
0xae: {  	_ =	swait.ge [sflag:s3], $0x8000  }
0xaf: {  	[sflag:s3] =	ssyncset.done $0x0  }
0xb0: {  	[sflag:s3] =	ssyncadd.s32 $0xFFFF8000  }
0xb1: {  	[tilespmem:s2], [sflag:$0x2] =	stream.linear.gather [hbm4b:s19+s2], $0x80, $0x38;
	[tilespmem:$0xC4C0] =	vst v63  }
0xb2: {  	_ =	swait.ge [sflag:s3], $0x80  }
0xb3: {  	[sflag:s3] =	ssyncset.done $0x0  }
0xb4: {  	[sflag:s3] =	ssyncadd.s32 $0xFFFFFF80  }
0xb5: {  	[tilespmem:s13], [sflag:$0x1] =	stream.indirect.gather [hbm4b:s11+s13], $0x100, s2, s13, $0xb8;
	[tilespmem:$0xC4C0] =	vst v63  }
0xb6: {  	_ =	swait.ge [sflag:s7], $0x8000  }
0xb7: {  	[sflag:s7] =	ssyncset.done $0x0  }
0xb8: {  	[sflag:s7] =	ssyncadd.s32 $0xFFFF8000  }
0xb9: {  	[hbm4b:s20+s2] =	stream.linear.scatter [tilespmem:s13], [sflag:$0x2], $0x8000, $0x38;
	[tilespmem:$0xC4C0] =	vst v63  }
0xba: {  	_ =	swait.ge [sflag:s3], $0x8000  }
0xbb: {  	[sflag:s3] =	ssyncset.done $0x0  }
0xbc: {  	[sflag:s3] =	ssyncadd.s32 $0xFFFF8000  }
0xbd: {  	[tilespmem:s2], [sflag:$0x2] =	stream.linear.gather [hbm4b:s21+s2], $0x80, $0x38;
	[tilespmem:$0xC4C0] =	vst v63  }
0xbe: {  	_ =	swait.ge [sflag:s3], $0x80  }
0xbf: {  	[sflag:s3] =	ssyncset.done $0x0  }
0xc0: {  	[sflag:s3] =	ssyncadd.s32 $0xFFFFFF80  }
0xc1: {  	[tilespmem:s13], [sflag:$0x1] =	stream.indirect.gather [hbm4b:s11+s13], $0x100, s2, s13, $0xb8;
	[tilespmem:$0xC4C0] =	vst v63  }
0xc2: {  	_ =	swait.ge [sflag:s7], $0x8000  }
0xc3: {  	[sflag:s7] =	ssyncset.done $0x0  }
0xc4: {  	[sflag:s7] =	ssyncadd.s32 $0xFFFF8000  }
0xc5: {  	[hbm4b:s22+s2] =	stream.linear.scatter [tilespmem:s13], [sflag:$0x2], $0x8000, $0x38;
	[tilespmem:$0xC4C0] =	vst v63  }
0xc6: {  	_ =	swait.ge [sflag:s3], $0x8000  }
0xc7: {  	[sflag:s3] =	ssyncset.done $0x0  }
0xc8: {  	[sflag:s3] =	ssyncadd.s32 $0xFFFF8000  }
0xc9: {  	[tilespmem:s2], [sflag:$0x2] =	stream.linear.gather [hbm4b:s23+s2], $0x80, $0x38;
	[tilespmem:$0xC4C0] =	vst v63  }
0xca: {  	_ =	swait.ge [sflag:s3], $0x80  }
0xcb: {  	[sflag:s3] =	ssyncset.done $0x0  }
0xcc: {  	[sflag:s3] =	ssyncadd.s32 $0xFFFFFF80  }
0xcd: {  	[tilespmem:s13], [sflag:$0x1] =	stream.indirect.gather [hbm4b:s11+s13], $0x100, s2, s13, $0xb8;
	[tilespmem:$0xC4C0] =	vst v63  }
0xce: {  	_ =	swait.ge [sflag:s7], $0x8000  }
0xcf: {  	[sflag:s7] =	ssyncset.done $0x0  }
0xd0: {  	[sflag:s7] =	ssyncadd.s32 $0xFFFF8000  }
0xd1: {  	[hbm4b:s24+s2] =	stream.linear.scatter [tilespmem:s13], [sflag:$0x2], $0x8000, $0x38;
	[tilespmem:$0xC4C0] =	vst v63  }
0xd2: {  	_ =	swait.ge [sflag:s3], $0x8000  }
0xd3: {  	[sflag:s3] =	ssyncset.done $0x0  }
0xd4: {  	[sflag:s3] =	ssyncadd.s32 $0xFFFF8000  }
0xd5: {  	[tilespmem:s2], [sflag:$0x2] =	stream.linear.gather [hbm4b:s25+s2], $0x80, $0x38;
	[tilespmem:$0xC4C0] =	vst v63  }
0xd6: {  	_ =	swait.ge [sflag:s3], $0x80  }
0xd7: {  	[sflag:s3] =	ssyncset.done $0x0  }
0xd8: {  	[sflag:s3] =	ssyncadd.s32 $0xFFFFFF80  }
0xd9: {  	[tilespmem:s13], [sflag:$0x1] =	stream.indirect.gather [hbm4b:s11+s13], $0x100, s2, s13, $0xb8;
	[tilespmem:$0xC4C0] =	vst v63  }
0xda: {  	_ =	swait.ge [sflag:s7], $0x8000  }
0xdb: {  	[sflag:s7] =	ssyncset.done $0x0  }
0xdc: {  	[sflag:s7] =	ssyncadd.s32 $0xFFFF8000  }
0xdd: {  	[hbm4b:s26+s2] =	stream.linear.scatter [tilespmem:s13], [sflag:$0x2], $0x8000, $0x38;
	[tilespmem:$0xC4C0] =	vst v63  }
0xde: {  	_ =	swait.ge [sflag:s3], $0x8000  }
0xdf: {  	[sflag:s3] =	ssyncset.done $0x0  }
0xe0: {  	[sflag:s3] =	ssyncadd.s32 $0xFFFF8000  }
0xe1: {  	[tilespmem:s2], [sflag:$0x2] =	stream.linear.gather [hbm4b:s28+s2], $0x80, $0x38;
	[tilespmem:$0xC4C0] =	vst v63  }
0xe2: {  	_ =	swait.ge [sflag:s3], $0x80  }
0xe3: {  	[sflag:s3] =	ssyncset.done $0x0  }
0xe4: {  	[sflag:s3] =	ssyncadd.s32 $0xFFFFFF80  }
0xe5: {  	[tilespmem:s13], [sflag:$0x1] =	stream.indirect.gather [hbm4b:s11+s13], $0x100, s2, s13, $0xb8;
	[tilespmem:$0xC4C0] =	vst v63  }
0xe6: {  	_ =	swait.ge [sflag:s7], $0x8000  }
0xe7: {  	[sflag:s7] =	ssyncset.done $0x0  }
0xe8: {  	[sflag:s7] =	ssyncadd.s32 $0xFFFF8000  }
0xe9: {  	[hbm4b:s29+s2] =	stream.linear.scatter [tilespmem:s13], [sflag:$0x2], $0x8000, $0x38;
	[tilespmem:$0xC4C0] =	vst v63  }
0xea: {  	_ =	swait.ge [sflag:s3], $0x8000  }
0xeb: {  	[sflag:s3] =	ssyncset.done $0x0  }
0xec: {  	[sflag:s3] =	ssyncadd.s32 $0xFFFF8000  }
0xed: {  	[tilespmem:s2], [sflag:$0x2] =	stream.linear.gather [hbm4b:s30+s2], $0x80, $0x38;
	[tilespmem:$0xC4C0] =	vst v63  }
0xee: {  	_ =	swait.ge [sflag:s3], $0x80  }
0xef: {  	[sflag:s3] =	ssyncset.done $0x0  }
0xf0: {  	p0 =	sne.s32 s1, $0x1;
	[sflag:s3] =	ssyncadd.s32 $0xFFFFFF80  }
0xf1: {  	[tilespmem:s13], [sflag:$0x1] =	stream.indirect.gather [hbm4b:s11+s13], $0x100, s2, s13, $0xb8;
	[tilespmem:$0xC4C0] =	vst v63  }
.Ltmp1:
0xf2: {  	_ =	swait.ge [sflag:s7], $0x8000;
	(pc) =	sbr.rel @p0 .LBB2_1-.Ltmp1, $4  }
0xf3: {  	[sflag:s7] =	ssyncset.done $0x0  }
0xf4: {  	[sflag:s7] =	ssyncadd.s32 $0xFFFF8000  }
0xf5: {  	[hbm4b:s31+s2] =	stream.linear.scatter [tilespmem:s13], [sflag:$0x2], $0x8000, $0x38;
	[tilespmem:$0xC4C0] =	vst v63  }
0xf6: {  	s1 =	sadd.s32 $0xFFFFFFFF, s1;
	_ =	swait.ge [sflag:s3], $0x8000  }
.LBB2_2:
0xf7: {  	[sflag:s3] =	ssyncset.done $0x0  }
0xf8: {  	[sflag:s3] =	ssyncadd.s32 $0xFFFF8000  }
0xf9: {  	_ =	sfence.sel $0x180000  }
0xfa: {  	[bflag:$0x0] =	sbarrier.arrive $0xFFFF  }
0xfb: {  	_ =	strace $0x90000047  }
0xfc: {  	s0 =	stileid.u32;
	[bflag:$0x2] =	sbarrier.arrive $0xFFFF  }
0xfd: {  	p0 =	sne.s32 s0, $0x0;
	s0 =	rddreg [dreg:$0x1]  }
0xfe: {  	s0 =	sadd.s32 @!p0 $0x100000, s0  }
0xff: {  	[sflag:s0] =	ssyncadd.tile.s32 @!p0 $0x1;
	_ =	shalt  }
.Lfunc_end2:
_tile_overlayer_lowered:
.L_overlay_start_2:
0x100: {  	(tag) =	ssettag $0x2  }
0x101: {  	s0 =	rddreg [dreg:$0x0];
	s2 =	stileid.u32  }
0x102: {  	s1 =	rddreg [dreg:$0x1];
	p0 =	sne.s32 s2, $0x0  }
0x103: {  	s3 =	rddreg [dreg:$0x2];
	[bflag:$0x3] =	sbarrier.arrive $0xFFFF;
	s2 =	simm.s32 @!p0 $0x1C02  }
0x104: {  	[timem:s3], [sflag:s2] =	dma.local @!p0 [hbm:s0], s1  }
0x105: {  	s0 =	simm.s32 @!p0 $0x2  }
0x106: {  	_ =	swait.ge @!p0 [sflag:s0], s1  }
0x107: {  	s1 =	ssub.s32 @!p0 $0x0, s1;
	[sflag:s0] =	ssyncset.done @!p0 $0x0  }
0x108: {  	[sflag:s0] =	ssyncadd.s32 @!p0 s1  }
0x109: {  	[bflag:$0x3] =	sbarrier.arrive $0xFFFF  }
0x10a: {  	_ =	shalt  }

// kernel: kernel.9.cloned.1.call-start
scs
__scs_entry_jumppad:
0x0: {  	(pc) =	sbr.rel $0x88, $3  }
0x1: {  	(tag) =	ssettag $0x0;
	lr =	simm.s32 $0x1  }
0x2: {  	[smem:$0x3F91] =	sst lr;
	_ =	strace $0xD0000000  }
0x3: {  	_ = 	snop  }
0x4: {  	_ = 	snop  }
0x5: {  	_ = 	snop  }
0x6: {  	_ = 	snop  }
0x7: {  	_ = 	snop  }
__scs_overlays_trampoline_lowered:
0x8: {  	[smem:$0x3FA0] =	sst s0  }
0x9: {  	[smem:$0x3FA1] =	sst s1  }
0xa: {  	[smem:$0x3FA2] =	sst s2  }
0xb: {  	[smem:$0x3FA3] =	sst s3  }
0xc: {  	[smem:$0x3FA4] =	sst s4  }
0xd: {  	[smem:$0x3FA5] =	sst s5  }
0xe: {  	[smem:$0x3FA6] =	sst s6  }
0xf: {  	[smem:$0x3FA7] =	sst s7  }
0x10: {  	[smem:$0x3FA8] =	sst s8  }
0x11: {  	[smem:$0x3FA9] =	sst s9;
	s0 =	simm.s32 @!p0 $0x0  }
0x12: {  	s1 =	sld [smem:$0x3F8F];
	s0 =	simm.s32 @p0 $0x1  }
0x13: {  	[smem:$0x3FAA] =	sst s0;
	s0 =	simm.s32 @!p1 $0x0  }
0x14: {  	s2 =	sld [smem:$0x3F8E];
	s0 =	simm.s32 @p1 $0x1  }
0x15: {  	[smem:$0x3FAB] =	sst s0;
	s0 =	simm.s32 @!p2 $0x0  }
0x16: {  	s3 =	sld [smem:$0x3FDB];
	s0 =	simm.s32 @p2 $0x1  }
0x17: {  	s4 =	simm.s32 $0x1BF5;
	[smem:$0x3FAD] =	sst s0  }
0x18: {  	s0 =	sld [smem:$0x3F90];
	_ =	swait.ge [sflag:s4], $0x0  }
0x19: {  	s7 =	sld [smem:$0x3F91]  }
0x1a: {  	s8 =	sadd.s32 $0xFFFFE003, lr  }
0x1b: {  	s9 =	sadd.s32 $0xFFFFFEF7, lr;
	s5 =	simm.s32 $0xFFFFFFFF;
	p2 =	slt.u32 s8, $0xFFFFF086  }
0x1c: {  	p1 =	slt.u32 s9, $0xF7A;
	s5 =	simm.s32 @!p2 $0x0  }
0x1d: {  	s5 =	simm.s32 @p1 $0x1;
	p0 =	seq.s32 s7, s2  }
0x1e: {  	s7 =	smul.u32 @!p0 $0xF7A, s2;
	p2 =	seq.s32 @!p0 s5, $0x0  }
0x1f: {  	s9 =	smul.u32 $0xF7A, s1;
	s8 =	simm.s32 @!p0 $0x1BF5;
	p2 =	por !p2, p0  }
0x20: {  	[sflag:s8] =	ssyncset.s32 @!p0 $0xFFFFF086;
	s6 =	sadd.s32 @!p0 s3, s7;
	s7 =	simm.s32 @!p0 $0x108  }
0x21: {  	s3 =	sadd.s32 s3, s9;
	s6 =	sadd.s32 @!p0 $0x88, s6;
	s7 =	simm.s32 @p2 $0x1082  }
0x22: {  	[simem:s7], [sflag:s8] =	dma.local @!p0 [hbm:s6], $0xF7A  }
0x23: {  	s9 =	sor.u32 $0xD0000000, s2;
	s6 =	simm.s32 $0x108;
	_ =	swait.ge @!p0 [sflag:s8], $0x0  }
0x24: {  	s3 =	sadd.s32 $0x88, s3;
	s6 =	simm.s32 @!p1 $0x1082;
	[sflag:s4] =	ssyncset.s32 $0xFFFFF086  }
0x25: {  	[simem:s6], [sflag:s4] =	dma.local [hbm:s3], $0xF7A  }
0x26: {  	[smem:$0x3F91] =	sst s1;
	(tag) =	ssettag s2;
	_ =	strace s9  }
0x27: {  	s1 =	sld [smem:$0x3FA1]  }
0x28: {  	s2 =	sld [smem:$0x3FA2]  }
0x29: {  	s4 =	sld [smem:$0x3FA4]  }
0x2a: {  	p0 =	seq.s32 s5, $0x0;
	s5 =	sld [smem:$0x3FA5]  }
0x2b: {  	s6 =	sld [smem:$0x3FA6]  }
0x2c: {  	s7 =	sld [smem:$0x3FA7]  }
0x2d: {  	s3 =	simm.s32 $0x108;
	s8 =	sld [smem:$0x3FA8]  }
0x2e: {  	s3 =	simm.s32 @!p0 $0x1082;
	s9 =	sld [smem:$0x3FA9]  }
0x2f: {  	lr =	sadd.s32 s0, s3;
	s0 =	sld [smem:$0x3FA0]  }
0x30: {  	s3 =	sld [smem:$0x3FA3]  }
0x31: {  	[smem:$0x3FAC] =	sst s10  }
0x32: {  	s10 =	sld [smem:$0x3FAA];
	_ =	sdelay $0x3  }
0x33: {  	p0 =	seq.s32 s10, $0x1;
	s10 =	sld [smem:$0x3FAC];
	_ =	sdelay $0x3  }
0x34: {  	[smem:$0x3FAC] =	sst s10  }
0x35: {  	s10 =	sld [smem:$0x3FAB];
	_ =	sdelay $0x3  }
0x36: {  	p1 =	seq.s32 s10, $0x1;
	s10 =	sld [smem:$0x3FAC];
	_ =	sdelay $0x3  }
0x37: {  	[smem:$0x3FAC] =	sst s10  }
0x38: {  	s10 =	sld [smem:$0x3FAD]  }
0x39: {  	_ = 	snop;
	(pc) =	sbr.ind lr, $3  }
0x3a: {  	_ = 	snop  }
0x3b: {  	_ = 	snop  }
0x3c: {  	p2 =	seq.s32 s10, $0x1;
	s10 =	sld [smem:$0x3FAC]  }
0x3d: {  	_ =	shalt  }
0x3e: {  	_ =	shalt  }
0x3f: {  	_ =	shalt  }
0x40: {  	_ =	shalt  }
0x41: {  	_ =	shalt  }
0x42: {  	_ =	shalt  }
0x43: {  	_ =	shalt  }
0x44: {  	_ =	shalt  }
0x45: {  	_ =	shalt  }
0x46: {  	_ =	shalt  }
0x47: {  	_ =	shalt  }
0x48: {  	_ =	shalt  }
0x49: {  	_ =	shalt  }
0x4a: {  	_ =	shalt  }
0x4b: {  	_ =	shalt  }
0x4c: {  	_ =	shalt  }
0x4d: {  	_ =	shalt  }
0x4e: {  	_ =	shalt  }
0x4f: {  	_ =	shalt  }
0x50: {  	_ =	shalt  }
0x51: {  	_ =	shalt  }
0x52: {  	_ =	shalt  }
0x53: {  	_ =	shalt  }
0x54: {  	_ =	shalt  }
0x55: {  	_ =	shalt  }
0x56: {  	_ =	shalt  }
0x57: {  	_ =	shalt  }
0x58: {  	_ =	shalt  }
0x59: {  	_ =	shalt  }
0x5a: {  	_ =	shalt  }
0x5b: {  	_ =	shalt  }
0x5c: {  	_ =	shalt  }
0x5d: {  	_ =	shalt  }
0x5e: {  	_ =	shalt  }
0x5f: {  	_ =	shalt  }
0x60: {  	_ =	shalt  }
0x61: {  	_ =	shalt  }
0x62: {  	_ =	shalt  }
0x63: {  	_ =	shalt  }
0x64: {  	_ =	shalt  }
0x65: {  	_ =	shalt  }
0x66: {  	_ =	shalt  }
0x67: {  	_ =	shalt  }
0x68: {  	_ =	shalt  }
0x69: {  	_ =	shalt  }
0x6a: {  	_ =	shalt  }
0x6b: {  	_ =	shalt  }
0x6c: {  	_ =	shalt  }
0x6d: {  	_ =	shalt  }
0x6e: {  	_ =	shalt  }
0x6f: {  	_ =	shalt  }
0x70: {  	_ =	shalt  }
0x71: {  	_ =	shalt  }
0x72: {  	_ =	shalt  }
0x73: {  	_ =	shalt  }
0x74: {  	_ =	shalt  }
0x75: {  	_ =	shalt  }
0x76: {  	_ =	shalt  }
0x77: {  	_ =	shalt  }
0x78: {  	_ =	shalt  }
0x79: {  	_ =	shalt  }
0x7a: {  	_ =	shalt  }
0x7b: {  	_ =	shalt  }
0x7c: {  	_ =	shalt  }
0x7d: {  	_ =	shalt  }
0x7e: {  	_ =	shalt  }
0x7f: {  	_ =	shalt  }
0x80: {  	_ =	shalt  }
0x81: {  	_ =	shalt  }
0x82: {  	_ =	shalt  }
0x83: {  	_ =	shalt  }
0x84: {  	_ =	shalt  }
0x85: {  	_ =	shalt  }
0x86: {  	_ =	shalt  }
0x87: {  	_ =	shalt  }
.Lfunc_end0:
.L_simem_size_0:
called_computation.1_lowered:
.L_overlay_start_0:
0x88: {  	s2 =	sld [smem:$0x3FD9]  }
0x89: {  	s3 =	sld [smem:$0x3FFE];
	_ =	sdelay $0x1  }
0x8a: {  	s1 =	srdreg.scid  }
0x8b: {  	s0 =	sand.u32 $0x1, s1  }
0x8c: {  	s17 =	sshll.u32 s0, $0xA;
	s2 =	sadd.s32 s3, s2  }
0x8d: {  	s2 =	sadd.s32 s2, s17  }
0x8e: {  	[smem:$0x3FB8] =	sst s2  }
0x8f: {  	_ = 	snop  }
0x90: {  	s18 =	sld [smem:$0x3FD0];
	(tm) =	ssettm $0x1  }
0x91: {  	s19 =	sld [smem:$0x3FFB];
	_ =	sdelay $0x3  }
0x92: {  	_ =	strace s19  }
0x93: {  	s2 =	sld [smem:$0x3FFC];
	_ =	sdelay $0x3  }
0x94: {  	_ =	strace s2  }
0x95: {  	s2 =	sld [smem:$0x3FFD];
	_ =	sdelay $0x3  }
0x96: {  	_ =	strace s2  }
0x97: {  	_ =	strace $0x8FFFFFFF  }
0x98: {  	s20 =	sld [smem:$0x3FDB];
	_ =	sdelay $0x1  }
0x99: {  	s4 =	simm.s32 $_scs_section_size  }
0x9a: {  	s5 =	simm.s32 $_size__tile_overlayer_lowered;
	s6 =	simm.s32 $_tile_overlayer_lowered  }
0x9b: {  	s7 =	simm.s32 $0x1BFF;
	s21 =	sshll.u32 s6, $0x1;
	s4 =	sadd.s32 s4, s20  }
0x9c: {  	s22 =	simm.s32 $0x0;
	s5 =	sshll.u32 s5, $0x1;
	s6 =	sadd.s32 s21, s4  }
0x9d: {  	[timem:s22], [sflag:s7] =	dma.local [hbm:s6], s5  }
0x9e: {  	_ =	swait.ge [sflag:s7], s5  }
0x9f: {  	s5 =	ssub.s32 $0x0, s5;
	[sflag:s7] =	ssyncset.done $0x0  }
0xa0: {  	[sflag:s7] =	ssyncadd.s32 s5;
	_ =	sdelay $0x1  }
0xa1: {  	s23 =	simm.s32 $0x1B8B  }
0xa2: {  	_ =	swait.ge [sflag:s23], $0x1  }
0xa3: {  	[sflag:s23] =	ssyncset.done $0x0  }
0xa4: {  	[sflag:s23] =	ssyncadd.s32 $0xFFFFFFFF  }
0xa5: {  	s5 =	sld [smem:$0x0]  }
0xa6: {  	s6 =	sand.u32 $0xFFFFFFFE, s1  }
0xa7: {  	p0 =	sne.s32 s1, s6  }
0xa8: {  	s6 =	sshll.u32 @p0 s6, $0xE  }
0xa9: {  	s6 =	sadd.s32 @p0 $0x11B8D, s6;
	s7 =	sshll.u32 @p0 s5, $0x11  }
0xaa: {  	s6 =	sor.u32 @p0 s7, s6  }
0xab: {  	[sflag:s6] =	ssyncadd.remote.s32 @p0 $0x1;
	_ =	sdelay $0x1  }
0xac: {  	s6 =	simm.s32 @p0 $0x1B8D  }
0xad: {  	_ =	swait.eq @p0 [sflag:s6], $0x1  }
0xae: {  	[sflag:s6] =	ssyncadd.s32 @p0 $0xFFFFFFFF  }
0xaf: {  	s7 =	sshll.u32 @!p0 s1, $0xE  }
0xb0: {  	s7 =	sor.u32 @!p0 $0x4000, s7;
	s6 =	simm.s32 @!p0 $0x1B8D  }
0xb1: {  	s5 =	sshll.u32 @!p0 s5, $0x11;
	s7 =	sadd.s32 @!p0 $0x11B8D, s7;
	_ =	swait.eq @!p0 [sflag:s6], $0x1  }
0xb2: {  	s5 =	sor.u32 @!p0 s5, s7;
	[sflag:s6] =	ssyncadd.s32 @!p0 $0xFFFFFFFF  }
0xb3: {  	s25 =	simm.s32 $0x1B8E;
	s24 =	sld [smem:$0x3FFE];
	[sflag:s5] =	ssyncadd.remote.s32 @!p0 $0x1  }
0xb4: {  	s26 =	simm.s32 $execute0_lowered;
	[smem:$0x3FD2] =	sst s25  }
0xb5: {  	s6 =	sshll.u32 s26, $0x1;
	_ =	strace $0x80000049;
	[dreg:$0x1] =	wrdreg $0xFFFFFFFF  }
0xb6: {  	s28 =	simm.s32 $_size_execute0_lowered;
	s4 =	sadd.s32 s4, s6;
	[dreg:$0x0] =	wrdreg $0x0  }
0xb7: {  	s6 =	sshll.u32 s28, $0x1;
	[dreg:$0x2] =	wrdreg s4  }
0xb8: {  	[dreg:$0x3] =	wrdreg s6  }
0xb9: {  	[dreg:$0x4] =	wrdreg $0xC0  }
0xba: {  	_ =	task [dreg:s22], $0x5FFFF  }
0xbb: {  	[dreg:$0x1] =	wrdreg $0xFFFFFFFF  }
0xbc: {  	[dreg:$0x0] =	wrdreg $0x60  }
0xbd: {  	[dreg:$0x2] =	wrdreg s24  }
0xbe: {  	[dreg:$0x3] =	wrdreg s18  }
0xbf: {  	[dreg:$0x4] =	wrdreg $0xA  }
0xc0: {  	_ =	task.clear_ibuf [dreg:s22], $0x5FFFF;
	_ =	strace $0x90000049  }
0xc1: {  	s29 =	simm.s32 $0xA;
	_ =	strace $0x8000004B  }
0xc2: {  	_ =	swait.ge [sflag:s29], $0x1  }
0xc3: {  	[sflag:s29] =	ssyncadd.s32 $0xFFFFFFFF  }
0xc4: {  	_ =	strace $0x9000004B  }
0xc5: {  	_ =	sfence  }
0xc6: {  	s30 =	sld [smem:$0x0];
	_ =	sdelay $0x2  }
0xc7: {  	s31 =	sshll.u32 s1, $0xD;
	s1 =	sshrl.u32 s1, $0x2  }
0xc8: {  	s4 =	sand.u32 $0x4000, s31;
	s1 =	sadd.s32 s1, s30  }
0xc9: {  	s0 =	sor.u32 s4, s0;
	s1 =	sshll.u32 s1, $0x11  }
0xca: {  	s0 =	sor.u32 s1, s0  }
0xcb: {  	s0 =	sadd.s32 $0x8F2B, s0  }
0xcc: {  	[sflag:s0] =	ssyncadd.remote.s32 $0x1  }
0xcd: {  	_ =	sfence.sel $0xFFFF  }
0xce: {  	[dreg:$0x0] =	wrdreg $0xFFFFFFFF;
	(pc) =	sbr.abs _section_cstart, $3  }
0xcf: {  	[dreg:$0x1] =	wrdreg $0xFFFFFFFF  }
0xd0: {  	_ =	task.clear_ibuf [dreg:s22], $0x2FFFF;
	_ =	strace $0x9FFFFFFF  }
0xd1: {  	(tm) =	ssettm $0x7FFFFFFF  }
tec
execute0_lowered:
.L_overlay_start_1:
0x0: {  	(tag) =	ssettag $0x1  }
0x1: {  	s1 =	srdreg.scid;
	s2 =	stileid.u32  }
0x2: {  	s31 =	sand.u32 $0x1, s1;
	s2 =	sshll.u32 s2, $0x1  }
0x3: {  	s0 =	rddreg [dreg:$0x0];
	s16 =	sor.u32 s31, s2  }
0x4: {  	s14 =	rddreg [dreg:$0x1];
	s2 =	simm.s32 $0x0;
	s15 =	sshll.u32 s16, $0x7  }
0x5: {  	s23 =	sadd.s32 $0x27DC00, s0;
	[smem:$0x7FF] =	sst s2;
	s3 =	sadd.s32 s15, s0  }
0x6: {  	_ =	strace $0x8000004A;
	[dreg:$0x3] =	wrdreg s23;
	s3 =	sadd.s32 $0x17D200, s3  }
0x7: {  	[dreg:$0x4] =	wrdreg s3  }
0x8: {  	s4 =	simm.s32 $0x80C0;
	s3 =	simm.s32 $0x2;
	s5 =	rddreg [dreg:$0x4]  }
0x9: {  	[tilespmem:s4], [sflag:$0x2] =	stream.linear.gather [hbm4b:s5+s2], $0x400, $0x38;
	[tilespmem:$0xC4C0] =	vst v63  }
0xa: {  	_ =	swait.ge [sflag:s3], $0x400  }
0xb: {  	s6 =	simm.s32 $0x84C0;
	s7 =	simm.s32 $0x1;
	[sflag:s3] =	ssyncset.done $0x0  }
0xc: {  	s5 =	simm.s32 $0x400;
	s8 =	rddreg [dreg:$0x3];
	[sflag:s3] =	ssyncadd.s32 $0xFFFFFC00  }
0xd: {  	[tilespmem:s6], [sflag:$0x1] =	stream.indirect.gather [hbm4b:s8+s5], $0x10, s4, s5, $0xb8;
	[tilespmem:$0xC4C0] =	vst v63  }
0xe: {  	s17 =	sshll.u32 s16, $0xB;
	_ =	swait.ge [sflag:s7], $0x4000  }
0xf: {  	s24 =	sadd.s32 s17, s0;
	[sflag:s7] =	ssyncset.done $0x0  }
0x10: {  	s8 =	sadd.s32 $0x17E200, s24;
	[sflag:s7] =	ssyncadd.s32 $0xFFFFC000  }
0x11: {  	[hbm4b:s8+s2] =	stream.linear.scatter [tilespmem:s6], [sflag:$0x2], $0x4000, $0x38;
	[tilespmem:$0xC4C0] =	vst v63  }
0x12: {  	s9 =	sshll.u32 s16, $0x3;
	_ =	swait.ge [sflag:s3], $0x4000  }
0x13: {  	s9 =	sadd.s32 s9, s0;
	[sflag:s3] =	ssyncset.done $0x0  }
0x14: {  	s10 =	simm.s32 $0x8080;
	s9 =	sadd.s32 $0x5B000, s9;
	[sflag:s3] =	ssyncadd.s32 $0xFFFFC000  }
0x15: {  	[tilespmem:s10], [sflag:$0x2] =	stream.linear.gather [hbm4b:s9+s2], $0x40, $0x38;
	[tilespmem:$0xC4C0] =	vst v63  }
0x16: {  	_ =	swait.ge [sflag:s3], $0x40  }
0x17: {  	s12 =	simm.s32 $0x40;
	[sflag:s3] =	ssyncset.done $0x0  }
0x18: {  	s13 =	simm.s32 $0x80;
	s11 =	sadd.s32 $0xCC00, s0;
	[sflag:s3] =	ssyncadd.s32 $0xFFFFFFC0  }
0x19: {  	[tilespmem:s13], [sflag:$0x1] =	stream.indirect.gather [hbm4b:s11+s12], $0x100, s10, s12, $0xb8;
	[tilespmem:$0xC4C0] =	vst v63  }
0x1a: {  	_ =	swait.ge [sflag:s7], $0x4000  }
0x1b: {  	[sflag:s7] =	ssyncset.done $0x0  }
0x1c: {  	s14 =	sadd.s32 s14, s17;
	[sflag:s7] =	ssyncadd.s32 $0xFFFFC000  }
0x1d: {  	[hbm4b:s14+s2] =	stream.linear.scatter [tilespmem:s13], [sflag:$0x2], $0x4000, $0x38;
	[tilespmem:$0xC4C0] =	vst v63  }
0x1e: {  	_ =	swait.ge [sflag:s3], $0x4000  }
0x1f: {  	s30 =	sadd.s32 $0x17C200, s0;
	[sflag:s3] =	ssyncset.done $0x0  }
0x20: {  	s15 =	sadd.s32 s30, s15;
	[sflag:s3] =	ssyncadd.s32 $0xFFFFC000  }
0x21: {  	[tilespmem:s2], [sflag:$0x2] =	stream.linear.gather [hbm4b:s15+s2], $0x80, $0x38;
	[tilespmem:$0xC4C0] =	vst v63  }
0x22: {  	_ =	swait.ge [sflag:s3], $0x80  }
0x23: {  	[sflag:s3] =	ssyncset.done $0x0  }
0x24: {  	[sflag:s3] =	ssyncadd.s32 $0xFFFFFF80  }
0x25: {  	[tilespmem:s13], [sflag:$0x1] =	stream.indirect.gather [hbm4b:s11+s13], $0x100, s2, s13, $0xb8;
	[tilespmem:$0xC4C0] =	vst v63  }
0x26: {  	_ =	swait.ge [sflag:s7], $0x8000  }
0x27: {  	s1 =	sadd.s32 $0x2CBE00, s0;
	s25 =	sshll.u32 s16, $0xF;
	[sflag:s7] =	ssyncset.done $0x0  }
0x28: {  	s0 =	sshll.u32 s16, $0xA;
	s16 =	sadd.s32 s1, s25;
	[sflag:s7] =	ssyncadd.s32 $0xFFFF8000  }
0x29: {  	[hbm4b:s16+s2] =	stream.linear.scatter [tilespmem:s13], [sflag:$0x2], $0x8000, $0x38;
	[tilespmem:$0xC4C0] =	vst v63  }
0x2a: {  	s18 =	sor.u32 $0x80, s0;
	_ =	swait.ge [sflag:s3], $0x8000  }
0x2b: {  	s26 =	sshrl.u32 s18, $0x3;
	[sflag:s3] =	ssyncset.done $0x0  }
0x2c: {  	s17 =	sadd.s32 s30, s26;
	[sflag:s3] =	ssyncadd.s32 $0xFFFF8000  }
0x2d: {  	[tilespmem:s2], [sflag:$0x2] =	stream.linear.gather [hbm4b:s17+s2], $0x80, $0x38;
	[tilespmem:$0xC4C0] =	vst v63  }
0x2e: {  	_ =	swait.ge [sflag:s3], $0x80  }
0x2f: {  	[sflag:s3] =	ssyncset.done $0x0  }
0x30: {  	[sflag:s3] =	ssyncadd.s32 $0xFFFFFF80  }
0x31: {  	[tilespmem:s13], [sflag:$0x1] =	stream.indirect.gather [hbm4b:s11+s13], $0x100, s2, s13, $0xb8;
	[tilespmem:$0xC4C0] =	vst v63  }
0x32: {  	_ =	swait.ge [sflag:s7], $0x8000  }
0x33: {  	s18 =	sshll.u32 s18, $0x5;
	[sflag:s7] =	ssyncset.done $0x0  }
0x34: {  	s18 =	sadd.s32 s1, s18;
	[sflag:s7] =	ssyncadd.s32 $0xFFFF8000  }
0x35: {  	[hbm4b:s18+s2] =	stream.linear.scatter [tilespmem:s13], [sflag:$0x2], $0x8000, $0x38;
	[tilespmem:$0xC4C0] =	vst v63  }
0x36: {  	s20 =	sor.u32 $0x100, s0;
	_ =	swait.ge [sflag:s3], $0x8000  }
0x37: {  	s19 =	sshrl.u32 s20, $0x3;
	[sflag:s3] =	ssyncset.done $0x0  }
0x38: {  	s19 =	sadd.s32 s30, s19;
	[sflag:s3] =	ssyncadd.s32 $0xFFFF8000  }
0x39: {  	[tilespmem:s2], [sflag:$0x2] =	stream.linear.gather [hbm4b:s19+s2], $0x80, $0x38;
	[tilespmem:$0xC4C0] =	vst v63  }
0x3a: {  	_ =	swait.ge [sflag:s3], $0x80  }
0x3b: {  	[sflag:s3] =	ssyncset.done $0x0  }
0x3c: {  	[sflag:s3] =	ssyncadd.s32 $0xFFFFFF80  }
0x3d: {  	[tilespmem:s13], [sflag:$0x1] =	stream.indirect.gather [hbm4b:s11+s13], $0x100, s2, s13, $0xb8;
	[tilespmem:$0xC4C0] =	vst v63  }
0x3e: {  	_ =	swait.ge [sflag:s7], $0x8000  }
0x3f: {  	s20 =	sshll.u32 s20, $0x5;
	[sflag:s7] =	ssyncset.done $0x0  }
0x40: {  	s20 =	sadd.s32 s1, s20;
	[sflag:s7] =	ssyncadd.s32 $0xFFFF8000  }
0x41: {  	[hbm4b:s20+s2] =	stream.linear.scatter [tilespmem:s13], [sflag:$0x2], $0x8000, $0x38;
	[tilespmem:$0xC4C0] =	vst v63  }
0x42: {  	s22 =	sor.u32 $0x180, s0;
	_ =	swait.ge [sflag:s3], $0x8000  }
0x43: {  	s21 =	sshrl.u32 s22, $0x3;
	[sflag:s3] =	ssyncset.done $0x0  }
0x44: {  	s21 =	sadd.s32 s30, s21;
	[sflag:s3] =	ssyncadd.s32 $0xFFFF8000  }
0x45: {  	[tilespmem:s2], [sflag:$0x2] =	stream.linear.gather [hbm4b:s21+s2], $0x80, $0x38;
	[tilespmem:$0xC4C0] =	vst v63  }
0x46: {  	_ =	swait.ge [sflag:s3], $0x80  }
0x47: {  	[sflag:s3] =	ssyncset.done $0x0  }
0x48: {  	[sflag:s3] =	ssyncadd.s32 $0xFFFFFF80  }
0x49: {  	[tilespmem:s13], [sflag:$0x1] =	stream.indirect.gather [hbm4b:s11+s13], $0x100, s2, s13, $0xb8;
	[tilespmem:$0xC4C0] =	vst v63  }
0x4a: {  	_ =	swait.ge [sflag:s7], $0x8000  }
0x4b: {  	s22 =	sshll.u32 s22, $0x5;
	[sflag:s7] =	ssyncset.done $0x0  }
0x4c: {  	s22 =	sadd.s32 s1, s22;
	[sflag:s7] =	ssyncadd.s32 $0xFFFF8000  }
0x4d: {  	[hbm4b:s22+s2] =	stream.linear.scatter [tilespmem:s13], [sflag:$0x2], $0x8000, $0x38;
	[tilespmem:$0xC4C0] =	vst v63  }
0x4e: {  	s24 =	sor.u32 $0x200, s0;
	_ =	swait.ge [sflag:s3], $0x8000  }
0x4f: {  	s23 =	sshrl.u32 s24, $0x3;
	[sflag:s3] =	ssyncset.done $0x0  }
0x50: {  	s23 =	sadd.s32 s30, s23;
	[sflag:s3] =	ssyncadd.s32 $0xFFFF8000  }
0x51: {  	[tilespmem:s2], [sflag:$0x2] =	stream.linear.gather [hbm4b:s23+s2], $0x80, $0x38;
	[tilespmem:$0xC4C0] =	vst v63  }
0x52: {  	_ =	swait.ge [sflag:s3], $0x80  }
0x53: {  	[sflag:s3] =	ssyncset.done $0x0  }
0x54: {  	[sflag:s3] =	ssyncadd.s32 $0xFFFFFF80  }
0x55: {  	[tilespmem:s13], [sflag:$0x1] =	stream.indirect.gather [hbm4b:s11+s13], $0x100, s2, s13, $0xb8;
	[tilespmem:$0xC4C0] =	vst v63  }
0x56: {  	_ =	swait.ge [sflag:s7], $0x8000  }
0x57: {  	s24 =	sshll.u32 s24, $0x5;
	[sflag:s7] =	ssyncset.done $0x0  }
0x58: {  	s24 =	sadd.s32 s1, s24;
	[sflag:s7] =	ssyncadd.s32 $0xFFFF8000  }
0x59: {  	[hbm4b:s24+s2] =	stream.linear.scatter [tilespmem:s13], [sflag:$0x2], $0x8000, $0x38;
	[tilespmem:$0xC4C0] =	vst v63  }
0x5a: {  	s26 =	sor.u32 $0x280, s0;
	_ =	swait.ge [sflag:s3], $0x8000  }
0x5b: {  	s25 =	sshrl.u32 s26, $0x3;
	[sflag:s3] =	ssyncset.done $0x0  }
0x5c: {  	s25 =	sadd.s32 s30, s25;
	[sflag:s3] =	ssyncadd.s32 $0xFFFF8000  }
0x5d: {  	[tilespmem:s2], [sflag:$0x2] =	stream.linear.gather [hbm4b:s25+s2], $0x80, $0x38;
	[tilespmem:$0xC4C0] =	vst v63  }
0x5e: {  	_ =	swait.ge [sflag:s3], $0x80  }
0x5f: {  	[sflag:s3] =	ssyncset.done $0x0  }
0x60: {  	[sflag:s3] =	ssyncadd.s32 $0xFFFFFF80  }
0x61: {  	[tilespmem:s13], [sflag:$0x1] =	stream.indirect.gather [hbm4b:s11+s13], $0x100, s2, s13, $0xb8;
	[tilespmem:$0xC4C0] =	vst v63  }
0x62: {  	_ =	swait.ge [sflag:s7], $0x8000  }
0x63: {  	s26 =	sshll.u32 s26, $0x5;
	[sflag:s7] =	ssyncset.done $0x0  }
0x64: {  	s26 =	sadd.s32 s1, s26;
	[dreg:$0x5] =	wrdreg s1;
	[sflag:s7] =	ssyncadd.s32 $0xFFFF8000  }
0x65: {  	[hbm4b:s26+s2] =	stream.linear.scatter [tilespmem:s13], [sflag:$0x2], $0x8000, $0x38;
	[tilespmem:$0xC4C0] =	vst v63  }
0x66: {  	s29 =	sor.u32 $0x300, s0;
	_ =	swait.ge [sflag:s3], $0x8000  }
0x67: {  	s28 =	sshrl.u32 s29, $0x3;
	[sflag:s3] =	ssyncset.done $0x0  }
0x68: {  	s28 =	sadd.s32 s30, s28;
	[sflag:s3] =	ssyncadd.s32 $0xFFFF8000  }
0x69: {  	[tilespmem:s2], [sflag:$0x2] =	stream.linear.gather [hbm4b:s28+s2], $0x80, $0x38;
	[tilespmem:$0xC4C0] =	vst v63  }
0x6a: {  	_ =	swait.ge [sflag:s3], $0x80  }
0x6b: {  	[sflag:s3] =	ssyncset.done $0x0  }
0x6c: {  	[sflag:s3] =	ssyncadd.s32 $0xFFFFFF80  }
0x6d: {  	[tilespmem:s13], [sflag:$0x1] =	stream.indirect.gather [hbm4b:s11+s13], $0x100, s2, s13, $0xb8;
	[tilespmem:$0xC4C0] =	vst v63  }
0x6e: {  	_ =	swait.ge [sflag:s7], $0x8000  }
0x6f: {  	s29 =	sshll.u32 s29, $0x5;
	[sflag:s7] =	ssyncset.done $0x0  }
0x70: {  	s29 =	sadd.s32 s1, s29;
	s0 =	sor.u32 $0x380, s0;
	[sflag:s7] =	ssyncadd.s32 $0xFFFF8000  }
0x71: {  	[hbm4b:s29+s2] =	stream.linear.scatter [tilespmem:s13], [sflag:$0x2], $0x8000, $0x38;
	[tilespmem:$0xC4C0] =	vst v63  }
0x72: {  	s1 =	sshrl.u32 s0, $0x3;
	_ =	swait.ge [sflag:s3], $0x8000  }
0x73: {  	s30 =	sadd.s32 s30, s1;
	s1 =	ssub.s32 $0x2, s31;
	[sflag:s3] =	ssyncset.done $0x0  }
0x74: {  	s31 =	sshrl.u32 s1, $0x1;
	[sflag:s3] =	ssyncadd.s32 $0xFFFF8000  }
0x75: {  	[tilespmem:s2], [sflag:$0x2] =	stream.linear.gather [hbm4b:s30+s2], $0x80, $0x38;
	[tilespmem:$0xC4C0] =	vst v63  }
0x76: {  	s1 =	ssub.s32 s1, s31;
	_ =	swait.ge [sflag:s3], $0x80  }
0x77: {  	s1 =	smax.u32 s1, $0x1;
	[sflag:s3] =	ssyncset.done $0x0  }
0x78: {  	p0 =	sne.s32 s1, $0x1;
	[sflag:s3] =	ssyncadd.s32 $0xFFFFFF80  }
0x79: {  	[tilespmem:s13], [sflag:$0x1] =	stream.indirect.gather [hbm4b:s11+s13], $0x100, s2, s13, $0xb8;
	[tilespmem:$0xC4C0] =	vst v63  }
.Ltmp0:
0x7a: {  	_ =	swait.ge [sflag:s7], $0x8000;
	(pc) =	sbr.rel @!p0 .LBB2_2-.Ltmp0, $4  }
0x7b: {  	s0 =	sshll.u32 s0, $0x5;
	[sflag:s7] =	ssyncset.done $0x0;
	s31 =	rddreg [dreg:$0x5]  }
0x7c: {  	s31 =	sadd.s32 s31, s0;
	[sflag:s7] =	ssyncadd.s32 $0xFFFF8000  }
0x7d: {  	[hbm4b:s31+s2] =	stream.linear.scatter [tilespmem:s13], [sflag:$0x2], $0x8000, $0x38;
	[tilespmem:$0xC4C0] =	vst v63  }
0x7e: {  	s1 =	sadd.s32 $0xFFFFFFFF, s1;
	_ =	swait.ge [sflag:s3], $0x8000  }
.LBB2_1:
0x7f: {  	[sflag:s3] =	ssyncset.done $0x0  }
0x80: {  	s0 =	rddreg [dreg:$0x4];
	[sflag:s3] =	ssyncadd.s32 $0xFFFF8000  }
0x81: {  	[tilespmem:s4], [sflag:$0x2] =	stream.linear.gather [hbm4b:s0+s2], $0x400, $0x38;
	[tilespmem:$0xC4C0] =	vst v63  }
0x82: {  	_ =	swait.ge [sflag:s3], $0x400  }
0x83: {  	[sflag:s3] =	ssyncset.done $0x0  }
0x84: {  	s0 =	rddreg [dreg:$0x3];
	[sflag:s3] =	ssyncadd.s32 $0xFFFFFC00  }
0x85: {  	[tilespmem:s6], [sflag:$0x1] =	stream.indirect.gather [hbm4b:s0+s5], $0x10, s4, s5, $0xb8;
	[tilespmem:$0xC4C0] =	vst v63  }
0x86: {  	_ =	swait.ge [sflag:s7], $0x4000  }
0x87: {  	[sflag:s7] =	ssyncset.done $0x0  }
0x88: {  	[sflag:s7] =	ssyncadd.s32 $0xFFFFC000  }
0x89: {  	[hbm4b:s8+s2] =	stream.linear.scatter [tilespmem:s6], [sflag:$0x2], $0x4000, $0x38;
	[tilespmem:$0xC4C0] =	vst v63  }
0x8a: {  	_ =	swait.ge [sflag:s3], $0x4000  }
0x8b: {  	[sflag:s3] =	ssyncset.done $0x0  }
0x8c: {  	[sflag:s3] =	ssyncadd.s32 $0xFFFFC000  }
0x8d: {  	[tilespmem:s10], [sflag:$0x2] =	stream.linear.gather [hbm4b:s9+s2], $0x40, $0x38;
	[tilespmem:$0xC4C0] =	vst v63  }
0x8e: {  	_ =	swait.ge [sflag:s3], $0x40  }
0x8f: {  	[sflag:s3] =	ssyncset.done $0x0  }
0x90: {  	[sflag:s3] =	ssyncadd.s32 $0xFFFFFFC0  }
0x91: {  	[tilespmem:s13], [sflag:$0x1] =	stream.indirect.gather [hbm4b:s11+s12], $0x100, s10, s12, $0xb8;
	[tilespmem:$0xC4C0] =	vst v63  }
0x92: {  	_ =	swait.ge [sflag:s7], $0x4000  }
0x93: {  	[sflag:s7] =	ssyncset.done $0x0  }
0x94: {  	[sflag:s7] =	ssyncadd.s32 $0xFFFFC000  }
0x95: {  	[hbm4b:s14+s2] =	stream.linear.scatter [tilespmem:s13], [sflag:$0x2], $0x4000, $0x38;
	[tilespmem:$0xC4C0] =	vst v63  }
0x96: {  	_ =	swait.ge [sflag:s3], $0x4000  }
0x97: {  	[sflag:s3] =	ssyncset.done $0x0  }
0x98: {  	[sflag:s3] =	ssyncadd.s32 $0xFFFFC000  }
0x99: {  	[tilespmem:s2], [sflag:$0x2] =	stream.linear.gather [hbm4b:s15+s2], $0x80, $0x38;
	[tilespmem:$0xC4C0] =	vst v63  }
0x9a: {  	_ =	swait.ge [sflag:s3], $0x80  }
0x9b: {  	[sflag:s3] =	ssyncset.done $0x0  }
0x9c: {  	[sflag:s3] =	ssyncadd.s32 $0xFFFFFF80  }
0x9d: {  	[tilespmem:s13], [sflag:$0x1] =	stream.indirect.gather [hbm4b:s11+s13], $0x100, s2, s13, $0xb8;
	[tilespmem:$0xC4C0] =	vst v63  }
0x9e: {  	_ =	swait.ge [sflag:s7], $0x8000  }
0x9f: {  	[sflag:s7] =	ssyncset.done $0x0  }
0xa0: {  	[sflag:s7] =	ssyncadd.s32 $0xFFFF8000  }
0xa1: {  	[hbm4b:s16+s2] =	stream.linear.scatter [tilespmem:s13], [sflag:$0x2], $0x8000, $0x38;
	[tilespmem:$0xC4C0] =	vst v63  }
0xa2: {  	_ =	swait.ge [sflag:s3], $0x8000  }
0xa3: {  	[sflag:s3] =	ssyncset.done $0x0  }
0xa4: {  	[sflag:s3] =	ssyncadd.s32 $0xFFFF8000  }
0xa5: {  	[tilespmem:s2], [sflag:$0x2] =	stream.linear.gather [hbm4b:s17+s2], $0x80, $0x38;
	[tilespmem:$0xC4C0] =	vst v63  }
0xa6: {  	_ =	swait.ge [sflag:s3], $0x80  }
0xa7: {  	[sflag:s3] =	ssyncset.done $0x0  }
0xa8: {  	[sflag:s3] =	ssyncadd.s32 $0xFFFFFF80  }
0xa9: {  	[tilespmem:s13], [sflag:$0x1] =	stream.indirect.gather [hbm4b:s11+s13], $0x100, s2, s13, $0xb8;
	[tilespmem:$0xC4C0] =	vst v63  }
0xaa: {  	_ =	swait.ge [sflag:s7], $0x8000  }
0xab: {  	[sflag:s7] =	ssyncset.done $0x0  }
0xac: {  	[sflag:s7] =	ssyncadd.s32 $0xFFFF8000  }
0xad: {  	[hbm4b:s18+s2] =	stream.linear.scatter [tilespmem:s13], [sflag:$0x2], $0x8000, $0x38;
	[tilespmem:$0xC4C0] =	vst v63  }
0xae: {  	_ =	swait.ge [sflag:s3], $0x8000  }
0xaf: {  	[sflag:s3] =	ssyncset.done $0x0  }
0xb0: {  	[sflag:s3] =	ssyncadd.s32 $0xFFFF8000  }
0xb1: {  	[tilespmem:s2], [sflag:$0x2] =	stream.linear.gather [hbm4b:s19+s2], $0x80, $0x38;
	[tilespmem:$0xC4C0] =	vst v63  }
0xb2: {  	_ =	swait.ge [sflag:s3], $0x80  }
0xb3: {  	[sflag:s3] =	ssyncset.done $0x0  }
0xb4: {  	[sflag:s3] =	ssyncadd.s32 $0xFFFFFF80  }
0xb5: {  	[tilespmem:s13], [sflag:$0x1] =	stream.indirect.gather [hbm4b:s11+s13], $0x100, s2, s13, $0xb8;
	[tilespmem:$0xC4C0] =	vst v63  }
0xb6: {  	_ =	swait.ge [sflag:s7], $0x8000  }
0xb7: {  	[sflag:s7] =	ssyncset.done $0x0  }
0xb8: {  	[sflag:s7] =	ssyncadd.s32 $0xFFFF8000  }
0xb9: {  	[hbm4b:s20+s2] =	stream.linear.scatter [tilespmem:s13], [sflag:$0x2], $0x8000, $0x38;
	[tilespmem:$0xC4C0] =	vst v63  }
0xba: {  	_ =	swait.ge [sflag:s3], $0x8000  }
0xbb: {  	[sflag:s3] =	ssyncset.done $0x0  }
0xbc: {  	[sflag:s3] =	ssyncadd.s32 $0xFFFF8000  }
0xbd: {  	[tilespmem:s2], [sflag:$0x2] =	stream.linear.gather [hbm4b:s21+s2], $0x80, $0x38;
	[tilespmem:$0xC4C0] =	vst v63  }
0xbe: {  	_ =	swait.ge [sflag:s3], $0x80  }
0xbf: {  	[sflag:s3] =	ssyncset.done $0x0  }
0xc0: {  	[sflag:s3] =	ssyncadd.s32 $0xFFFFFF80  }
0xc1: {  	[tilespmem:s13], [sflag:$0x1] =	stream.indirect.gather [hbm4b:s11+s13], $0x100, s2, s13, $0xb8;
	[tilespmem:$0xC4C0] =	vst v63  }
0xc2: {  	_ =	swait.ge [sflag:s7], $0x8000  }
0xc3: {  	[sflag:s7] =	ssyncset.done $0x0  }
0xc4: {  	[sflag:s7] =	ssyncadd.s32 $0xFFFF8000  }
0xc5: {  	[hbm4b:s22+s2] =	stream.linear.scatter [tilespmem:s13], [sflag:$0x2], $0x8000, $0x38;
	[tilespmem:$0xC4C0] =	vst v63  }
0xc6: {  	_ =	swait.ge [sflag:s3], $0x8000  }
0xc7: {  	[sflag:s3] =	ssyncset.done $0x0  }
0xc8: {  	[sflag:s3] =	ssyncadd.s32 $0xFFFF8000  }
0xc9: {  	[tilespmem:s2], [sflag:$0x2] =	stream.linear.gather [hbm4b:s23+s2], $0x80, $0x38;
	[tilespmem:$0xC4C0] =	vst v63  }
0xca: {  	_ =	swait.ge [sflag:s3], $0x80  }
0xcb: {  	[sflag:s3] =	ssyncset.done $0x0  }
0xcc: {  	[sflag:s3] =	ssyncadd.s32 $0xFFFFFF80  }
0xcd: {  	[tilespmem:s13], [sflag:$0x1] =	stream.indirect.gather [hbm4b:s11+s13], $0x100, s2, s13, $0xb8;
	[tilespmem:$0xC4C0] =	vst v63  }
0xce: {  	_ =	swait.ge [sflag:s7], $0x8000  }
0xcf: {  	[sflag:s7] =	ssyncset.done $0x0  }
0xd0: {  	[sflag:s7] =	ssyncadd.s32 $0xFFFF8000  }
0xd1: {  	[hbm4b:s24+s2] =	stream.linear.scatter [tilespmem:s13], [sflag:$0x2], $0x8000, $0x38;
	[tilespmem:$0xC4C0] =	vst v63  }
0xd2: {  	_ =	swait.ge [sflag:s3], $0x8000  }
0xd3: {  	[sflag:s3] =	ssyncset.done $0x0  }
0xd4: {  	[sflag:s3] =	ssyncadd.s32 $0xFFFF8000  }
0xd5: {  	[tilespmem:s2], [sflag:$0x2] =	stream.linear.gather [hbm4b:s25+s2], $0x80, $0x38;
	[tilespmem:$0xC4C0] =	vst v63  }
0xd6: {  	_ =	swait.ge [sflag:s3], $0x80  }
0xd7: {  	[sflag:s3] =	ssyncset.done $0x0  }
0xd8: {  	[sflag:s3] =	ssyncadd.s32 $0xFFFFFF80  }
0xd9: {  	[tilespmem:s13], [sflag:$0x1] =	stream.indirect.gather [hbm4b:s11+s13], $0x100, s2, s13, $0xb8;
	[tilespmem:$0xC4C0] =	vst v63  }
0xda: {  	_ =	swait.ge [sflag:s7], $0x8000  }
0xdb: {  	[sflag:s7] =	ssyncset.done $0x0  }
0xdc: {  	[sflag:s7] =	ssyncadd.s32 $0xFFFF8000  }
0xdd: {  	[hbm4b:s26+s2] =	stream.linear.scatter [tilespmem:s13], [sflag:$0x2], $0x8000, $0x38;
	[tilespmem:$0xC4C0] =	vst v63  }
0xde: {  	_ =	swait.ge [sflag:s3], $0x8000  }
0xdf: {  	[sflag:s3] =	ssyncset.done $0x0  }
0xe0: {  	[sflag:s3] =	ssyncadd.s32 $0xFFFF8000  }
0xe1: {  	[tilespmem:s2], [sflag:$0x2] =	stream.linear.gather [hbm4b:s28+s2], $0x80, $0x38;
	[tilespmem:$0xC4C0] =	vst v63  }
0xe2: {  	_ =	swait.ge [sflag:s3], $0x80  }
0xe3: {  	[sflag:s3] =	ssyncset.done $0x0  }
0xe4: {  	[sflag:s3] =	ssyncadd.s32 $0xFFFFFF80  }
0xe5: {  	[tilespmem:s13], [sflag:$0x1] =	stream.indirect.gather [hbm4b:s11+s13], $0x100, s2, s13, $0xb8;
	[tilespmem:$0xC4C0] =	vst v63  }
0xe6: {  	_ =	swait.ge [sflag:s7], $0x8000  }
0xe7: {  	[sflag:s7] =	ssyncset.done $0x0  }
0xe8: {  	[sflag:s7] =	ssyncadd.s32 $0xFFFF8000  }
0xe9: {  	[hbm4b:s29+s2] =	stream.linear.scatter [tilespmem:s13], [sflag:$0x2], $0x8000, $0x38;
	[tilespmem:$0xC4C0] =	vst v63  }
0xea: {  	_ =	swait.ge [sflag:s3], $0x8000  }
0xeb: {  	[sflag:s3] =	ssyncset.done $0x0  }
0xec: {  	[sflag:s3] =	ssyncadd.s32 $0xFFFF8000  }
0xed: {  	[tilespmem:s2], [sflag:$0x2] =	stream.linear.gather [hbm4b:s30+s2], $0x80, $0x38;
	[tilespmem:$0xC4C0] =	vst v63  }
0xee: {  	_ =	swait.ge [sflag:s3], $0x80  }
0xef: {  	[sflag:s3] =	ssyncset.done $0x0  }
0xf0: {  	p0 =	sne.s32 s1, $0x1;
	[sflag:s3] =	ssyncadd.s32 $0xFFFFFF80  }
0xf1: {  	[tilespmem:s13], [sflag:$0x1] =	stream.indirect.gather [hbm4b:s11+s13], $0x100, s2, s13, $0xb8;
	[tilespmem:$0xC4C0] =	vst v63  }
.Ltmp1:
0xf2: {  	_ =	swait.ge [sflag:s7], $0x8000;
	(pc) =	sbr.rel @p0 .LBB2_1-.Ltmp1, $4  }
0xf3: {  	[sflag:s7] =	ssyncset.done $0x0  }
0xf4: {  	[sflag:s7] =	ssyncadd.s32 $0xFFFF8000  }
0xf5: {  	[hbm4b:s31+s2] =	stream.linear.scatter [tilespmem:s13], [sflag:$0x2], $0x8000, $0x38;
	[tilespmem:$0xC4C0] =	vst v63  }
0xf6: {  	s1 =	sadd.s32 $0xFFFFFFFF, s1;
	_ =	swait.ge [sflag:s3], $0x8000  }
.LBB2_2:
0xf7: {  	[sflag:s3] =	ssyncset.done $0x0  }
0xf8: {  	[sflag:s3] =	ssyncadd.s32 $0xFFFF8000  }
0xf9: {  	_ =	sfence.sel $0x180000  }
0xfa: {  	[bflag:$0x0] =	sbarrier.arrive $0xFFFF  }
0xfb: {  	_ =	strace $0x9000004A  }
0xfc: {  	s0 =	stileid.u32;
	[bflag:$0x2] =	sbarrier.arrive $0xFFFF  }
0xfd: {  	p0 =	sne.s32 s0, $0x0;
	s0 =	rddreg [dreg:$0x2]  }
0xfe: {  	s0 =	sadd.s32 @!p0 $0x100000, s0  }
0xff: {  	[sflag:s0] =	ssyncadd.tile.s32 @!p0 $0x1;
	_ =	shalt  }
.Lfunc_end2:
_tile_overlayer_lowered:
.L_overlay_start_2:
0x100: {  	(tag) =	ssettag $0x2  }
0x101: {  	s0 =	rddreg [dreg:$0x0];
	s2 =	stileid.u32  }
0x102: {  	s1 =	rddreg [dreg:$0x1];
	p0 =	sne.s32 s2, $0x0  }
0x103: {  	s3 =	rddreg [dreg:$0x2];
	[bflag:$0x3] =	sbarrier.arrive $0xFFFF;
	s2 =	simm.s32 @!p0 $0x1C02  }
0x104: {  	[timem:s3], [sflag:s2] =	dma.local @!p0 [hbm:s0], s1  }
0x105: {  	s0 =	simm.s32 @!p0 $0x2  }
0x106: {  	_ =	swait.ge @!p0 [sflag:s0], s1  }
0x107: {  	s1 =	ssub.s32 @!p0 $0x0, s1;
	[sflag:s0] =	ssyncset.done @!p0 $0x0  }
0x108: {  	[sflag:s0] =	ssyncadd.s32 @!p0 s1  }
0x109: {  	[bflag:$0x3] =	sbarrier.arrive $0xFFFF  }
0x10a: {  	_ =	shalt  }

</sc_bundles>
